<compile_context>
chip_gen: v7x
topology: tpu7x:2x2x1
jax: 0.10.2.dev20260603
libtpu: 0.0.44.dev20260713+nightly
codegen_flags: <defaults>
</compile_context>

<pallas_src>
import functools

import jax
import jax.numpy as jnp
from jax import lax
from jax.experimental import pallas as pl
from jax.experimental.pallas import tpu as pltpu
from jax.experimental.pallas import tpu_sc as plsc

C, G, D = 32, 2048, 256
GENE_V = 60000
_NC, _NS = 2, 16
_NW = _NC * _NS
_CH = 128


def _silu(x):
    return x * jax.nn.sigmoid(x)


def _sc_gather(gene_table, gene_idx, cond_table, cond_idx):
    B = gene_idx.shape[0]
    CB = cond_idx.shape[0]
    rows_w = B // _NW
    nch = rows_w // _CH

    mesh = plsc.VectorSubcoreMesh(core_axis_name="c", subcore_axis_name="s")

    @functools.partial(
        pl.kernel,
        out_type=(
            jax.ShapeDtypeStruct((B, D), jnp.float32),
            jax.ShapeDtypeStruct((CB, D), jnp.float32),
        ),
        mesh=mesh,
        scratch_types=[
            pltpu.VMEM((rows_w,), jnp.int32),
            pltpu.VMEM((_CH, D), jnp.float32),
            pltpu.VMEM((_CH, D), jnp.float32),
            pltpu.VMEM((CB,), jnp.int32),
            pltpu.VMEM((CB, D), jnp.float32),
            pltpu.SemaphoreType.DMA,
            pltpu.SemaphoreType.DMA,
            pltpu.SemaphoreType.DMA,
            pltpu.SemaphoreType.DMA,
            pltpu.SemaphoreType.DMA,
        ],
    )
    def gather_k(table_h, idx_h, ctab_h, cidx_h, out_h, cout_h,
                 idx_v, rows_a, rows_b, cidx_v, crows_v,
                 gsem_a, gsem_b, ssem_a, ssem_b, csem):
        wid = lax.axis_index("s") * _NC + lax.axis_index("c")
        base = wid * rows_w
        pltpu.sync_copy(idx_h.at[pl.ds(base, rows_w)], idx_v)

        bufs = (rows_a, rows_b)
        gsems = (gsem_a, gsem_b)
        ssems = (ssem_a, ssem_b)
        gcp = [None, None]
        scp = [None, None]
        for k in range(2):
            gcp[k] = pltpu.async_copy(
                table_h.at[idx_v.at[pl.ds(k * _CH, _CH)]], bufs[k], gsems[k])
        for k in range(nch):
            b = k % 2
            gcp[b].wait()
            scp[b] = pltpu.async_copy(
                bufs[b], out_h.at[pl.ds(base + k * _CH, _CH)], ssems[b])
            if k + 2 < nch:
                scp[b].wait()
                gcp[b] = pltpu.async_copy(
                    table_h.at[idx_v.at[pl.ds((k + 2) * _CH, _CH)]],
                    bufs[b], gsems[b])
        scp[0].wait()
        scp[1].wait()

        @pl.when(wid == 0)
        def _():
            pltpu.sync_copy(cidx_h, cidx_v)
            pltpu.async_copy(ctab_h.at[cidx_v], crows_v, csem).wait()
            pltpu.sync_copy(crows_v, cout_h)

    return gather_k(gene_table, gene_idx, cond_table, cond_idx)


def _cell_body(gene_ref, ev_ref, tf_ref, validt_ref, ce_ref,
               W1cat_ref, b1cat_ref, eW2_ref, eb2_ref, eW3_ref, eb3_ref,
               mW2_ref, mb2_ref,
               tf_tab_ref, zero_ref,
               ctxW1_ref, ctxb1_ref, ctxW2_ref, ctxb2_ref,
               pW1_ref, pb1_ref, pW2_ref, pb2_ref,
               xW1_ref, xb1_ref, xW2_ref, xb2_ref,
               prefix_type_ref, rms_ref, pos_ref, out_ref):
    f32 = jnp.float32
    bf16 = jnp.bfloat16
    NB = gene_ref.shape[0]
    R = NB * G
    v = ev_ref[...].reshape(R, 1)
    s = _silu(v * W1cat_ref[...] + b1cat_ref[...])
    h = s[:, :D]
    m = s[:, D:]
    h = _silu(jnp.dot(h.astype(bf16), eW2_ref[...],
                      preferred_element_type=f32) + eb2_ref[...])
    expr = jnp.dot(h.astype(bf16), eW3_ref[...],
                   preferred_element_type=f32) + eb3_ref[...]
    expr = jnp.where(v == 0.0, zero_ref[...], expr)
    mod = jnp.dot(m.astype(bf16), mW2_ref[...],
                  preferred_element_type=f32) + mb2_ref[...]
    scale = jax.nn.sigmoid(mod[:, :D])
    shift = mod[:, D:]
    t0 = tf_tab_ref[0:1, :]
    t1 = tf_tab_ref[1:2, :]
    tf_emb = t0 + tf_ref[...].reshape(R, 1) * (t1 - t0)
    tokens = (gene_ref[...].reshape(R, D) + expr + tf_emb) * scale + shift
    vmat = validt_ref[0]
    pooled = jnp.dot(vmat, tokens, preferred_element_type=f32) / jnp.maximum(
        jnp.sum(vmat, axis=1, keepdims=True), 1.0)
    ctx = jnp.dot(_silu(jnp.dot(pooled, ctxW1_ref[...],
                                preferred_element_type=f32) + ctxb1_ref[...]),
                  ctxW2_ref[...], preferred_element_type=f32) + ctxb2_ref[...]
    ce = ce_ref[0]
    ptok = jnp.dot(_silu(jnp.dot(ce, pW1_ref[...],
                                 preferred_element_type=f32) + pb1_ref[...]),
                   pW2_ref[...], preferred_element_type=f32) + pb2_ref[...]
    cbias = jnp.dot(_silu(jnp.dot(ce, xW1_ref[...],
                                  preferred_element_type=f32) + xb1_ref[...]),
                    xW2_ref[...], preferred_element_type=f32) + xb2_ref[...]
    prefix_rows = ptok + ctx + prefix_type_ref[...] + pos_ref[0:1, :]

    def normf(x):
        return x * lax.rsqrt(
            jnp.mean(x * x, axis=-1, keepdims=True) + 1e-6) * rms_ref[...]

    pn = normf(prefix_rows)
    for b in range(NB):
        genes_b = (tokens[b * G:(b + 1) * G] + cbias[b:b + 1]
                   + pos_ref[1:, :])
        out_ref[b, 0:1] = pn[b:b + 1]
        out_ref[b, 1:] = normf(genes_b)


def kernel(expression_values, gene_table, zero_embedding, eW1, eb1, eW2, eb2,
           eW3, eb3, mW1, mb1, mW2, mb2, cond_table, pW1, pb1, pW2, pb2,
           xW1, xb1, xW2, xb2, ctxW1, ctxb1, ctxW2, ctxb2, tf_table,
           pos_table, prefix_type, gene_type, rms_w, input_ids,
           condition_ids, padding_mask, non_tf_mask):
    gene_idx = input_ids.reshape(-1).astype(jnp.int32)
    cond_idx = condition_ids.reshape(-1).astype(jnp.int32)
    gathered, ce_rows = _sc_gather(gene_table, gene_idx, cond_table, cond_idx)
    NB = 2
    gathered = gathered.reshape(C, G, D)
    ce3 = ce_rows.reshape(C // NB, NB, 4 * D)

    ev3 = expression_values.reshape(C, G, 1)
    tf3 = non_tf_mask.astype(jnp.float32).reshape(C, G, 1)
    valid = (~padding_mask).astype(jnp.float32).reshape(C // NB, NB, G)
    eye = jnp.eye(NB, dtype=jnp.float32)[None, :, :, None]
    validt = (eye * valid[:, None, :, :]).reshape(C // NB, NB, NB * G)
    pos = pos_table[: G + 1]

    row = lambda b: b.reshape(1, -1)
    bf = lambda w: w.astype(jnp.bfloat16)
    W1cat = jnp.concatenate([eW1, mW1], axis=1)
    b1cat = jnp.concatenate([eb1, mb1]).reshape(1, -1)
    tf_tab_adj = tf_table + gene_type.reshape(1, D)
    weights = (W1cat, b1cat, bf(eW2), row(eb2), bf(eW3), row(eb3),
               bf(mW2), row(mb2),
               tf_tab_adj, row(zero_embedding),
               ctxW1, row(ctxb1), ctxW2, row(ctxb2),
               pW1, row(pb1), pW2, row(pb2),
               xW1, row(xb1), xW2, row(xb2),
               prefix_type.reshape(1, D), row(rms_w), pos)

    full_spec = lambda a: pl.BlockSpec(a.shape, lambda c: (0,) * a.ndim)
    in_specs = [
        pl.BlockSpec((NB, G, D), lambda c: (c, 0, 0)),
        pl.BlockSpec((NB, G, 1), lambda c: (c, 0, 0)),
        pl.BlockSpec((NB, G, 1), lambda c: (c, 0, 0)),
        pl.BlockSpec((1, NB, NB * G), lambda c: (c, 0, 0)),
        pl.BlockSpec((1, NB, 4 * D), lambda c: (c, 0, 0)),
    ] + [full_spec(w) for w in weights]

    out = pl.pallas_call(
        _cell_body,
        grid=(C // NB,),
        in_specs=in_specs,
        out_specs=pl.BlockSpec((NB, G + 1, D), lambda c: (c, 0, 0)),
        out_shape=jax.ShapeDtypeStruct((C, G + 1, D), jnp.float32),
        compiler_params=pltpu.CompilerParams(
            dimension_semantics=("parallel",)),
    )(gathered, ev3, tf3, validt, ce3, *weights)
    return out

# --- scband reference (transcript-rebuilt; emitter-appended) ---
"""Pipeline reference for scband-sc-embedding-87333864997378 (READ-ONLY COPY).

The authoritative reference and input builder live on the scoring server;
editing this copy changes nothing except your own understanding.
"""

import jax, jax.numpy as jnp
import numpy as np

C, G, D = 32, 2048, 256
GENE_VOCAB, COND_VOCAB, POS_MAX = 60000, 4096, 8192


def _silu(x):
    return x * jax.nn.sigmoid(x)


def _forward(expression_values, gene_table, zero_embedding, eW1, eb1, eW2, eb2, eW3, eb3,
             mW1, mb1, mW2, mb2, cond_table, pW1, pb1, pW2, pb2, xW1, xb1, xW2, xb2,
             ctxW1, ctxb1, ctxW2, ctxb2, tf_table, pos_table, prefix_type, gene_type, rms_w,
             input_ids, condition_ids, padding_mask, non_tf_mask):
    Cn, Gn = input_ids.shape
    # gene token embedding lookup (SparseCore gather)
    gene_emb = jnp.take(gene_table, input_ids, axis=0)
    # continuous expression value embedding (value_scale = 1.0)
    v = expression_values[..., None].astype(jnp.float32)
    h = _silu(v @ eW1 + eb1)
    h = _silu(h @ eW2 + eb2)
    expr_emb = h @ eW3 + eb3
    expr_emb = jnp.where((expression_values == 0)[..., None], zero_embedding.astype(expr_emb.dtype), expr_emb)
    # expression feature modulator -> scale/shift
    mod = _silu(v @ mW1 + mb1) @ mW2 + mb2
    scale, shift = jnp.split(mod, 2, axis=-1)
    scale = jax.nn.sigmoid(scale)
    # TF-type embedding lookup
    tf_emb = jnp.take(tf_table, non_tf_mask.astype(jnp.int32), axis=0)
    tokens = (gene_emb + expr_emb + tf_emb + gene_type[0]) * scale + shift
    # cell context pooling
    valid = (~padding_mask)[..., None].astype(tokens.dtype)
    pooled = (tokens * valid).sum(axis=1) / jnp.maximum(valid.sum(axis=1), 1.0)
    ctx = _silu(pooled @ ctxW1 + ctxb1) @ ctxW2 + ctxb2
    # condition encoder (4 condition tokens)
    ce = jnp.take(cond_table, condition_ids, axis=0).reshape(Cn, -1)
    prefix_tok = _silu(ce @ pW1 + pb1) @ pW2 + pb2
    ctx_bias = _silu(ce @ xW1 + xb1) @ xW2 + xb2
    prefix = (prefix_tok + ctx)[:, None, :] + prefix_type
    genes = tokens + ctx_bias[:, None, :]
    emb = jnp.concatenate([prefix, genes], axis=1)
    emb = emb + pos_table[: Gn + 1][None]
    # RMSNorm (dropout = identity in eval)
    emb = emb * jax.lax.rsqrt(jnp.mean(emb * emb, axis=-1, keepdims=True) + 1e-6) * rms_w
    return emb


def setup_inputs(seed=0):
    key = jax.random.key(seed)
    ks = jax.random.split(key, 40)

    def nrm(i, shape, s=0.02):
        return s * jax.random.normal(ks[i], shape, dtype=jnp.float32)

    input_ids = jax.random.randint(ks[0], (C, G), 0, GENE_VOCAB)
    ev = jax.random.uniform(ks[1], (C, G), dtype=jnp.float32) * 8.0
    expression_values = jnp.where(jax.random.uniform(ks[2], (C, G)) < 0.3, 0.0, ev)
    condition_ids = jax.random.randint(ks[3], (C, 4), 0, COND_VOCAB)
    padding_mask = jnp.zeros((C, G), dtype=bool)
    non_tf_mask = jax.random.randint(ks[4], (C, G), 0, 2).astype(bool)
    gene_table = nrm(5, (GENE_VOCAB, D)).at[0].set(0.0)  # padding_idx = 0
    return {
        'expression_values': expression_values,
        'gene_table': gene_table,
        'zero_embedding': jnp.zeros((D,), jnp.float32),
        'eW1': nrm(6, (1, 256)), 'eb1': jnp.zeros((256,)),
        'eW2': nrm(7, (256, 256)), 'eb2': jnp.zeros((256,)),
        'eW3': nrm(8, (256, D)), 'eb3': jnp.zeros((D,)),
        'mW1': nrm(9, (1, 256)), 'mb1': jnp.zeros((256,)),
        'mW2': nrm(10, (256, 2 * D)), 'mb2': jnp.zeros((2 * D,)),
        'cond_table': nrm(11, (COND_VOCAB, D)),
        'pW1': nrm(12, (4 * D, 2 * D)), 'pb1': jnp.zeros((2 * D,)),
        'pW2': nrm(13, (2 * D, D)), 'pb2': jnp.zeros((D,)),
        'xW1': nrm(14, (4 * D, 2 * D)), 'xb1': jnp.zeros((2 * D,)),
        'xW2': nrm(15, (2 * D, D)), 'xb2': jnp.zeros((D,)),
        'ctxW1': nrm(16, (D, 256)), 'ctxb1': jnp.zeros((256,)),
        'ctxW2': nrm(17, (256, D)), 'ctxb2': jnp.zeros((D,)),
        'tf_table': nrm(18, (2, D)),
        'pos_table': nrm(19, (POS_MAX, D)),
        'prefix_type': jnp.zeros((1, 1, D)),
        'gene_type': jnp.zeros((1, 1, D)),
        'rms_w': jnp.ones((D,)),
        'input_ids': input_ids,
        'condition_ids': condition_ids,
        'padding_mask': padding_mask,
        'non_tf_mask': non_tf_mask,
    }


def reference(expression_values, gene_table, zero_embedding, eW1, eb1, eW2, eb2, eW3, eb3,
              mW1, mb1, mW2, mb2, cond_table, pW1, pb1, pW2, pb2, xW1, xb1, xW2, xb2,
              ctxW1, ctxb1, ctxW2, ctxb2, tf_table, pos_table, prefix_type, gene_type, rms_w,
              input_ids, condition_ids, padding_mask, non_tf_mask):
    return _forward(expression_values, gene_table, zero_embedding, eW1, eb1, eW2, eb2, eW3, eb3,
                    mW1, mb1, mW2, mb2, cond_table, pW1, pb1, pW2, pb2, xW1, xb1, xW2, xb2,
                    ctxW1, ctxb1, ctxW2, ctxb2, tf_table, pos_table, prefix_type, gene_type, rms_w,
                    input_ids, condition_ids, padding_mask, non_tf_mask)

if __name__ == "__main__":
    import jax
    _d = setup_inputs()
    print(jax.jit(kernel)(*tuple(_d.values())))

</pallas_src>

<mosaic_0001>
#map = affine_map<(d0, d1) -> (0, 0)>
#map1 = affine_map<(d0, d1) -> (0)>
module attributes {stable_mosaic.version = 14 : i64} {
  func.func @gather_k(%arg0: i32, %arg1: i32, %arg2: memref<60000x256xf32, #tpu.memory_space<hbm>>, %arg3: memref<65536xi32, #tpu.memory_space<hbm>>, %arg4: memref<4096x256xf32, #tpu.memory_space<hbm>>, %arg5: memref<128xi32, #tpu.memory_space<hbm>>, %arg6: memref<65536x256xf32, #tpu.memory_space<hbm>>, %arg7: memref<128x256xf32, #tpu.memory_space<hbm>>, %arg8: memref<2048xi32, #tpu.memory_space<vmem>>, %arg9: memref<128x256xf32, #tpu.memory_space<vmem>>, %arg10: memref<128x256xf32, #tpu.memory_space<vmem>>, %arg11: memref<128xi32, #tpu.memory_space<vmem>>, %arg12: memref<128x256xf32, #tpu.memory_space<vmem>>, %arg13: memref<!tpu.dma_semaphore, #tpu.memory_space<semaphore_mem>>, %arg14: memref<!tpu.dma_semaphore, #tpu.memory_space<semaphore_mem>>, %arg15: memref<!tpu.dma_semaphore, #tpu.memory_space<semaphore_mem>>, %arg16: memref<!tpu.dma_semaphore, #tpu.memory_space<semaphore_mem>>, %arg17: memref<!tpu.dma_semaphore, #tpu.memory_space<semaphore_mem>>) attributes {dimension_semantics = [#tpu.dimension_semantics<core_parallel>, #tpu.dimension_semantics<subcore_parallel>], iteration_bounds = array<i64: 2, 16>, scalar_prefetch = 0 : i64, scratch_operands = 10 : i64, tpu.core_type = #tpu.core_type<sc_vector_subcore>, window_params = [{transform_indices = #map}, {transform_indices = #map1}, {transform_indices = #map}, {transform_indices = #map1}, {transform_indices = #map}, {transform_indices = #map}]} {
    %mul3A = arith.constant 2 : i32
    %mul3A_0 = arith.muli %arg1, %mul3A : i32
    %add3A = arith.addi %mul3A_0, %arg0 : i32
    %mul3A_1 = arith.constant 2048 : i32
    %mul3A_2 = arith.muli %add3A, %mul3A_1 : i32
    "tpu.region"() ({
      %run_scoped3A = tpu.sem_alloc : memref<!tpu.dma_semaphore, #tpu.memory_space<semaphore_mem>>
      %dma_start3A_323 = tpu.memref_slice %arg3[%mul3A_2] : memref<65536xi32, #tpu.memory_space<hbm>> -> memref<2048xi32, #tpu.memory_space<hbm>>
      %dma_start3A_324 = tpu.memref_slice %arg3[%mul3A_2] : memref<65536xi32, #tpu.memory_space<hbm>> -> memref<2048xi32, #tpu.memory_space<hbm>>
      tpu.enqueue_dma source(%dma_start3A_324 : memref<2048xi32, #tpu.memory_space<hbm>>) target(%arg8 : memref<2048xi32, #tpu.memory_space<vmem>>) target_semaphore(%run_scoped3A : memref<!tpu.dma_semaphore, #tpu.memory_space<semaphore_mem>>)
      %dma_wait3A_325 = tpu.memref_slice %arg3[%mul3A_2] : memref<65536xi32, #tpu.memory_space<hbm>> -> memref<2048xi32, #tpu.memory_space<hbm>>
      %dma_wait3A_326 = tpu.memref_slice %arg3[%mul3A_2] : memref<65536xi32, #tpu.memory_space<hbm>> -> memref<2048xi32, #tpu.memory_space<hbm>>
      tpu.wait_dma2 semaphore(%run_scoped3A : memref<!tpu.dma_semaphore, #tpu.memory_space<semaphore_mem>>) src(%dma_wait3A_326 : memref<2048xi32, #tpu.memory_space<hbm>>) dst(%arg8 : memref<2048xi32, #tpu.memory_space<vmem>>)
      tpu.yield
    }) : () -> ()
    %dma_start3A = arith.constant 0 : i32
    %dma_start3A_3 = tpu.memref_slice %arg8[%dma_start3A] : memref<2048xi32, #tpu.memory_space<vmem>> -> memref<128xi32, #tpu.memory_space<vmem>>
    %dma_start3A_4 = arith.constant 0 : i32
    %dma_start3A_5 = arith.constant 0 : i32
    %dma_start3A_6 = tpu.memref_slice %arg2[%dma_start3A_4, %dma_start3A_5] : memref<60000x256xf32, #tpu.memory_space<hbm>> -> memref<60000x256xf32, #tpu.memory_space<hbm>>
    tpu.enqueue_indirect_dma source(%dma_start3A_6 : memref<60000x256xf32, #tpu.memory_space<hbm>>) target(%arg9 : memref<128x256xf32, #tpu.memory_space<vmem>>) offsets(%dma_start3A_3 : memref<128xi32, #tpu.memory_space<vmem>>) semaphore(%arg13 : memref<!tpu.dma_semaphore, #tpu.memory_space<semaphore_mem>>)
    %dma_start3A_7 = arith.constant 128 : i32
    %dma_start3A_8 = tpu.memref_slice %arg8[%dma_start3A_7] : memref<2048xi32, #tpu.memory_space<vmem>> -> memref<128xi32, #tpu.memory_space<vmem>>
    %dma_start3A_9 = arith.constant 0 : i32
    %dma_start3A_10 = arith.constant 0 : i32
    %dma_start3A_11 = tpu.memref_slice %arg2[%dma_start3A_9, %dma_start3A_10] : memref<60000x256xf32, #tpu.memory_space<hbm>> -> memref<60000x256xf32, #tpu.memory_space<hbm>>
    tpu.enqueue_indirect_dma source(%dma_start3A_11 : memref<60000x256xf32, #tpu.memory_space<hbm>>) target(%arg10 : memref<128x256xf32, #tpu.memory_space<vmem>>) offsets(%dma_start3A_8 : memref<128xi32, #tpu.memory_space<vmem>>) semaphore(%arg14 : memref<!tpu.dma_semaphore, #tpu.memory_space<semaphore_mem>>)
    %dma_wait3A = arith.constant 0 : i32
    %dma_wait3A_12 = tpu.memref_slice %arg8[%dma_wait3A] : memref<2048xi32, #tpu.memory_space<vmem>> -> memref<128xi32, #tpu.memory_space<vmem>>
    %dma_wait3A_13 = arith.constant 0 : i32
    %dma_wait3A_14 = arith.constant 0 : i32
    %dma_wait3A_15 = tpu.memref_slice %arg2[%dma_wait3A_13, %dma_wait3A_14] : memref<60000x256xf32, #tpu.memory_space<hbm>> -> memref<60000x256xf32, #tpu.memory_space<hbm>>
    tpu.wait_indirect_dma semaphore(%arg13 : memref<!tpu.dma_semaphore, #tpu.memory_space<semaphore_mem>>) src(%dma_wait3A_15 : memref<60000x256xf32, #tpu.memory_space<hbm>>) dst(%arg9 : memref<128x256xf32, #tpu.memory_space<vmem>>)
    %add3A_16 = arith.constant 0 : i32
    %add3A_17 = arith.addi %mul3A_2, %add3A_16 : i32
    %dma_start3A_18 = arith.constant 0 : i32
    %dma_start3A_19 = tpu.memref_slice %arg6[%add3A_17, %dma_start3A_18] : memref<65536x256xf32, #tpu.memory_space<hbm>> -> memref<128x256xf32, #tpu.memory_space<hbm>>
    %dma_start3A_20 = arith.constant 0 : i32
    %dma_start3A_21 = tpu.memref_slice %arg6[%add3A_17, %dma_start3A_20] : memref<65536x256xf32, #tpu.memory_space<hbm>> -> memref<128x256xf32, #tpu.memory_space<hbm>>
    tpu.enqueue_dma source(%arg9 : memref<128x256xf32, #tpu.memory_space<vmem>>) target(%dma_start3A_21 : memref<128x256xf32, #tpu.memory_space<hbm>>) target_semaphore(%arg15 : memref<!tpu.dma_semaphore, #tpu.memory_space<semaphore_mem>>)
    %dma_wait3A_22 = arith.constant 0 : i32
    %dma_wait3A_23 = tpu.memref_slice %arg6[%add3A_17, %dma_wait3A_22] : memref<65536x256xf32, #tpu.memory_space<hbm>> -> memref<128x256xf32, #tpu.memory_space<hbm>>
    %dma_wait3A_24 = arith.constant 0 : i32
    %dma_wait3A_25 = tpu.memref_slice %arg6[%add3A_17, %dma_wait3A_24] : memref<65536x256xf32, #tpu.memory_space<hbm>> -> memref<128x256xf32, #tpu.memory_space<hbm>>
    tpu.wait_dma2 semaphore(%arg15 : memref<!tpu.dma_semaphore, #tpu.memory_space<semaphore_mem>>) src(%arg9 : memref<128x256xf32, #tpu.memory_space<vmem>>) dst(%dma_wait3A_25 : memref<128x256xf32, #tpu.memory_space<hbm>>)
    %dma_start3A_26 = arith.constant 256 : i32
    %dma_start3A_27 = tpu.memref_slice %arg8[%dma_start3A_26] : memref<2048xi32, #tpu.memory_space<vmem>> -> memref<128xi32, #tpu.memory_space<vmem>>
    %dma_start3A_28 = arith.constant 0 : i32
    %dma_start3A_29 = arith.constant 0 : i32
    %dma_start3A_30 = tpu.memref_slice %arg2[%dma_start3A_28, %dma_start3A_29] : memref<60000x256xf32, #tpu.memory_space<hbm>> -> memref<60000x256xf32, #tpu.memory_space<hbm>>
    tpu.enqueue_indirect_dma source(%dma_start3A_30 : memref<60000x256xf32, #tpu.memory_space<hbm>>) target(%arg9 : memref<128x256xf32, #tpu.memory_space<vmem>>) offsets(%dma_start3A_27 : memref<128xi32, #tpu.memory_space<vmem>>) semaphore(%arg13 : memref<!tpu.dma_semaphore, #tpu.memory_space<semaphore_mem>>)
    %dma_wait3A_31 = arith.constant 128 : i32
    %dma_wait3A_32 = tpu.memref_slice %arg8[%dma_wait3A_31] : memref<2048xi32, #tpu.memory_space<vmem>> -> memref<128xi32, #tpu.memory_space<vmem>>
    %dma_wait3A_33 = arith.constant 0 : i32
    %dma_wait3A_34 = arith.constant 0 : i32
    %dma_wait3A_35 = tpu.memref_slice %arg2[%dma_wait3A_33, %dma_wait3A_34] : memref<60000x256xf32, #tpu.memory_space<hbm>> -> memref<60000x256xf32, #tpu.memory_space<hbm>>
    tpu.wait_indirect_dma semaphore(%arg14 : memref<!tpu.dma_semaphore, #tpu.memory_space<semaphore_mem>>) src(%dma_wait3A_35 : memref<60000x256xf32, #tpu.memory_space<hbm>>) dst(%arg10 : memref<128x256xf32, #tpu.memory_space<vmem>>)
    %add3A_36 = arith.constant 128 : i32
    %add3A_37 = arith.addi %mul3A_2, %add3A_36 : i32
    %dma_start3A_38 = arith.constant 0 : i32
    %dma_start3A_39 = tpu.memref_slice %arg6[%add3A_37, %dma_start3A_38] : memref<65536x256xf32, #tpu.memory_space<hbm>> -> memref<128x256xf32, #tpu.memory_space<hbm>>
    %dma_start3A_40 = arith.constant 0 : i32
    %dma_start3A_41 = tpu.memref_slice %arg6[%add3A_37, %dma_start3A_40] : memref<65536x256xf32, #tpu.memory_space<hbm>> -> memref<128x256xf32, #tpu.memory_space<hbm>>
    tpu.enqueue_dma source(%arg10 : memref<128x256xf32, #tpu.memory_space<vmem>>) target(%dma_start3A_41 : memref<128x256xf32, #tpu.memory_space<hbm>>) target_semaphore(%arg16 : memref<!tpu.dma_semaphore, #tpu.memory_space<semaphore_mem>>)
    %dma_wait3A_42 = arith.constant 0 : i32
    %dma_wait3A_43 = tpu.memref_slice %arg6[%add3A_37, %dma_wait3A_42] : memref<65536x256xf32, #tpu.memory_space<hbm>> -> memref<128x256xf32, #tpu.memory_space<hbm>>
    %dma_wait3A_44 = arith.constant 0 : i32
    %dma_wait3A_45 = tpu.memref_slice %arg6[%add3A_37, %dma_wait3A_44] : memref<65536x256xf32, #tpu.memory_space<hbm>> -> memref<128x256xf32, #tpu.memory_space<hbm>>
    tpu.wait_dma2 semaphore(%arg16 : memref<!tpu.dma_semaphore, #tpu.memory_space<semaphore_mem>>) src(%arg10 : memref<128x256xf32, #tpu.memory_space<vmem>>) dst(%dma_wait3A_45 : memref<128x256xf32, #tpu.memory_space<hbm>>)
    %dma_start3A_46 = arith.constant 384 : i32
    %dma_start3A_47 = tpu.memref_slice %arg8[%dma_start3A_46] : memref<2048xi32, #tpu.memory_space<vmem>> -> memref<128xi32, #tpu.memory_space<vmem>>
    %dma_start3A_48 = arith.constant 0 : i32
    %dma_start3A_49 = arith.constant 0 : i32
    %dma_start3A_50 = tpu.memref_slice %arg2[%dma_start3A_48, %dma_start3A_49] : memref<60000x256xf32, #tpu.memory_space<hbm>> -> memref<60000x256xf32, #tpu.memory_space<hbm>>
    tpu.enqueue_indirect_dma source(%dma_start3A_50 : memref<60000x256xf32, #tpu.memory_space<hbm>>) target(%arg10 : memref<128x256xf32, #tpu.memory_space<vmem>>) offsets(%dma_start3A_47 : memref<128xi32, #tpu.memory_space<vmem>>) semaphore(%arg14 : memref<!tpu.dma_semaphore, #tpu.memory_space<semaphore_mem>>)
    %dma_wait3A_51 = arith.constant 256 : i32
    %dma_wait3A_52 = tpu.memref_slice %arg8[%dma_wait3A_51] : memref<2048xi32, #tpu.memory_space<vmem>> -> memref<128xi32, #tpu.memory_space<vmem>>
    %dma_wait3A_53 = arith.constant 0 : i32
    %dma_wait3A_54 = arith.constant 0 : i32
    %dma_wait3A_55 = tpu.memref_slice %arg2[%dma_wait3A_53, %dma_wait3A_54] : memref<60000x256xf32, #tpu.memory_space<hbm>> -> memref<60000x256xf32, #tpu.memory_space<hbm>>
    tpu.wait_indirect_dma semaphore(%arg13 : memref<!tpu.dma_semaphore, #tpu.memory_space<semaphore_mem>>) src(%dma_wait3A_55 : memref<60000x256xf32, #tpu.memory_space<hbm>>) dst(%arg9 : memref<128x256xf32, #tpu.memory_space<vmem>>)
    %add3A_56 = arith.constant 256 : i32
    %add3A_57 = arith.addi %mul3A_2, %add3A_56 : i32
    %dma_start3A_58 = arith.constant 0 : i32
    %dma_start3A_59 = tpu.memref_slice %arg6[%add3A_57, %dma_start3A_58] : memref<65536x256xf32, #tpu.memory_space<hbm>> -> memref<128x256xf32, #tpu.memory_space<hbm>>
    %dma_start3A_60 = arith.constant 0 : i32
    %dma_start3A_61 = tpu.memref_slice %arg6[%add3A_57, %dma_start3A_60] : memref<65536x256xf32, #tpu.memory_space<hbm>> -> memref<128x256xf32, #tpu.memory_space<hbm>>
    tpu.enqueue_dma source(%arg9 : memref<128x256xf32, #tpu.memory_space<vmem>>) target(%dma_start3A_61 : memref<128x256xf32, #tpu.memory_space<hbm>>) target_semaphore(%arg15 : memref<!tpu.dma_semaphore, #tpu.memory_space<semaphore_mem>>)
    %dma_wait3A_62 = arith.constant 0 : i32
    %dma_wait3A_63 = tpu.memref_slice %arg6[%add3A_57, %dma_wait3A_62] : memref<65536x256xf32, #tpu.memory_space<hbm>> -> memref<128x256xf32, #tpu.memory_space<hbm>>
    %dma_wait3A_64 = arith.constant 0 : i32
    %dma_wait3A_65 = tpu.memref_slice %arg6[%add3A_57, %dma_wait3A_64] : memref<65536x256xf32, #tpu.memory_space<hbm>> -> memref<128x256xf32, #tpu.memory_space<hbm>>
    tpu.wait_dma2 semaphore(%arg15 : memref<!tpu.dma_semaphore, #tpu.memory_space<semaphore_mem>>) src(%arg9 : memref<128x256xf32, #tpu.memory_space<vmem>>) dst(%dma_wait3A_65 : memref<128x256xf32, #tpu.memory_space<hbm>>)
    %dma_start3A_66 = arith.constant 512 : i32
    %dma_start3A_67 = tpu.memref_slice %arg8[%dma_start3A_66] : memref<2048xi32, #tpu.memory_space<vmem>> -> memref<128xi32, #tpu.memory_space<vmem>>
    %dma_start3A_68 = arith.constant 0 : i32
    %dma_start3A_69 = arith.constant 0 : i32
    %dma_start3A_70 = tpu.memref_slice %arg2[%dma_start3A_68, %dma_start3A_69] : memref<60000x256xf32, #tpu.memory_space<hbm>> -> memref<60000x256xf32, #tpu.memory_space<hbm>>
    tpu.enqueue_indirect_dma source(%dma_start3A_70 : memref<60000x256xf32, #tpu.memory_space<hbm>>) target(%arg9 : memref<128x256xf32, #tpu.memory_space<vmem>>) offsets(%dma_start3A_67 : memref<128xi32, #tpu.memory_space<vmem>>) semaphore(%arg13 : memref<!tpu.dma_semaphore, #tpu.memory_space<semaphore_mem>>)
    %dma_wait3A_71 = arith.constant 384 : i32
    %dma_wait3A_72 = tpu.memref_slice %arg8[%dma_wait3A_71] : memref<2048xi32, #tpu.memory_space<vmem>> -> memref<128xi32, #tpu.memory_space<vmem>>
    %dma_wait3A_73 = arith.constant 0 : i32
    %dma_wait3A_74 = arith.constant 0 : i32
    %dma_wait3A_75 = tpu.memref_slice %arg2[%dma_wait3A_73, %dma_wait3A_74] : memref<60000x256xf32, #tpu.memory_space<hbm>> -> memref<60000x256xf32, #tpu.memory_space<hbm>>
    tpu.wait_indirect_dma semaphore(%arg14 : memref<!tpu.dma_semaphore, #tpu.memory_space<semaphore_mem>>) src(%dma_wait3A_75 : memref<60000x256xf32, #tpu.memory_space<hbm>>) dst(%arg10 : memref<128x256xf32, #tpu.memory_space<vmem>>)
    %add3A_76 = arith.constant 384 : i32
    %add3A_77 = arith.addi %mul3A_2, %add3A_76 : i32
    %dma_start3A_78 = arith.constant 0 : i32
    %dma_start3A_79 = tpu.memref_slice %arg6[%add3A_77, %dma_start3A_78] : memref<65536x256xf32, #tpu.memory_space<hbm>> -> memref<128x256xf32, #tpu.memory_space<hbm>>
    %dma_start3A_80 = arith.constant 0 : i32
    %dma_start3A_81 = tpu.memref_slice %arg6[%add3A_77, %dma_start3A_80] : memref<65536x256xf32, #tpu.memory_space<hbm>> -> memref<128x256xf32, #tpu.memory_space<hbm>>
    tpu.enqueue_dma source(%arg10 : memref<128x256xf32, #tpu.memory_space<vmem>>) target(%dma_start3A_81 : memref<128x256xf32, #tpu.memory_space<hbm>>) target_semaphore(%arg16 : memref<!tpu.dma_semaphore, #tpu.memory_space<semaphore_mem>>)
    %dma_wait3A_82 = arith.constant 0 : i32
    %dma_wait3A_83 = tpu.memref_slice %arg6[%add3A_77, %dma_wait3A_82] : memref<65536x256xf32, #tpu.memory_space<hbm>> -> memref<128x256xf32, #tpu.memory_space<hbm>>
    %dma_wait3A_84 = arith.constant 0 : i32
    %dma_wait3A_85 = tpu.memref_slice %arg6[%add3A_77, %dma_wait3A_84] : memref<65536x256xf32, #tpu.memory_space<hbm>> -> memref<128x256xf32, #tpu.memory_space<hbm>>
    tpu.wait_dma2 semaphore(%arg16 : memref<!tpu.dma_semaphore, #tpu.memory_space<semaphore_mem>>) src(%arg10 : memref<128x256xf32, #tpu.memory_space<vmem>>) dst(%dma_wait3A_85 : memref<128x256xf32, #tpu.memory_space<hbm>>)
    %dma_start3A_86 = arith.constant 640 : i32
    %dma_start3A_87 = tpu.memref_slice %arg8[%dma_start3A_86] : memref<2048xi32, #tpu.memory_space<vmem>> -> memref<128xi32, #tpu.memory_space<vmem>>
    %dma_start3A_88 = arith.constant 0 : i32
    %dma_start3A_89 = arith.constant 0 : i32
    %dma_start3A_90 = tpu.memref_slice %arg2[%dma_start3A_88, %dma_start3A_89] : memref<60000x256xf32, #tpu.memory_space<hbm>> -> memref<60000x256xf32, #tpu.memory_space<hbm>>
    tpu.enqueue_indirect_dma source(%dma_start3A_90 : memref<60000x256xf32, #tpu.memory_space<hbm>>) target(%arg10 : memref<128x256xf32, #tpu.memory_space<vmem>>) offsets(%dma_start3A_87 : memref<128xi32, #tpu.memory_space<vmem>>) semaphore(%arg14 : memref<!tpu.dma_semaphore, #tpu.memory_space<semaphore_mem>>)
    %dma_wait3A_91 = arith.constant 512 : i32
    %dma_wait3A_92 = tpu.memref_slice %arg8[%dma_wait3A_91] : memref<2048xi32, #tpu.memory_space<vmem>> -> memref<128xi32, #tpu.memory_space<vmem>>
    %dma_wait3A_93 = arith.constant 0 : i32
    %dma_wait3A_94 = arith.constant 0 : i32
    %dma_wait3A_95 = tpu.memref_slice %arg2[%dma_wait3A_93, %dma_wait3A_94] : memref<60000x256xf32, #tpu.memory_space<hbm>> -> memref<60000x256xf32, #tpu.memory_space<hbm>>
    tpu.wait_indirect_dma semaphore(%arg13 : memref<!tpu.dma_semaphore, #tpu.memory_space<semaphore_mem>>) src(%dma_wait3A_95 : memref<60000x256xf32, #tpu.memory_space<hbm>>) dst(%arg9 : memref<128x256xf32, #tpu.memory_space<vmem>>)
    %add3A_96 = arith.constant 512 : i32
    %add3A_97 = arith.addi %mul3A_2, %add3A_96 : i32
    %dma_start3A_98 = arith.constant 0 : i32
    %dma_start3A_99 = tpu.memref_slice %arg6[%add3A_97, %dma_start3A_98] : memref<65536x256xf32, #tpu.memory_space<hbm>> -> memref<128x256xf32, #tpu.memory_space<hbm>>
    %dma_start3A_100 = arith.constant 0 : i32
    %dma_start3A_101 = tpu.memref_slice %arg6[%add3A_97, %dma_start3A_100] : memref<65536x256xf32, #tpu.memory_space<hbm>> -> memref<128x256xf32, #tpu.memory_space<hbm>>
    tpu.enqueue_dma source(%arg9 : memref<128x256xf32, #tpu.memory_space<vmem>>) target(%dma_start3A_101 : memref<128x256xf32, #tpu.memory_space<hbm>>) target_semaphore(%arg15 : memref<!tpu.dma_semaphore, #tpu.memory_space<semaphore_mem>>)
    %dma_wait3A_102 = arith.constant 0 : i32
    %dma_wait3A_103 = tpu.memref_slice %arg6[%add3A_97, %dma_wait3A_102] : memref<65536x256xf32, #tpu.memory_space<hbm>> -> memref<128x256xf32, #tpu.memory_space<hbm>>
    %dma_wait3A_104 = arith.constant 0 : i32
    %dma_wait3A_105 = tpu.memref_slice %arg6[%add3A_97, %dma_wait3A_104] : memref<65536x256xf32, #tpu.memory_space<hbm>> -> memref<128x256xf32, #tpu.memory_space<hbm>>
    tpu.wait_dma2 semaphore(%arg15 : memref<!tpu.dma_semaphore, #tpu.memory_space<semaphore_mem>>) src(%arg9 : memref<128x256xf32, #tpu.memory_space<vmem>>) dst(%dma_wait3A_105 : memref<128x256xf32, #tpu.memory_space<hbm>>)
    %dma_start3A_106 = arith.constant 768 : i32
    %dma_start3A_107 = tpu.memref_slice %arg8[%dma_start3A_106] : memref<2048xi32, #tpu.memory_space<vmem>> -> memref<128xi32, #tpu.memory_space<vmem>>
    %dma_start3A_108 = arith.constant 0 : i32
    %dma_start3A_109 = arith.constant 0 : i32
    %dma_start3A_110 = tpu.memref_slice %arg2[%dma_start3A_108, %dma_start3A_109] : memref<60000x256xf32, #tpu.memory_space<hbm>> -> memref<60000x256xf32, #tpu.memory_space<hbm>>
    tpu.enqueue_indirect_dma source(%dma_start3A_110 : memref<60000x256xf32, #tpu.memory_space<hbm>>) target(%arg9 : memref<128x256xf32, #tpu.memory_space<vmem>>) offsets(%dma_start3A_107 : memref<128xi32, #tpu.memory_space<vmem>>) semaphore(%arg13 : memref<!tpu.dma_semaphore, #tpu.memory_space<semaphore_mem>>)
    %dma_wait3A_111 = arith.constant 640 : i32
    %dma_wait3A_112 = tpu.memref_slice %arg8[%dma_wait3A_111] : memref<2048xi32, #tpu.memory_space<vmem>> -> memref<128xi32, #tpu.memory_space<vmem>>
    %dma_wait3A_113 = arith.constant 0 : i32
    %dma_wait3A_114 = arith.constant 0 : i32
    %dma_wait3A_115 = tpu.memref_slice %arg2[%dma_wait3A_113, %dma_wait3A_114] : memref<60000x256xf32, #tpu.memory_space<hbm>> -> memref<60000x256xf32, #tpu.memory_space<hbm>>
    tpu.wait_indirect_dma semaphore(%arg14 : memref<!tpu.dma_semaphore, #tpu.memory_space<semaphore_mem>>) src(%dma_wait3A_115 : memref<60000x256xf32, #tpu.memory_space<hbm>>) dst(%arg10 : memref<128x256xf32, #tpu.memory_space<vmem>>)
    %add3A_116 = arith.constant 640 : i32
    %add3A_117 = arith.addi %mul3A_2, %add3A_116 : i32
    %dma_start3A_118 = arith.constant 0 : i32
    %dma_start3A_119 = tpu.memref_slice %arg6[%add3A_117, %dma_start3A_118] : memref<65536x256xf32, #tpu.memory_space<hbm>> -> memref<128x256xf32, #tpu.memory_space<hbm>>
    %dma_start3A_120 = arith.constant 0 : i32
    %dma_start3A_121 = tpu.memref_slice %arg6[%add3A_117, %dma_start3A_120] : memref<65536x256xf32, #tpu.memory_space<hbm>> -> memref<128x256xf32, #tpu.memory_space<hbm>>
    tpu.enqueue_dma source(%arg10 : memref<128x256xf32, #tpu.memory_space<vmem>>) target(%dma_start3A_121 : memref<128x256xf32, #tpu.memory_space<hbm>>) target_semaphore(%arg16 : memref<!tpu.dma_semaphore, #tpu.memory_space<semaphore_mem>>)
    %dma_wait3A_122 = arith.constant 0 : i32
    %dma_wait3A_123 = tpu.memref_slice %arg6[%add3A_117, %dma_wait3A_122] : memref<65536x256xf32, #tpu.memory_space<hbm>> -> memref<128x256xf32, #tpu.memory_space<hbm>>
    %dma_wait3A_124 = arith.constant 0 : i32
    %dma_wait3A_125 = tpu.memref_slice %arg6[%add3A_117, %dma_wait3A_124] : memref<65536x256xf32, #tpu.memory_space<hbm>> -> memref<128x256xf32, #tpu.memory_space<hbm>>
    tpu.wait_dma2 semaphore(%arg16 : memref<!tpu.dma_semaphore, #tpu.memory_space<semaphore_mem>>) src(%arg10 : memref<128x256xf32, #tpu.memory_space<vmem>>) dst(%dma_wait3A_125 : memref<128x256xf32, #tpu.memory_space<hbm>>)
    %dma_start3A_126 = arith.constant 896 : i32
    %dma_start3A_127 = tpu.memref_slice %arg8[%dma_start3A_126] : memref<2048xi32, #tpu.memory_space<vmem>> -> memref<128xi32, #tpu.memory_space<vmem>>
    %dma_start3A_128 = arith.constant 0 : i32
    %dma_start3A_129 = arith.constant 0 : i32
    %dma_start3A_130 = tpu.memref_slice %arg2[%dma_start3A_128, %dma_start3A_129] : memref<60000x256xf32, #tpu.memory_space<hbm>> -> memref<60000x256xf32, #tpu.memory_space<hbm>>
    tpu.enqueue_indirect_dma source(%dma_start3A_130 : memref<60000x256xf32, #tpu.memory_space<hbm>>) target(%arg10 : memref<128x256xf32, #tpu.memory_space<vmem>>) offsets(%dma_start3A_127 : memref<128xi32, #tpu.memory_space<vmem>>) semaphore(%arg14 : memref<!tpu.dma_semaphore, #tpu.memory_space<semaphore_mem>>)
    %dma_wait3A_131 = arith.constant 768 : i32
    %dma_wait3A_132 = tpu.memref_slice %arg8[%dma_wait3A_131] : memref<2048xi32, #tpu.memory_space<vmem>> -> memref<128xi32, #tpu.memory_space<vmem>>
    %dma_wait3A_133 = arith.constant 0 : i32
    %dma_wait3A_134 = arith.constant 0 : i32
    %dma_wait3A_135 = tpu.memref_slice %arg2[%dma_wait3A_133, %dma_wait3A_134] : memref<60000x256xf32, #tpu.memory_space<hbm>> -> memref<60000x256xf32, #tpu.memory_space<hbm>>
    tpu.wait_indirect_dma semaphore(%arg13 : memref<!tpu.dma_semaphore, #tpu.memory_space<semaphore_mem>>) src(%dma_wait3A_135 : memref<60000x256xf32, #tpu.memory_space<hbm>>) dst(%arg9 : memref<128x256xf32, #tpu.memory_space<vmem>>)
    %add3A_136 = arith.constant 768 : i32
    %add3A_137 = arith.addi %mul3A_2, %add3A_136 : i32
    %dma_start3A_138 = arith.constant 0 : i32
    %dma_start3A_139 = tpu.memref_slice %arg6[%add3A_137, %dma_start3A_138] : memref<65536x256xf32, #tpu.memory_space<hbm>> -> memref<128x256xf32, #tpu.memory_space<hbm>>
    %dma_start3A_140 = arith.constant 0 : i32
    %dma_start3A_141 = tpu.memref_slice %arg6[%add3A_137, %dma_start3A_140] : memref<65536x256xf32, #tpu.memory_space<hbm>> -> memref<128x256xf32, #tpu.memory_space<hbm>>
    tpu.enqueue_dma source(%arg9 : memref<128x256xf32, #tpu.memory_space<vmem>>) target(%dma_start3A_141 : memref<128x256xf32, #tpu.memory_space<hbm>>) target_semaphore(%arg15 : memref<!tpu.dma_semaphore, #tpu.memory_space<semaphore_mem>>)
    %dma_wait3A_142 = arith.constant 0 : i32
    %dma_wait3A_143 = tpu.memref_slice %arg6[%add3A_137, %dma_wait3A_142] : memref<65536x256xf32, #tpu.memory_space<hbm>> -> memref<128x256xf32, #tpu.memory_space<hbm>>
    %dma_wait3A_144 = arith.constant 0 : i32
    %dma_wait3A_145 = tpu.memref_slice %arg6[%add3A_137, %dma_wait3A_144] : memref<65536x256xf32, #tpu.memory_space<hbm>> -> memref<128x256xf32, #tpu.memory_space<hbm>>
    tpu.wait_dma2 semaphore(%arg15 : memref<!tpu.dma_semaphore, #tpu.memory_space<semaphore_mem>>) src(%arg9 : memref<128x256xf32, #tpu.memory_space<vmem>>) dst(%dma_wait3A_145 : memref<128x256xf32, #tpu.memory_space<hbm>>)
    %dma_start3A_146 = arith.constant 1024 : i32
    %dma_start3A_147 = tpu.memref_slice %arg8[%dma_start3A_146] : memref<2048xi32, #tpu.memory_space<vmem>> -> memref<128xi32, #tpu.memory_space<vmem>>
    %dma_start3A_148 = arith.constant 0 : i32
    %dma_start3A_149 = arith.constant 0 : i32
    %dma_start3A_150 = tpu.memref_slice %arg2[%dma_start3A_148, %dma_start3A_149] : memref<60000x256xf32, #tpu.memory_space<hbm>> -> memref<60000x256xf32, #tpu.memory_space<hbm>>
    tpu.enqueue_indirect_dma source(%dma_start3A_150 : memref<60000x256xf32, #tpu.memory_space<hbm>>) target(%arg9 : memref<128x256xf32, #tpu.memory_space<vmem>>) offsets(%dma_start3A_147 : memref<128xi32, #tpu.memory_space<vmem>>) semaphore(%arg13 : memref<!tpu.dma_semaphore, #tpu.memory_space<semaphore_mem>>)
    %dma_wait3A_151 = arith.constant 896 : i32
    %dma_wait3A_152 = tpu.memref_slice %arg8[%dma_wait3A_151] : memref<2048xi32, #tpu.memory_space<vmem>> -> memref<128xi32, #tpu.memory_space<vmem>>
    %dma_wait3A_153 = arith.constant 0 : i32
    %dma_wait3A_154 = arith.constant 0 : i32
    %dma_wait3A_155 = tpu.memref_slice %arg2[%dma_wait3A_153, %dma_wait3A_154] : memref<60000x256xf32, #tpu.memory_space<hbm>> -> memref<60000x256xf32, #tpu.memory_space<hbm>>
    tpu.wait_indirect_dma semaphore(%arg14 : memref<!tpu.dma_semaphore, #tpu.memory_space<semaphore_mem>>) src(%dma_wait3A_155 : memref<60000x256xf32, #tpu.memory_space<hbm>>) dst(%arg10 : memref<128x256xf32, #tpu.memory_space<vmem>>)
    %add3A_156 = arith.constant 896 : i32
    %add3A_157 = arith.addi %mul3A_2, %add3A_156 : i32
    %dma_start3A_158 = arith.constant 0 : i32
    %dma_start3A_159 = tpu.memref_slice %arg6[%add3A_157, %dma_start3A_158] : memref<65536x256xf32, #tpu.memory_space<hbm>> -> memref<128x256xf32, #tpu.memory_space<hbm>>
    %dma_start3A_160 = arith.constant 0 : i32
    %dma_start3A_161 = tpu.memref_slice %arg6[%add3A_157, %dma_start3A_160] : memref<65536x256xf32, #tpu.memory_space<hbm>> -> memref<128x256xf32, #tpu.memory_space<hbm>>
    tpu.enqueue_dma source(%arg10 : memref<128x256xf32, #tpu.memory_space<vmem>>) target(%dma_start3A_161 : memref<128x256xf32, #tpu.memory_space<hbm>>) target_semaphore(%arg16 : memref<!tpu.dma_semaphore, #tpu.memory_space<semaphore_mem>>)
    %dma_wait3A_162 = arith.constant 0 : i32
    %dma_wait3A_163 = tpu.memref_slice %arg6[%add3A_157, %dma_wait3A_162] : memref<65536x256xf32, #tpu.memory_space<hbm>> -> memref<128x256xf32, #tpu.memory_space<hbm>>
    %dma_wait3A_164 = arith.constant 0 : i32
    %dma_wait3A_165 = tpu.memref_slice %arg6[%add3A_157, %dma_wait3A_164] : memref<65536x256xf32, #tpu.memory_space<hbm>> -> memref<128x256xf32, #tpu.memory_space<hbm>>
    tpu.wait_dma2 semaphore(%arg16 : memref<!tpu.dma_semaphore, #tpu.memory_space<semaphore_mem>>) src(%arg10 : memref<128x256xf32, #tpu.memory_space<vmem>>) dst(%dma_wait3A_165 : memref<128x256xf32, #tpu.memory_space<hbm>>)
    %dma_start3A_166 = arith.constant 1152 : i32
    %dma_start3A_167 = tpu.memref_slice %arg8[%dma_start3A_166] : memref<2048xi32, #tpu.memory_space<vmem>> -> memref<128xi32, #tpu.memory_space<vmem>>
    %dma_start3A_168 = arith.constant 0 : i32
    %dma_start3A_169 = arith.constant 0 : i32
    %dma_start3A_170 = tpu.memref_slice %arg2[%dma_start3A_168, %dma_start3A_169] : memref<60000x256xf32, #tpu.memory_space<hbm>> -> memref<60000x256xf32, #tpu.memory_space<hbm>>
    tpu.enqueue_indirect_dma source(%dma_start3A_170 : memref<60000x256xf32, #tpu.memory_space<hbm>>) target(%arg10 : memref<128x256xf32, #tpu.memory_space<vmem>>) offsets(%dma_start3A_167 : memref<128xi32, #tpu.memory_space<vmem>>) semaphore(%arg14 : memref<!tpu.dma_semaphore, #tpu.memory_space<semaphore_mem>>)
    %dma_wait3A_171 = arith.constant 1024 : i32
    %dma_wait3A_172 = tpu.memref_slice %arg8[%dma_wait3A_171] : memref<2048xi32, #tpu.memory_space<vmem>> -> memref<128xi32, #tpu.memory_space<vmem>>
    %dma_wait3A_173 = arith.constant 0 : i32
    %dma_wait3A_174 = arith.constant 0 : i32
    %dma_wait3A_175 = tpu.memref_slice %arg2[%dma_wait3A_173, %dma_wait3A_174] : memref<60000x256xf32, #tpu.memory_space<hbm>> -> memref<60000x256xf32, #tpu.memory_space<hbm>>
    tpu.wait_indirect_dma semaphore(%arg13 : memref<!tpu.dma_semaphore, #tpu.memory_space<semaphore_mem>>) src(%dma_wait3A_175 : memref<60000x256xf32, #tpu.memory_space<hbm>>) dst(%arg9 : memref<128x256xf32, #tpu.memory_space<vmem>>)
    %add3A_176 = arith.constant 1024 : i32
    %add3A_177 = arith.addi %mul3A_2, %add3A_176 : i32
    %dma_start3A_178 = arith.constant 0 : i32
    %dma_start3A_179 = tpu.memref_slice %arg6[%add3A_177, %dma_start3A_178] : memref<65536x256xf32, #tpu.memory_space<hbm>> -> memref<128x256xf32, #tpu.memory_space<hbm>>
    %dma_start3A_180 = arith.constant 0 : i32
    %dma_start3A_181 = tpu.memref_slice %arg6[%add3A_177, %dma_start3A_180] : memref<65536x256xf32, #tpu.memory_space<hbm>> -> memref<128x256xf32, #tpu.memory_space<hbm>>
    tpu.enqueue_dma source(%arg9 : memref<128x256xf32, #tpu.memory_space<vmem>>) target(%dma_start3A_181 : memref<128x256xf32, #tpu.memory_space<hbm>>) target_semaphore(%arg15 : memref<!tpu.dma_semaphore, #tpu.memory_space<semaphore_mem>>)
    %dma_wait3A_182 = arith.constant 0 : i32
    %dma_wait3A_183 = tpu.memref_slice %arg6[%add3A_177, %dma_wait3A_182] : memref<65536x256xf32, #tpu.memory_space<hbm>> -> memref<128x256xf32, #tpu.memory_space<hbm>>
    %dma_wait3A_184 = arith.constant 0 : i32
    %dma_wait3A_185 = tpu.memref_slice %arg6[%add3A_177, %dma_wait3A_184] : memref<65536x256xf32, #tpu.memory_space<hbm>> -> memref<128x256xf32, #tpu.memory_space<hbm>>
    tpu.wait_dma2 semaphore(%arg15 : memref<!tpu.dma_semaphore, #tpu.memory_space<semaphore_mem>>) src(%arg9 : memref<128x256xf32, #tpu.memory_space<vmem>>) dst(%dma_wait3A_185 : memref<128x256xf32, #tpu.memory_space<hbm>>)
    %dma_start3A_186 = arith.constant 1280 : i32
    %dma_start3A_187 = tpu.memref_slice %arg8[%dma_start3A_186] : memref<2048xi32, #tpu.memory_space<vmem>> -> memref<128xi32, #tpu.memory_space<vmem>>
    %dma_start3A_188 = arith.constant 0 : i32
    %dma_start3A_189 = arith.constant 0 : i32
    %dma_start3A_190 = tpu.memref_slice %arg2[%dma_start3A_188, %dma_start3A_189] : memref<60000x256xf32, #tpu.memory_space<hbm>> -> memref<60000x256xf32, #tpu.memory_space<hbm>>
    tpu.enqueue_indirect_dma source(%dma_start3A_190 : memref<60000x256xf32, #tpu.memory_space<hbm>>) target(%arg9 : memref<128x256xf32, #tpu.memory_space<vmem>>) offsets(%dma_start3A_187 : memref<128xi32, #tpu.memory_space<vmem>>) semaphore(%arg13 : memref<!tpu.dma_semaphore, #tpu.memory_space<semaphore_mem>>)
    %dma_wait3A_191 = arith.constant 1152 : i32
    %dma_wait3A_192 = tpu.memref_slice %arg8[%dma_wait3A_191] : memref<2048xi32, #tpu.memory_space<vmem>> -> memref<128xi32, #tpu.memory_space<vmem>>
    %dma_wait3A_193 = arith.constant 0 : i32
    %dma_wait3A_194 = arith.constant 0 : i32
    %dma_wait3A_195 = tpu.memref_slice %arg2[%dma_wait3A_193, %dma_wait3A_194] : memref<60000x256xf32, #tpu.memory_space<hbm>> -> memref<60000x256xf32, #tpu.memory_space<hbm>>
    tpu.wait_indirect_dma semaphore(%arg14 : memref<!tpu.dma_semaphore, #tpu.memory_space<semaphore_mem>>) src(%dma_wait3A_195 : memref<60000x256xf32, #tpu.memory_space<hbm>>) dst(%arg10 : memref<128x256xf32, #tpu.memory_space<vmem>>)
    %add3A_196 = arith.constant 1152 : i32
    %add3A_197 = arith.addi %mul3A_2, %add3A_196 : i32
    %dma_start3A_198 = arith.constant 0 : i32
    %dma_start3A_199 = tpu.memref_slice %arg6[%add3A_197, %dma_start3A_198] : memref<65536x256xf32, #tpu.memory_space<hbm>> -> memref<128x256xf32, #tpu.memory_space<hbm>>
    %dma_start3A_200 = arith.constant 0 : i32
    %dma_start3A_201 = tpu.memref_slice %arg6[%add3A_197, %dma_start3A_200] : memref<65536x256xf32, #tpu.memory_space<hbm>> -> memref<128x256xf32, #tpu.memory_space<hbm>>
    tpu.enqueue_dma source(%arg10 : memref<128x256xf32, #tpu.memory_space<vmem>>) target(%dma_start3A_201 : memref<128x256xf32, #tpu.memory_space<hbm>>) target_semaphore(%arg16 : memref<!tpu.dma_semaphore, #tpu.memory_space<semaphore_mem>>)
    %dma_wait3A_202 = arith.constant 0 : i32
    %dma_wait3A_203 = tpu.memref_slice %arg6[%add3A_197, %dma_wait3A_202] : memref<65536x256xf32, #tpu.memory_space<hbm>> -> memref<128x256xf32, #tpu.memory_space<hbm>>
    %dma_wait3A_204 = arith.constant 0 : i32
    %dma_wait3A_205 = tpu.memref_slice %arg6[%add3A_197, %dma_wait3A_204] : memref<65536x256xf32, #tpu.memory_space<hbm>> -> memref<128x256xf32, #tpu.memory_space<hbm>>
    tpu.wait_dma2 semaphore(%arg16 : memref<!tpu.dma_semaphore, #tpu.memory_space<semaphore_mem>>) src(%arg10 : memref<128x256xf32, #tpu.memory_space<vmem>>) dst(%dma_wait3A_205 : memref<128x256xf32, #tpu.memory_space<hbm>>)
    %dma_start3A_206 = arith.constant 1408 : i32
    %dma_start3A_207 = tpu.memref_slice %arg8[%dma_start3A_206] : memref<2048xi32, #tpu.memory_space<vmem>> -> memref<128xi32, #tpu.memory_space<vmem>>
    %dma_start3A_208 = arith.constant 0 : i32
    %dma_start3A_209 = arith.constant 0 : i32
    %dma_start3A_210 = tpu.memref_slice %arg2[%dma_start3A_208, %dma_start3A_209] : memref<60000x256xf32, #tpu.memory_space<hbm>> -> memref<60000x256xf32, #tpu.memory_space<hbm>>
    tpu.enqueue_indirect_dma source(%dma_start3A_210 : memref<60000x256xf32, #tpu.memory_space<hbm>>) target(%arg10 : memref<128x256xf32, #tpu.memory_space<vmem>>) offsets(%dma_start3A_207 : memref<128xi32, #tpu.memory_space<vmem>>) semaphore(%arg14 : memref<!tpu.dma_semaphore, #tpu.memory_space<semaphore_mem>>)
    %dma_wait3A_211 = arith.constant 1280 : i32
    %dma_wait3A_212 = tpu.memref_slice %arg8[%dma_wait3A_211] : memref<2048xi32, #tpu.memory_space<vmem>> -> memref<128xi32, #tpu.memory_space<vmem>>
    %dma_wait3A_213 = arith.constant 0 : i32
    %dma_wait3A_214 = arith.constant 0 : i32
    %dma_wait3A_215 = tpu.memref_slice %arg2[%dma_wait3A_213, %dma_wait3A_214] : memref<60000x256xf32, #tpu.memory_space<hbm>> -> memref<60000x256xf32, #tpu.memory_space<hbm>>
    tpu.wait_indirect_dma semaphore(%arg13 : memref<!tpu.dma_semaphore, #tpu.memory_space<semaphore_mem>>) src(%dma_wait3A_215 : memref<60000x256xf32, #tpu.memory_space<hbm>>) dst(%arg9 : memref<128x256xf32, #tpu.memory_space<vmem>>)
    %add3A_216 = arith.constant 1280 : i32
    %add3A_217 = arith.addi %mul3A_2, %add3A_216 : i32
    %dma_start3A_218 = arith.constant 0 : i32
    %dma_start3A_219 = tpu.memref_slice %arg6[%add3A_217, %dma_start3A_218] : memref<65536x256xf32, #tpu.memory_space<hbm>> -> memref<128x256xf32, #tpu.memory_space<hbm>>
    %dma_start3A_220 = arith.constant 0 : i32
    %dma_start3A_221 = tpu.memref_slice %arg6[%add3A_217, %dma_start3A_220] : memref<65536x256xf32, #tpu.memory_space<hbm>> -> memref<128x256xf32, #tpu.memory_space<hbm>>
    tpu.enqueue_dma source(%arg9 : memref<128x256xf32, #tpu.memory_space<vmem>>) target(%dma_start3A_221 : memref<128x256xf32, #tpu.memory_space<hbm>>) target_semaphore(%arg15 : memref<!tpu.dma_semaphore, #tpu.memory_space<semaphore_mem>>)
    %dma_wait3A_222 = arith.constant 0 : i32
    %dma_wait3A_223 = tpu.memref_slice %arg6[%add3A_217, %dma_wait3A_222] : memref<65536x256xf32, #tpu.memory_space<hbm>> -> memref<128x256xf32, #tpu.memory_space<hbm>>
    %dma_wait3A_224 = arith.constant 0 : i32
    %dma_wait3A_225 = tpu.memref_slice %arg6[%add3A_217, %dma_wait3A_224] : memref<65536x256xf32, #tpu.memory_space<hbm>> -> memref<128x256xf32, #tpu.memory_space<hbm>>
    tpu.wait_dma2 semaphore(%arg15 : memref<!tpu.dma_semaphore, #tpu.memory_space<semaphore_mem>>) src(%arg9 : memref<128x256xf32, #tpu.memory_space<vmem>>) dst(%dma_wait3A_225 : memref<128x256xf32, #tpu.memory_space<hbm>>)
    %dma_start3A_226 = arith.constant 1536 : i32
    %dma_start3A_227 = tpu.memref_slice %arg8[%dma_start3A_226] : memref<2048xi32, #tpu.memory_space<vmem>> -> memref<128xi32, #tpu.memory_space<vmem>>
    %dma_start3A_228 = arith.constant 0 : i32
    %dma_start3A_229 = arith.constant 0 : i32
    %dma_start3A_230 = tpu.memref_slice %arg2[%dma_start3A_228, %dma_start3A_229] : memref<60000x256xf32, #tpu.memory_space<hbm>> -> memref<60000x256xf32, #tpu.memory_space<hbm>>
    tpu.enqueue_indirect_dma source(%dma_start3A_230 : memref<60000x256xf32, #tpu.memory_space<hbm>>) target(%arg9 : memref<128x256xf32, #tpu.memory_space<vmem>>) offsets(%dma_start3A_227 : memref<128xi32, #tpu.memory_space<vmem>>) semaphore(%arg13 : memref<!tpu.dma_semaphore, #tpu.memory_space<semaphore_mem>>)
    %dma_wait3A_231 = arith.constant 1408 : i32
    %dma_wait3A_232 = tpu.memref_slice %arg8[%dma_wait3A_231] : memref<2048xi32, #tpu.memory_space<vmem>> -> memref<128xi32, #tpu.memory_space<vmem>>
    %dma_wait3A_233 = arith.constant 0 : i32
    %dma_wait3A_234 = arith.constant 0 : i32
    %dma_wait3A_235 = tpu.memref_slice %arg2[%dma_wait3A_233, %dma_wait3A_234] : memref<60000x256xf32, #tpu.memory_space<hbm>> -> memref<60000x256xf32, #tpu.memory_space<hbm>>
    tpu.wait_indirect_dma semaphore(%arg14 : memref<!tpu.dma_semaphore, #tpu.memory_space<semaphore_mem>>) src(%dma_wait3A_235 : memref<60000x256xf32, #tpu.memory_space<hbm>>) dst(%arg10 : memref<128x256xf32, #tpu.memory_space<vmem>>)
    %add3A_236 = arith.constant 1408 : i32
    %add3A_237 = arith.addi %mul3A_2, %add3A_236 : i32
    %dma_start3A_238 = arith.constant 0 : i32
    %dma_start3A_239 = tpu.memref_slice %arg6[%add3A_237, %dma_start3A_238] : memref<65536x256xf32, #tpu.memory_space<hbm>> -> memref<128x256xf32, #tpu.memory_space<hbm>>
    %dma_start3A_240 = arith.constant 0 : i32
    %dma_start3A_241 = tpu.memref_slice %arg6[%add3A_237, %dma_start3A_240] : memref<65536x256xf32, #tpu.memory_space<hbm>> -> memref<128x256xf32, #tpu.memory_space<hbm>>
    tpu.enqueue_dma source(%arg10 : memref<128x256xf32, #tpu.memory_space<vmem>>) target(%dma_start3A_241 : memref<128x256xf32, #tpu.memory_space<hbm>>) target_semaphore(%arg16 : memref<!tpu.dma_semaphore, #tpu.memory_space<semaphore_mem>>)
    %dma_wait3A_242 = arith.constant 0 : i32
    %dma_wait3A_243 = tpu.memref_slice %arg6[%add3A_237, %dma_wait3A_242] : memref<65536x256xf32, #tpu.memory_space<hbm>> -> memref<128x256xf32, #tpu.memory_space<hbm>>
    %dma_wait3A_244 = arith.constant 0 : i32
    %dma_wait3A_245 = tpu.memref_slice %arg6[%add3A_237, %dma_wait3A_244] : memref<65536x256xf32, #tpu.memory_space<hbm>> -> memref<128x256xf32, #tpu.memory_space<hbm>>
    tpu.wait_dma2 semaphore(%arg16 : memref<!tpu.dma_semaphore, #tpu.memory_space<semaphore_mem>>) src(%arg10 : memref<128x256xf32, #tpu.memory_space<vmem>>) dst(%dma_wait3A_245 : memref<128x256xf32, #tpu.memory_space<hbm>>)
    %dma_start3A_246 = arith.constant 1664 : i32
    %dma_start3A_247 = tpu.memref_slice %arg8[%dma_start3A_246] : memref<2048xi32, #tpu.memory_space<vmem>> -> memref<128xi32, #tpu.memory_space<vmem>>
    %dma_start3A_248 = arith.constant 0 : i32
    %dma_start3A_249 = arith.constant 0 : i32
    %dma_start3A_250 = tpu.memref_slice %arg2[%dma_start3A_248, %dma_start3A_249] : memref<60000x256xf32, #tpu.memory_space<hbm>> -> memref<60000x256xf32, #tpu.memory_space<hbm>>
    tpu.enqueue_indirect_dma source(%dma_start3A_250 : memref<60000x256xf32, #tpu.memory_space<hbm>>) target(%arg10 : memref<128x256xf32, #tpu.memory_space<vmem>>) offsets(%dma_start3A_247 : memref<128xi32, #tpu.memory_space<vmem>>) semaphore(%arg14 : memref<!tpu.dma_semaphore, #tpu.memory_space<semaphore_mem>>)
    %dma_wait3A_251 = arith.constant 1536 : i32
    %dma_wait3A_252 = tpu.memref_slice %arg8[%dma_wait3A_251] : memref<2048xi32, #tpu.memory_space<vmem>> -> memref<128xi32, #tpu.memory_space<vmem>>
    %dma_wait3A_253 = arith.constant 0 : i32
    %dma_wait3A_254 = arith.constant 0 : i32
    %dma_wait3A_255 = tpu.memref_slice %arg2[%dma_wait3A_253, %dma_wait3A_254] : memref<60000x256xf32, #tpu.memory_space<hbm>> -> memref<60000x256xf32, #tpu.memory_space<hbm>>
    tpu.wait_indirect_dma semaphore(%arg13 : memref<!tpu.dma_semaphore, #tpu.memory_space<semaphore_mem>>) src(%dma_wait3A_255 : memref<60000x256xf32, #tpu.memory_space<hbm>>) dst(%arg9 : memref<128x256xf32, #tpu.memory_space<vmem>>)
    %add3A_256 = arith.constant 1536 : i32
    %add3A_257 = arith.addi %mul3A_2, %add3A_256 : i32
    %dma_start3A_258 = arith.constant 0 : i32
    %dma_start3A_259 = tpu.memref_slice %arg6[%add3A_257, %dma_start3A_258] : memref<65536x256xf32, #tpu.memory_space<hbm>> -> memref<128x256xf32, #tpu.memory_space<hbm>>
    %dma_start3A_260 = arith.constant 0 : i32
    %dma_start3A_261 = tpu.memref_slice %arg6[%add3A_257, %dma_start3A_260] : memref<65536x256xf32, #tpu.memory_space<hbm>> -> memref<128x256xf32, #tpu.memory_space<hbm>>
    tpu.enqueue_dma source(%arg9 : memref<128x256xf32, #tpu.memory_space<vmem>>) target(%dma_start3A_261 : memref<128x256xf32, #tpu.memory_space<hbm>>) target_semaphore(%arg15 : memref<!tpu.dma_semaphore, #tpu.memory_space<semaphore_mem>>)
    %dma_wait3A_262 = arith.constant 0 : i32
    %dma_wait3A_263 = tpu.memref_slice %arg6[%add3A_257, %dma_wait3A_262] : memref<65536x256xf32, #tpu.memory_space<hbm>> -> memref<128x256xf32, #tpu.memory_space<hbm>>
    %dma_wait3A_264 = arith.constant 0 : i32
    %dma_wait3A_265 = tpu.memref_slice %arg6[%add3A_257, %dma_wait3A_264] : memref<65536x256xf32, #tpu.memory_space<hbm>> -> memref<128x256xf32, #tpu.memory_space<hbm>>
    tpu.wait_dma2 semaphore(%arg15 : memref<!tpu.dma_semaphore, #tpu.memory_space<semaphore_mem>>) src(%arg9 : memref<128x256xf32, #tpu.memory_space<vmem>>) dst(%dma_wait3A_265 : memref<128x256xf32, #tpu.memory_space<hbm>>)
    %dma_start3A_266 = arith.constant 1792 : i32
    %dma_start3A_267 = tpu.memref_slice %arg8[%dma_start3A_266] : memref<2048xi32, #tpu.memory_space<vmem>> -> memref<128xi32, #tpu.memory_space<vmem>>
    %dma_start3A_268 = arith.constant 0 : i32
    %dma_start3A_269 = arith.constant 0 : i32
    %dma_start3A_270 = tpu.memref_slice %arg2[%dma_start3A_268, %dma_start3A_269] : memref<60000x256xf32, #tpu.memory_space<hbm>> -> memref<60000x256xf32, #tpu.memory_space<hbm>>
    tpu.enqueue_indirect_dma source(%dma_start3A_270 : memref<60000x256xf32, #tpu.memory_space<hbm>>) target(%arg9 : memref<128x256xf32, #tpu.memory_space<vmem>>) offsets(%dma_start3A_267 : memref<128xi32, #tpu.memory_space<vmem>>) semaphore(%arg13 : memref<!tpu.dma_semaphore, #tpu.memory_space<semaphore_mem>>)
    %dma_wait3A_271 = arith.constant 1664 : i32
    %dma_wait3A_272 = tpu.memref_slice %arg8[%dma_wait3A_271] : memref<2048xi32, #tpu.memory_space<vmem>> -> memref<128xi32, #tpu.memory_space<vmem>>
    %dma_wait3A_273 = arith.constant 0 : i32
    %dma_wait3A_274 = arith.constant 0 : i32
    %dma_wait3A_275 = tpu.memref_slice %arg2[%dma_wait3A_273, %dma_wait3A_274] : memref<60000x256xf32, #tpu.memory_space<hbm>> -> memref<60000x256xf32, #tpu.memory_space<hbm>>
    tpu.wait_indirect_dma semaphore(%arg14 : memref<!tpu.dma_semaphore, #tpu.memory_space<semaphore_mem>>) src(%dma_wait3A_275 : memref<60000x256xf32, #tpu.memory_space<hbm>>) dst(%arg10 : memref<128x256xf32, #tpu.memory_space<vmem>>)
    %add3A_276 = arith.constant 1664 : i32
    %add3A_277 = arith.addi %mul3A_2, %add3A_276 : i32
    %dma_start3A_278 = arith.constant 0 : i32
    %dma_start3A_279 = tpu.memref_slice %arg6[%add3A_277, %dma_start3A_278] : memref<65536x256xf32, #tpu.memory_space<hbm>> -> memref<128x256xf32, #tpu.memory_space<hbm>>
    %dma_start3A_280 = arith.constant 0 : i32
    %dma_start3A_281 = tpu.memref_slice %arg6[%add3A_277, %dma_start3A_280] : memref<65536x256xf32, #tpu.memory_space<hbm>> -> memref<128x256xf32, #tpu.memory_space<hbm>>
    tpu.enqueue_dma source(%arg10 : memref<128x256xf32, #tpu.memory_space<vmem>>) target(%dma_start3A_281 : memref<128x256xf32, #tpu.memory_space<hbm>>) target_semaphore(%arg16 : memref<!tpu.dma_semaphore, #tpu.memory_space<semaphore_mem>>)
    %dma_wait3A_282 = arith.constant 0 : i32
    %dma_wait3A_283 = tpu.memref_slice %arg6[%add3A_277, %dma_wait3A_282] : memref<65536x256xf32, #tpu.memory_space<hbm>> -> memref<128x256xf32, #tpu.memory_space<hbm>>
    %dma_wait3A_284 = arith.constant 0 : i32
    %dma_wait3A_285 = tpu.memref_slice %arg6[%add3A_277, %dma_wait3A_284] : memref<65536x256xf32, #tpu.memory_space<hbm>> -> memref<128x256xf32, #tpu.memory_space<hbm>>
    tpu.wait_dma2 semaphore(%arg16 : memref<!tpu.dma_semaphore, #tpu.memory_space<semaphore_mem>>) src(%arg10 : memref<128x256xf32, #tpu.memory_space<vmem>>) dst(%dma_wait3A_285 : memref<128x256xf32, #tpu.memory_space<hbm>>)
    %dma_start3A_286 = arith.constant 1920 : i32
    %dma_start3A_287 = tpu.memref_slice %arg8[%dma_start3A_286] : memref<2048xi32, #tpu.memory_space<vmem>> -> memref<128xi32, #tpu.memory_space<vmem>>
    %dma_start3A_288 = arith.constant 0 : i32
    %dma_start3A_289 = arith.constant 0 : i32
    %dma_start3A_290 = tpu.memref_slice %arg2[%dma_start3A_288, %dma_start3A_289] : memref<60000x256xf32, #tpu.memory_space<hbm>> -> memref<60000x256xf32, #tpu.memory_space<hbm>>
    tpu.enqueue_indirect_dma source(%dma_start3A_290 : memref<60000x256xf32, #tpu.memory_space<hbm>>) target(%arg10 : memref<128x256xf32, #tpu.memory_space<vmem>>) offsets(%dma_start3A_287 : memref<128xi32, #tpu.memory_space<vmem>>) semaphore(%arg14 : memref<!tpu.dma_semaphore, #tpu.memory_space<semaphore_mem>>)
    %dma_wait3A_291 = arith.constant 1792 : i32
    %dma_wait3A_292 = tpu.memref_slice %arg8[%dma_wait3A_291] : memref<2048xi32, #tpu.memory_space<vmem>> -> memref<128xi32, #tpu.memory_space<vmem>>
    %dma_wait3A_293 = arith.constant 0 : i32
    %dma_wait3A_294 = arith.constant 0 : i32
    %dma_wait3A_295 = tpu.memref_slice %arg2[%dma_wait3A_293, %dma_wait3A_294] : memref<60000x256xf32, #tpu.memory_space<hbm>> -> memref<60000x256xf32, #tpu.memory_space<hbm>>
    tpu.wait_indirect_dma semaphore(%arg13 : memref<!tpu.dma_semaphore, #tpu.memory_space<semaphore_mem>>) src(%dma_wait3A_295 : memref<60000x256xf32, #tpu.memory_space<hbm>>) dst(%arg9 : memref<128x256xf32, #tpu.memory_space<vmem>>)
    %add3A_296 = arith.constant 1792 : i32
    %add3A_297 = arith.addi %mul3A_2, %add3A_296 : i32
    %dma_start3A_298 = arith.constant 0 : i32
    %dma_start3A_299 = tpu.memref_slice %arg6[%add3A_297, %dma_start3A_298] : memref<65536x256xf32, #tpu.memory_space<hbm>> -> memref<128x256xf32, #tpu.memory_space<hbm>>
    %dma_start3A_300 = arith.constant 0 : i32
    %dma_start3A_301 = tpu.memref_slice %arg6[%add3A_297, %dma_start3A_300] : memref<65536x256xf32, #tpu.memory_space<hbm>> -> memref<128x256xf32, #tpu.memory_space<hbm>>
    tpu.enqueue_dma source(%arg9 : memref<128x256xf32, #tpu.memory_space<vmem>>) target(%dma_start3A_301 : memref<128x256xf32, #tpu.memory_space<hbm>>) target_semaphore(%arg15 : memref<!tpu.dma_semaphore, #tpu.memory_space<semaphore_mem>>)
    %dma_wait3A_302 = arith.constant 1920 : i32
    %dma_wait3A_303 = tpu.memref_slice %arg8[%dma_wait3A_302] : memref<2048xi32, #tpu.memory_space<vmem>> -> memref<128xi32, #tpu.memory_space<vmem>>
    %dma_wait3A_304 = arith.constant 0 : i32
    %dma_wait3A_305 = arith.constant 0 : i32
    %dma_wait3A_306 = tpu.memref_slice %arg2[%dma_wait3A_304, %dma_wait3A_305] : memref<60000x256xf32, #tpu.memory_space<hbm>> -> memref<60000x256xf32, #tpu.memory_space<hbm>>
    tpu.wait_indirect_dma semaphore(%arg14 : memref<!tpu.dma_semaphore, #tpu.memory_space<semaphore_mem>>) src(%dma_wait3A_306 : memref<60000x256xf32, #tpu.memory_space<hbm>>) dst(%arg10 : memref<128x256xf32, #tpu.memory_space<vmem>>)
    %add3A_307 = arith.constant 1920 : i32
    %add3A_308 = arith.addi %mul3A_2, %add3A_307 : i32
    %dma_start3A_309 = arith.constant 0 : i32
    %dma_start3A_310 = tpu.memref_slice %arg6[%add3A_308, %dma_start3A_309] : memref<65536x256xf32, #tpu.memory_space<hbm>> -> memref<128x256xf32, #tpu.memory_space<hbm>>
    %dma_start3A_311 = arith.constant 0 : i32
    %dma_start3A_312 = tpu.memref_slice %arg6[%add3A_308, %dma_start3A_311] : memref<65536x256xf32, #tpu.memory_space<hbm>> -> memref<128x256xf32, #tpu.memory_space<hbm>>
    tpu.enqueue_dma source(%arg10 : memref<128x256xf32, #tpu.memory_space<vmem>>) target(%dma_start3A_312 : memref<128x256xf32, #tpu.memory_space<hbm>>) target_semaphore(%arg16 : memref<!tpu.dma_semaphore, #tpu.memory_space<semaphore_mem>>)
    %dma_wait3A_313 = arith.constant 0 : i32
    %dma_wait3A_314 = tpu.memref_slice %arg6[%add3A_297, %dma_wait3A_313] : memref<65536x256xf32, #tpu.memory_space<hbm>> -> memref<128x256xf32, #tpu.memory_space<hbm>>
    %dma_wait3A_315 = arith.constant 0 : i32
    %dma_wait3A_316 = tpu.memref_slice %arg6[%add3A_297, %dma_wait3A_315] : memref<65536x256xf32, #tpu.memory_space<hbm>> -> memref<128x256xf32, #tpu.memory_space<hbm>>
    tpu.wait_dma2 semaphore(%arg15 : memref<!tpu.dma_semaphore, #tpu.memory_space<semaphore_mem>>) src(%arg9 : memref<128x256xf32, #tpu.memory_space<vmem>>) dst(%dma_wait3A_316 : memref<128x256xf32, #tpu.memory_space<hbm>>)
    %dma_wait3A_317 = arith.constant 0 : i32
    %dma_wait3A_318 = tpu.memref_slice %arg6[%add3A_308, %dma_wait3A_317] : memref<65536x256xf32, #tpu.memory_space<hbm>> -> memref<128x256xf32, #tpu.memory_space<hbm>>
    %dma_wait3A_319 = arith.constant 0 : i32
    %dma_wait3A_320 = tpu.memref_slice %arg6[%add3A_308, %dma_wait3A_319] : memref<65536x256xf32, #tpu.memory_space<hbm>> -> memref<128x256xf32, #tpu.memory_space<hbm>>
    tpu.wait_dma2 semaphore(%arg16 : memref<!tpu.dma_semaphore, #tpu.memory_space<semaphore_mem>>) src(%arg10 : memref<128x256xf32, #tpu.memory_space<vmem>>) dst(%dma_wait3A_320 : memref<128x256xf32, #tpu.memory_space<hbm>>)
    %eq3A = arith.constant 0 : i32
    %eq3A_321 = arith.cmpi eq, %add3A, %eq3A : i32
    %convert_element_type3A = arith.extui %eq3A_321 : i1 to i32
    %cond3A = arith.constant 0 : i32
    %cond3A_322 = arith.cmpi ne, %convert_element_type3A, %cond3A : i32
    scf.if %cond3A_322 {
      "tpu.region"() ({
        %run_scoped3A = tpu.sem_alloc : memref<!tpu.dma_semaphore, #tpu.memory_space<semaphore_mem>>
        tpu.enqueue_dma source(%arg5 : memref<128xi32, #tpu.memory_space<hbm>>) target(%arg11 : memref<128xi32, #tpu.memory_space<vmem>>) target_semaphore(%run_scoped3A : memref<!tpu.dma_semaphore, #tpu.memory_space<semaphore_mem>>)
        tpu.wait_dma2 semaphore(%run_scoped3A : memref<!tpu.dma_semaphore, #tpu.memory_space<semaphore_mem>>) src(%arg5 : memref<128xi32, #tpu.memory_space<hbm>>) dst(%arg11 : memref<128xi32, #tpu.memory_space<vmem>>)
        tpu.yield
      }) : () -> ()
      %dma_start3A_323 = arith.constant 0 : i32
      %dma_start3A_324 = arith.constant 0 : i32
      %dma_start3A_325 = tpu.memref_slice %arg4[%dma_start3A_323, %dma_start3A_324] : memref<4096x256xf32, #tpu.memory_space<hbm>> -> memref<4096x256xf32, #tpu.memory_space<hbm>>
      tpu.enqueue_indirect_dma source(%dma_start3A_325 : memref<4096x256xf32, #tpu.memory_space<hbm>>) target(%arg12 : memref<128x256xf32, #tpu.memory_space<vmem>>) offsets(%arg11 : memref<128xi32, #tpu.memory_space<vmem>>) semaphore(%arg17 : memref<!tpu.dma_semaphore, #tpu.memory_space<semaphore_mem>>)
      %dma_wait3A_326 = arith.constant 0 : i32
      %dma_wait3A_327 = arith.constant 0 : i32
      %dma_wait3A_328 = tpu.memref_slice %arg4[%dma_wait3A_326, %dma_wait3A_327] : memref<4096x256xf32, #tpu.memory_space<hbm>> -> memref<4096x256xf32, #tpu.memory_space<hbm>>
      tpu.wait_indirect_dma semaphore(%arg17 : memref<!tpu.dma_semaphore, #tpu.memory_space<semaphore_mem>>) src(%dma_wait3A_328 : memref<4096x256xf32, #tpu.memory_space<hbm>>) dst(%arg12 : memref<128x256xf32, #tpu.memory_space<vmem>>)
      "tpu.region"() ({
        %run_scoped3A = tpu.sem_alloc : memref<!tpu.dma_semaphore, #tpu.memory_space<semaphore_mem>>
        tpu.enqueue_dma source(%arg12 : memref<128x256xf32, #tpu.memory_space<vmem>>) target(%arg7 : memref<128x256xf32, #tpu.memory_space<hbm>>) target_semaphore(%run_scoped3A : memref<!tpu.dma_semaphore, #tpu.memory_space<semaphore_mem>>)
        tpu.wait_dma2 semaphore(%run_scoped3A : memref<!tpu.dma_semaphore, #tpu.memory_space<semaphore_mem>>) src(%arg12 : memref<128x256xf32, #tpu.memory_space<vmem>>) dst(%arg7 : memref<128x256xf32, #tpu.memory_space<hbm>>)
        tpu.yield
      }) : () -> ()
    } else {
    }
    return
  }
}

module attributes {stable_mosaic.version = 14 : i64} {
  func.func @_cell_body(%arg0: i32, %arg1: memref<2x2048x256xf32, #tpu.memory_space<vmem>>, %arg2: memref<2x2048x1xf32, #tpu.memory_space<vmem>>, %arg3: memref<2x2048x1xf32, #tpu.memory_space<vmem>>, %arg4: memref<1x2x4096xf32, #tpu.memory_space<vmem>>, %arg5: memref<1x2x1024xf32, #tpu.memory_space<vmem>>, %arg6: memref<1x512xf32, #tpu.memory_space<vmem>>, %arg7: memref<1x512xf32, #tpu.memory_space<vmem>>, %arg8: memref<256x256xbf16, #tpu.memory_space<vmem>>, %arg9: memref<1x256xf32, #tpu.memory_space<vmem>>, %arg10: memref<256x256xbf16, #tpu.memory_space<vmem>>, %arg11: memref<1x256xf32, #tpu.memory_space<vmem>>, %arg12: memref<256x512xbf16, #tpu.memory_space<vmem>>, %arg13: memref<1x512xf32, #tpu.memory_space<vmem>>, %arg14: memref<2x256xf32, #tpu.memory_space<vmem>>, %arg15: memref<1x256xf32, #tpu.memory_space<vmem>>, %arg16: memref<256x256xf32, #tpu.memory_space<vmem>>, %arg17: memref<1x256xf32, #tpu.memory_space<vmem>>, %arg18: memref<256x256xf32, #tpu.memory_space<vmem>>, %arg19: memref<1x256xf32, #tpu.memory_space<vmem>>, %arg20: memref<1024x512xf32, #tpu.memory_space<vmem>>, %arg21: memref<1x512xf32, #tpu.memory_space<vmem>>, %arg22: memref<512x256xf32, #tpu.memory_space<vmem>>, %arg23: memref<1x256xf32, #tpu.memory_space<vmem>>, %arg24: memref<1024x512xf32, #tpu.memory_space<vmem>>, %arg25: memref<1x512xf32, #tpu.memory_space<vmem>>, %arg26: memref<512x256xf32, #tpu.memory_space<vmem>>, %arg27: memref<1x256xf32, #tpu.memory_space<vmem>>, %arg28: memref<1x256xf32, #tpu.memory_space<vmem>>, %arg29: memref<1x256xf32, #tpu.memory_space<vmem>>, %arg30: memref<2049x256xf32, #tpu.memory_space<vmem>>, %arg31: memref<2x2049x256xf32, #tpu.memory_space<vmem>>) attributes {dimension_semantics = [#tpu.dimension_semantics<parallel>], iteration_bounds = array<i64: 16>, scalar_prefetch = 0 : i64, scratch_operands = 0 : i64, tpu.core_type = #tpu.core_type<tc>, window_params = [{transform_indices = @transform_0, window_bounds = array<i64: 2, 2048, 256>}, {transform_indices = @transform_1, window_bounds = array<i64: 2, 2048, 1>}, {transform_indices = @transform_2, window_bounds = array<i64: 2, 2048, 1>}, {transform_indices = @transform_3, window_bounds = array<i64: 1, 2, 4096>}, {transform_indices = @transform_4, window_bounds = array<i64: 1, 2, 1024>}, {pipeline_mode = #tpu.pipeline_mode<synchronous>, transform_indices = @transform_5, window_bounds = array<i64: 1, 512>}, {pipeline_mode = #tpu.pipeline_mode<synchronous>, transform_indices = @transform_6, window_bounds = array<i64: 1, 512>}, {pipeline_mode = #tpu.pipeline_mode<synchronous>, transform_indices = @transform_7, window_bounds = array<i64: 256, 256>}, {pipeline_mode = #tpu.pipeline_mode<synchronous>, transform_indices = @transform_8, window_bounds = array<i64: 1, 256>}, {pipeline_mode = #tpu.pipeline_mode<synchronous>, transform_indices = @transform_9, window_bounds = array<i64: 256, 256>}, {pipeline_mode = #tpu.pipeline_mode<synchronous>, transform_indices = @transform_10, window_bounds = array<i64: 1, 256>}, {pipeline_mode = #tpu.pipeline_mode<synchronous>, transform_indices = @transform_11, window_bounds = array<i64: 256, 512>}, {pipeline_mode = #tpu.pipeline_mode<synchronous>, transform_indices = @transform_12, window_bounds = array<i64: 1, 512>}, {pipeline_mode = #tpu.pipeline_mode<synchronous>, transform_indices = @transform_13, window_bounds = array<i64: 2, 256>}, {pipeline_mode = #tpu.pipeline_mode<synchronous>, transform_indices = @transform_14, window_bounds = array<i64: 1, 256>}, {pipeline_mode = #tpu.pipeline_mode<synchronous>, transform_indices = @transform_15, window_bounds = array<i64: 256, 256>}, {pipeline_mode = #tpu.pipeline_mode<synchronous>, transform_indices = @transform_16, window_bounds = array<i64: 1, 256>}, {pipeline_mode = #tpu.pipeline_mode<synchronous>, transform_indices = @transform_17, window_bounds = array<i64: 256, 256>}, {pipeline_mode = #tpu.pipeline_mode<synchronous>, transform_indices = @transform_18, window_bounds = array<i64: 1, 256>}, {pipeline_mode = #tpu.pipeline_mode<synchronous>, transform_indices = @transform_19, window_bounds = array<i64: 1024, 512>}, {pipeline_mode = #tpu.pipeline_mode<synchronous>, transform_indices = @transform_20, window_bounds = array<i64: 1, 512>}, {pipeline_mode = #tpu.pipeline_mode<synchronous>, transform_indices = @transform_21, window_bounds = array<i64: 512, 256>}, {pipeline_mode = #tpu.pipeline_mode<synchronous>, transform_indices = @transform_22, window_bounds = array<i64: 1, 256>}, {pipeline_mode = #tpu.pipeline_mode<synchronous>, transform_indices = @transform_23, window_bounds = array<i64: 1024, 512>}, {pipeline_mode = #tpu.pipeline_mode<synchronous>, transform_indices = @transform_24, window_bounds = array<i64: 1, 512>}, {pipeline_mode = #tpu.pipeline_mode<synchronous>, transform_indices = @transform_25, window_bounds = array<i64: 512, 256>}, {pipeline_mode = #tpu.pipeline_mode<synchronous>, transform_indices = @transform_26, window_bounds = array<i64: 1, 256>}, {pipeline_mode = #tpu.pipeline_mode<synchronous>, transform_indices = @transform_27, window_bounds = array<i64: 1, 256>}, {pipeline_mode = #tpu.pipeline_mode<synchronous>, transform_indices = @transform_28, window_bounds = array<i64: 1, 256>}, {pipeline_mode = #tpu.pipeline_mode<synchronous>, transform_indices = @transform_29, window_bounds = array<i64: 2049, 256>}, {transform_indices = @transform_30, window_bounds = array<i64: 2, 2049, 256>}]} {
    %get3A = arith.constant 0 : index
    %get3A_0 = arith.constant 0 : index
    %get3A_1 = arith.constant 0 : index
    %get3A_2 = vector.load %arg2[%get3A, %get3A_0, %get3A_1] : memref<2x2048x1xf32, #tpu.memory_space<vmem>>, vector<2x2048x1xf32>
    %reshape3A = vector.shape_cast %get3A_2 : vector<2x2048x1xf32> to vector<4096x1xf32>
    %get3A_3 = arith.constant 0 : index
    %get3A_4 = arith.constant 0 : index
    %get3A_5 = vector.load %arg6[%get3A_3, %get3A_4] : memref<1x512xf32, #tpu.memory_space<vmem>>, vector<1x512xf32>
    %mul3A = vector.broadcast %reshape3A : vector<4096x1xf32> to vector<4096x512xf32>
    %mul3A_6 = vector.broadcast %get3A_5 : vector<1x512xf32> to vector<4096x512xf32>
    %mul3A_7 = arith.mulf %mul3A, %mul3A_6 : vector<4096x512xf32>
    %get3A_8 = arith.constant 0 : index
    %get3A_9 = arith.constant 0 : index
    %get3A_10 = vector.load %arg7[%get3A_8, %get3A_9] : memref<1x512xf32, #tpu.memory_space<vmem>>, vector<1x512xf32>
    %add3A = vector.broadcast %get3A_10 : vector<1x512xf32> to vector<4096x512xf32>
    %add3A_11 = arith.addf %mul3A_7, %add3A : vector<4096x512xf32>
    %logistic3A = arith.negf %add3A_11 : vector<4096x512xf32>
    %logistic3A_12 = math.exp %logistic3A : vector<4096x512xf32>
    %logistic3A_13 = arith.constant 1.000000e+00 : f32
    %logistic3A_14 = vector.broadcast %logistic3A_13 : f32 to vector<4096x512xf32>
    %logistic3A_15 = arith.addf %logistic3A_14, %logistic3A_12 : vector<4096x512xf32>
    %logistic3A_16 = arith.divf %logistic3A_14, %logistic3A_15 : vector<4096x512xf32>
    %mul3A_17 = arith.mulf %add3A_11, %logistic3A_16 : vector<4096x512xf32>
    %slice3A = vector.extract_strided_slice %mul3A_17 {offsets = [0, 0], sizes = [4096, 256], strides = [1, 1]} : vector<4096x512xf32> to vector<4096x256xf32>
    %slice3A_18 = vector.extract_strided_slice %mul3A_17 {offsets = [0, 256], sizes = [4096, 256], strides = [1, 1]} : vector<4096x512xf32> to vector<4096x256xf32>
    %convert_element_type3A = arith.truncf %slice3A : vector<4096x256xf32> to vector<4096x256xbf16>
    %get3A_19 = arith.constant 0 : index
    %get3A_20 = arith.constant 0 : index
    %get3A_21 = vector.load %arg8[%get3A_19, %get3A_20] : memref<256x256xbf16, #tpu.memory_space<vmem>>, vector<256x256xbf16>
    %dot_general3A = arith.constant dense<0.000000e+00> : vector<4096x256xf32>
    %dot_general3A_22 = tpu.matmul %convert_element_type3A, %get3A_21, %dot_general3A {dimension_numbers = #tpu.dot_dimension_numbers<[1], [0], [0], [1], [0, 0, 1, 1], [], []>, transpose_lhs_hint = false} : vector<4096x256xbf16>, vector<256x256xbf16>, vector<4096x256xf32> -> vector<4096x256xf32>
    %get3A_23 = arith.constant 0 : index
    %get3A_24 = arith.constant 0 : index
    %get3A_25 = vector.load %arg9[%get3A_23, %get3A_24] : memref<1x256xf32, #tpu.memory_space<vmem>>, vector<1x256xf32>
    %add3A_26 = vector.broadcast %get3A_25 : vector<1x256xf32> to vector<4096x256xf32>
    %add3A_27 = arith.addf %dot_general3A_22, %add3A_26 : vector<4096x256xf32>
    %logistic3A_28 = arith.negf %add3A_27 : vector<4096x256xf32>
    %logistic3A_29 = math.exp %logistic3A_28 : vector<4096x256xf32>
    %logistic3A_30 = arith.constant 1.000000e+00 : f32
    %logistic3A_31 = vector.broadcast %logistic3A_30 : f32 to vector<4096x256xf32>
    %logistic3A_32 = arith.addf %logistic3A_31, %logistic3A_29 : vector<4096x256xf32>
    %logistic3A_33 = arith.divf %logistic3A_31, %logistic3A_32 : vector<4096x256xf32>
    %mul3A_34 = arith.mulf %add3A_27, %logistic3A_33 : vector<4096x256xf32>
    %convert_element_type3A_35 = arith.truncf %mul3A_34 : vector<4096x256xf32> to vector<4096x256xbf16>
    %get3A_36 = arith.constant 0 : index
    %get3A_37 = arith.constant 0 : index
    %get3A_38 = vector.load %arg10[%get3A_36, %get3A_37] : memref<256x256xbf16, #tpu.memory_space<vmem>>, vector<256x256xbf16>
    %dot_general3A_39 = arith.constant dense<0.000000e+00> : vector<4096x256xf32>
    %dot_general3A_40 = tpu.matmul %convert_element_type3A_35, %get3A_38, %dot_general3A_39 {dimension_numbers = #tpu.dot_dimension_numbers<[1], [0], [0], [1], [0, 0, 1, 1], [], []>, transpose_lhs_hint = false} : vector<4096x256xbf16>, vector<256x256xbf16>, vector<4096x256xf32> -> vector<4096x256xf32>
    %get3A_41 = arith.constant 0 : index
    %get3A_42 = arith.constant 0 : index
    %get3A_43 = vector.load %arg11[%get3A_41, %get3A_42] : memref<1x256xf32, #tpu.memory_space<vmem>>, vector<1x256xf32>
    %add3A_44 = vector.broadcast %get3A_43 : vector<1x256xf32> to vector<4096x256xf32>
    %add3A_45 = arith.addf %dot_general3A_40, %add3A_44 : vector<4096x256xf32>
    %eq3A = arith.constant 0.000000e+00 : f32
    %eq3A_46 = vector.broadcast %eq3A : f32 to vector<4096x1xf32>
    %eq3A_47 = arith.cmpf oeq, %reshape3A, %eq3A_46 : vector<4096x1xf32>
    %get3A_48 = arith.constant 0 : index
    %get3A_49 = arith.constant 0 : index
    %get3A_50 = vector.load %arg15[%get3A_48, %get3A_49] : memref<1x256xf32, #tpu.memory_space<vmem>>, vector<1x256xf32>
    %broadcast_in_dim3A = vector.shape_cast %eq3A_47 : vector<4096x1xi1> to vector<4096x1xi1>
    %broadcast_in_dim3A_51 = vector.broadcast %broadcast_in_dim3A : vector<4096x1xi1> to vector<4096x256xi1>
    %broadcast_in_dim3A_52 = vector.shape_cast %get3A_50 : vector<1x256xf32> to vector<1x256xf32>
    %broadcast_in_dim3A_53 = vector.broadcast %broadcast_in_dim3A_52 : vector<1x256xf32> to vector<4096x256xf32>
    %select_n3A = arith.select %broadcast_in_dim3A_51, %broadcast_in_dim3A_53, %add3A_45 : vector<4096x256xi1>, vector<4096x256xf32>
    %convert_element_type3A_54 = arith.truncf %slice3A_18 : vector<4096x256xf32> to vector<4096x256xbf16>
    %get3A_55 = arith.constant 0 : index
    %get3A_56 = arith.constant 0 : index
    %get3A_57 = vector.load %arg12[%get3A_55, %get3A_56] : memref<256x512xbf16, #tpu.memory_space<vmem>>, vector<256x512xbf16>
    %dot_general3A_58 = arith.constant dense<0.000000e+00> : vector<4096x512xf32>
    %dot_general3A_59 = tpu.matmul %convert_element_type3A_54, %get3A_57, %dot_general3A_58 {dimension_numbers = #tpu.dot_dimension_numbers<[1], [0], [0], [1], [0, 0, 1, 1], [], []>, transpose_lhs_hint = false} : vector<4096x256xbf16>, vector<256x512xbf16>, vector<4096x512xf32> -> vector<4096x512xf32>
    %get3A_60 = arith.constant 0 : index
    %get3A_61 = arith.constant 0 : index
    %get3A_62 = vector.load %arg13[%get3A_60, %get3A_61] : memref<1x512xf32, #tpu.memory_space<vmem>>, vector<1x512xf32>
    %add3A_63 = vector.broadcast %get3A_62 : vector<1x512xf32> to vector<4096x512xf32>
    %add3A_64 = arith.addf %dot_general3A_59, %add3A_63 : vector<4096x512xf32>
    %slice3A_65 = vector.extract_strided_slice %add3A_64 {offsets = [0, 0], sizes = [4096, 256], strides = [1, 1]} : vector<4096x512xf32> to vector<4096x256xf32>
    %logistic3A_66 = arith.negf %slice3A_65 : vector<4096x256xf32>
    %logistic3A_67 = math.exp %logistic3A_66 : vector<4096x256xf32>
    %logistic3A_68 = arith.constant 1.000000e+00 : f32
    %logistic3A_69 = vector.broadcast %logistic3A_68 : f32 to vector<4096x256xf32>
    %logistic3A_70 = arith.addf %logistic3A_69, %logistic3A_67 : vector<4096x256xf32>
    %logistic3A_71 = arith.divf %logistic3A_69, %logistic3A_70 : vector<4096x256xf32>
    %slice3A_72 = vector.extract_strided_slice %add3A_64 {offsets = [0, 256], sizes = [4096, 256], strides = [1, 1]} : vector<4096x512xf32> to vector<4096x256xf32>
    %get3A_73 = arith.constant 0 : index
    %get3A_74 = arith.constant 0 : index
    %get3A_75 = vector.load %arg14[%get3A_73, %get3A_74] : memref<2x256xf32, #tpu.memory_space<vmem>>, vector<1x256xf32>
    %get3A_76 = arith.constant 1 : index
    %get3A_77 = arith.constant 0 : index
    %get3A_78 = vector.load %arg14[%get3A_76, %get3A_77] : memref<2x256xf32, #tpu.memory_space<vmem>>, vector<1x256xf32>
    %get3A_79 = arith.constant 0 : index
    %get3A_80 = arith.constant 0 : index
    %get3A_81 = arith.constant 0 : index
    %get3A_82 = vector.load %arg3[%get3A_79, %get3A_80, %get3A_81] : memref<2x2048x1xf32, #tpu.memory_space<vmem>>, vector<2x2048x1xf32>
    %reshape3A_83 = vector.shape_cast %get3A_82 : vector<2x2048x1xf32> to vector<4096x1xf32>
    %sub3A = arith.subf %get3A_78, %get3A_75 : vector<1x256xf32>
    %mul3A_84 = vector.broadcast %reshape3A_83 : vector<4096x1xf32> to vector<4096x256xf32>
    %mul3A_85 = vector.broadcast %sub3A : vector<1x256xf32> to vector<4096x256xf32>
    %mul3A_86 = arith.mulf %mul3A_84, %mul3A_85 : vector<4096x256xf32>
    %add3A_87 = vector.broadcast %get3A_75 : vector<1x256xf32> to vector<4096x256xf32>
    %add3A_88 = arith.addf %add3A_87, %mul3A_86 : vector<4096x256xf32>
    %get3A_89 = arith.constant 0 : index
    %get3A_90 = arith.constant 0 : index
    %get3A_91 = arith.constant 0 : index
    %get3A_92 = vector.load %arg1[%get3A_89, %get3A_90, %get3A_91] : memref<2x2048x256xf32, #tpu.memory_space<vmem>>, vector<2x2048x256xf32>
    %reshape3A_93 = vector.shape_cast %get3A_92 : vector<2x2048x256xf32> to vector<4096x256xf32>
    %add3A_94 = arith.addf %reshape3A_93, %select_n3A : vector<4096x256xf32>
    %add3A_95 = arith.addf %add3A_94, %add3A_88 : vector<4096x256xf32>
    %mul3A_96 = arith.mulf %add3A_95, %logistic3A_71 : vector<4096x256xf32>
    %add3A_97 = arith.addf %mul3A_96, %slice3A_72 : vector<4096x256xf32>
    %get3A_98 = arith.constant 0 : index
    %get3A_99 = arith.constant 0 : index
    %get3A_100 = arith.constant 0 : index
    %get3A_101 = vector.load %arg4[%get3A_98, %get3A_99, %get3A_100] : memref<1x2x4096xf32, #tpu.memory_space<vmem>>, vector<1x2x4096xf32>
    %get3A_102 = vector.shape_cast %get3A_101 : vector<1x2x4096xf32> to vector<2x4096xf32>
    %dot_general3A_103 = arith.constant dense<0.000000e+00> : vector<2x256xf32>
    %dot_general3A_104 = tpu.matmul %get3A_102, %add3A_97, %dot_general3A_103 {dimension_numbers = #tpu.dot_dimension_numbers<[1], [0], [0], [1], [0, 0, 1, 1], [], []>, transpose_lhs_hint = false} : vector<2x4096xf32>, vector<4096x256xf32>, vector<2x256xf32> -> vector<2x256xf32>
    %reduce_sum3A = arith.constant dense<0.000000e+00> : vector<2xf32>
    %reduce_sum3A_105 = vector.multi_reduction <add>, %get3A_102, %reduce_sum3A [1] : vector<2x4096xf32> to vector<2xf32>
    %broadcast_in_dim3A_106 = vector.shape_cast %reduce_sum3A_105 : vector<2xf32> to vector<2x1xf32>
    %max3A = arith.constant 1.000000e+00 : f32
    %max3A_107 = vector.broadcast %max3A : f32 to vector<2x1xf32>
    %max3A_108 = arith.maximumf %broadcast_in_dim3A_106, %max3A_107 : vector<2x1xf32>
    %div3A = vector.broadcast %max3A_108 : vector<2x1xf32> to vector<2x256xf32>
    %div3A_109 = arith.divf %dot_general3A_104, %div3A : vector<2x256xf32>
    %get3A_110 = arith.constant 0 : index
    %get3A_111 = arith.constant 0 : index
    %get3A_112 = vector.load %arg16[%get3A_110, %get3A_111] : memref<256x256xf32, #tpu.memory_space<vmem>>, vector<256x256xf32>
    %dot_general3A_113 = arith.constant dense<0.000000e+00> : vector<2x256xf32>
    %dot_general3A_114 = tpu.matmul %div3A_109, %get3A_112, %dot_general3A_113 {dimension_numbers = #tpu.dot_dimension_numbers<[1], [0], [0], [1], [0, 0, 1, 1], [], []>, transpose_lhs_hint = false} : vector<2x256xf32>, vector<256x256xf32>, vector<2x256xf32> -> vector<2x256xf32>
    %get3A_115 = arith.constant 0 : index
    %get3A_116 = arith.constant 0 : index
    %get3A_117 = vector.load %arg17[%get3A_115, %get3A_116] : memref<1x256xf32, #tpu.memory_space<vmem>>, vector<1x256xf32>
    %add3A_118 = vector.broadcast %get3A_117 : vector<1x256xf32> to vector<2x256xf32>
    %add3A_119 = arith.addf %dot_general3A_114, %add3A_118 : vector<2x256xf32>
    %logistic3A_120 = arith.negf %add3A_119 : vector<2x256xf32>
    %logistic3A_121 = math.exp %logistic3A_120 : vector<2x256xf32>
    %logistic3A_122 = arith.constant 1.000000e+00 : f32
    %logistic3A_123 = vector.broadcast %logistic3A_122 : f32 to vector<2x256xf32>
    %logistic3A_124 = arith.addf %logistic3A_123, %logistic3A_121 : vector<2x256xf32>
    %logistic3A_125 = arith.divf %logistic3A_123, %logistic3A_124 : vector<2x256xf32>
    %mul3A_126 = arith.mulf %add3A_119, %logistic3A_125 : vector<2x256xf32>
    %get3A_127 = arith.constant 0 : index
    %get3A_128 = arith.constant 0 : index
    %get3A_129 = vector.load %arg18[%get3A_127, %get3A_128] : memref<256x256xf32, #tpu.memory_space<vmem>>, vector<256x256xf32>
    %dot_general3A_130 = arith.constant dense<0.000000e+00> : vector<2x256xf32>
    %dot_general3A_131 = tpu.matmul %mul3A_126, %get3A_129, %dot_general3A_130 {dimension_numbers = #tpu.dot_dimension_numbers<[1], [0], [0], [1], [0, 0, 1, 1], [], []>, transpose_lhs_hint = false} : vector<2x256xf32>, vector<256x256xf32>, vector<2x256xf32> -> vector<2x256xf32>
    %get3A_132 = arith.constant 0 : index
    %get3A_133 = arith.constant 0 : index
    %get3A_134 = vector.load %arg19[%get3A_132, %get3A_133] : memref<1x256xf32, #tpu.memory_space<vmem>>, vector<1x256xf32>
    %add3A_135 = vector.broadcast %get3A_134 : vector<1x256xf32> to vector<2x256xf32>
    %add3A_136 = arith.addf %dot_general3A_131, %add3A_135 : vector<2x256xf32>
    %get3A_137 = arith.constant 0 : index
    %get3A_138 = arith.constant 0 : index
    %get3A_139 = arith.constant 0 : index
    %get3A_140 = vector.load %arg5[%get3A_137, %get3A_138, %get3A_139] : memref<1x2x1024xf32, #tpu.memory_space<vmem>>, vector<1x2x1024xf32>
    %get3A_141 = vector.shape_cast %get3A_140 : vector<1x2x1024xf32> to vector<2x1024xf32>
    %get3A_142 = arith.constant 0 : index
    %get3A_143 = arith.constant 0 : index
    %get3A_144 = vector.load %arg20[%get3A_142, %get3A_143] : memref<1024x512xf32, #tpu.memory_space<vmem>>, vector<1024x512xf32>
    %dot_general3A_145 = arith.constant dense<0.000000e+00> : vector<2x512xf32>
    %dot_general3A_146 = tpu.matmul %get3A_141, %get3A_144, %dot_general3A_145 {dimension_numbers = #tpu.dot_dimension_numbers<[1], [0], [0], [1], [0, 0, 1, 1], [], []>, transpose_lhs_hint = false} : vector<2x1024xf32>, vector<1024x512xf32>, vector<2x512xf32> -> vector<2x512xf32>
    %get3A_147 = arith.constant 0 : index
    %get3A_148 = arith.constant 0 : index
    %get3A_149 = vector.load %arg21[%get3A_147, %get3A_148] : memref<1x512xf32, #tpu.memory_space<vmem>>, vector<1x512xf32>
    %add3A_150 = vector.broadcast %get3A_149 : vector<1x512xf32> to vector<2x512xf32>
    %add3A_151 = arith.addf %dot_general3A_146, %add3A_150 : vector<2x512xf32>
    %logistic3A_152 = arith.negf %add3A_151 : vector<2x512xf32>
    %logistic3A_153 = math.exp %logistic3A_152 : vector<2x512xf32>
    %logistic3A_154 = arith.constant 1.000000e+00 : f32
    %logistic3A_155 = vector.broadcast %logistic3A_154 : f32 to vector<2x512xf32>
    %logistic3A_156 = arith.addf %logistic3A_155, %logistic3A_153 : vector<2x512xf32>
    %logistic3A_157 = arith.divf %logistic3A_155, %logistic3A_156 : vector<2x512xf32>
    %mul3A_158 = arith.mulf %add3A_151, %logistic3A_157 : vector<2x512xf32>
    %get3A_159 = arith.constant 0 : index
    %get3A_160 = arith.constant 0 : index
    %get3A_161 = vector.load %arg22[%get3A_159, %get3A_160] : memref<512x256xf32, #tpu.memory_space<vmem>>, vector<512x256xf32>
    %dot_general3A_162 = arith.constant dense<0.000000e+00> : vector<2x256xf32>
    %dot_general3A_163 = tpu.matmul %mul3A_158, %get3A_161, %dot_general3A_162 {dimension_numbers = #tpu.dot_dimension_numbers<[1], [0], [0], [1], [0, 0, 1, 1], [], []>, transpose_lhs_hint = false} : vector<2x512xf32>, vector<512x256xf32>, vector<2x256xf32> -> vector<2x256xf32>
    %get3A_164 = arith.constant 0 : index
    %get3A_165 = arith.constant 0 : index
    %get3A_166 = vector.load %arg23[%get3A_164, %get3A_165] : memref<1x256xf32, #tpu.memory_space<vmem>>, vector<1x256xf32>
    %add3A_167 = vector.broadcast %get3A_166 : vector<1x256xf32> to vector<2x256xf32>
    %add3A_168 = arith.addf %dot_general3A_163, %add3A_167 : vector<2x256xf32>
    %get3A_169 = arith.constant 0 : index
    %get3A_170 = arith.constant 0 : index
    %get3A_171 = vector.load %arg24[%get3A_169, %get3A_170] : memref<1024x512xf32, #tpu.memory_space<vmem>>, vector<1024x512xf32>
    %dot_general3A_172 = arith.constant dense<0.000000e+00> : vector<2x512xf32>
    %dot_general3A_173 = tpu.matmul %get3A_141, %get3A_171, %dot_general3A_172 {dimension_numbers = #tpu.dot_dimension_numbers<[1], [0], [0], [1], [0, 0, 1, 1], [], []>, transpose_lhs_hint = false} : vector<2x1024xf32>, vector<1024x512xf32>, vector<2x512xf32> -> vector<2x512xf32>
    %get3A_174 = arith.constant 0 : index
    %get3A_175 = arith.constant 0 : index
    %get3A_176 = vector.load %arg25[%get3A_174, %get3A_175] : memref<1x512xf32, #tpu.memory_space<vmem>>, vector<1x512xf32>
    %add3A_177 = vector.broadcast %get3A_176 : vector<1x512xf32> to vector<2x512xf32>
    %add3A_178 = arith.addf %dot_general3A_173, %add3A_177 : vector<2x512xf32>
    %logistic3A_179 = arith.negf %add3A_178 : vector<2x512xf32>
    %logistic3A_180 = math.exp %logistic3A_179 : vector<2x512xf32>
    %logistic3A_181 = arith.constant 1.000000e+00 : f32
    %logistic3A_182 = vector.broadcast %logistic3A_181 : f32 to vector<2x512xf32>
    %logistic3A_183 = arith.addf %logistic3A_182, %logistic3A_180 : vector<2x512xf32>
    %logistic3A_184 = arith.divf %logistic3A_182, %logistic3A_183 : vector<2x512xf32>
    %mul3A_185 = arith.mulf %add3A_178, %logistic3A_184 : vector<2x512xf32>
    %get3A_186 = arith.constant 0 : index
    %get3A_187 = arith.constant 0 : index
    %get3A_188 = vector.load %arg26[%get3A_186, %get3A_187] : memref<512x256xf32, #tpu.memory_space<vmem>>, vector<512x256xf32>
    %dot_general3A_189 = arith.constant dense<0.000000e+00> : vector<2x256xf32>
    %dot_general3A_190 = tpu.matmul %mul3A_185, %get3A_188, %dot_general3A_189 {dimension_numbers = #tpu.dot_dimension_numbers<[1], [0], [0], [1], [0, 0, 1, 1], [], []>, transpose_lhs_hint = false} : vector<2x512xf32>, vector<512x256xf32>, vector<2x256xf32> -> vector<2x256xf32>
    %get3A_191 = arith.constant 0 : index
    %get3A_192 = arith.constant 0 : index
    %get3A_193 = vector.load %arg27[%get3A_191, %get3A_192] : memref<1x256xf32, #tpu.memory_space<vmem>>, vector<1x256xf32>
    %add3A_194 = vector.broadcast %get3A_193 : vector<1x256xf32> to vector<2x256xf32>
    %add3A_195 = arith.addf %dot_general3A_190, %add3A_194 : vector<2x256xf32>
    %add3A_196 = arith.addf %add3A_168, %add3A_136 : vector<2x256xf32>
    %get3A_197 = arith.constant 0 : index
    %get3A_198 = arith.constant 0 : index
    %get3A_199 = vector.load %arg28[%get3A_197, %get3A_198] : memref<1x256xf32, #tpu.memory_space<vmem>>, vector<1x256xf32>
    %add3A_200 = vector.broadcast %get3A_199 : vector<1x256xf32> to vector<2x256xf32>
    %add3A_201 = arith.addf %add3A_196, %add3A_200 : vector<2x256xf32>
    %get3A_202 = arith.constant 0 : index
    %get3A_203 = arith.constant 0 : index
    %get3A_204 = vector.load %arg30[%get3A_202, %get3A_203] : memref<2049x256xf32, #tpu.memory_space<vmem>>, vector<1x256xf32>
    %add3A_205 = vector.broadcast %get3A_204 : vector<1x256xf32> to vector<2x256xf32>
    %add3A_206 = arith.addf %add3A_201, %add3A_205 : vector<2x256xf32>
    %mul3A_207 = arith.mulf %add3A_206, %add3A_206 : vector<2x256xf32>
    %reduce_sum3A_208 = arith.constant dense<0.000000e+00> : vector<2xf32>
    %reduce_sum3A_209 = vector.multi_reduction <add>, %mul3A_207, %reduce_sum3A_208 [1] : vector<2x256xf32> to vector<2xf32>
    %broadcast_in_dim3A_210 = vector.shape_cast %reduce_sum3A_209 : vector<2xf32> to vector<2x1xf32>
    %div3A_211 = arith.constant 2.560000e+02 : f32
    %div3A_212 = vector.broadcast %div3A_211 : f32 to vector<2x1xf32>
    %div3A_213 = arith.divf %broadcast_in_dim3A_210, %div3A_212 : vector<2x1xf32>
    %add3A_214 = arith.constant 9.99999997E-7 : f32
    %add3A_215 = vector.broadcast %add3A_214 : f32 to vector<2x1xf32>
    %add3A_216 = arith.addf %div3A_213, %add3A_215 : vector<2x1xf32>
    %rsqrt3A = math.rsqrt %add3A_216 : vector<2x1xf32>
    %mul3A_217 = vector.broadcast %rsqrt3A : vector<2x1xf32> to vector<2x256xf32>
    %mul3A_218 = arith.mulf %add3A_206, %mul3A_217 : vector<2x256xf32>
    %get3A_219 = arith.constant 0 : index
    %get3A_220 = arith.constant 0 : index
    %get3A_221 = vector.load %arg29[%get3A_219, %get3A_220] : memref<1x256xf32, #tpu.memory_space<vmem>>, vector<1x256xf32>
    %mul3A_222 = vector.broadcast %get3A_221 : vector<1x256xf32> to vector<2x256xf32>
    %mul3A_223 = arith.mulf %mul3A_218, %mul3A_222 : vector<2x256xf32>
    %slice3A_224 = vector.extract_strided_slice %add3A_97 {offsets = [0, 0], sizes = [2048, 256], strides = [1, 1]} : vector<4096x256xf32> to vector<2048x256xf32>
    %slice3A_225 = vector.extract_strided_slice %add3A_195 {offsets = [0, 0], sizes = [1, 256], strides = [1, 1]} : vector<2x256xf32> to vector<1x256xf32>
    %add3A_226 = vector.broadcast %slice3A_225 : vector<1x256xf32> to vector<2048x256xf32>
    %add3A_227 = arith.addf %slice3A_224, %add3A_226 : vector<2048x256xf32>
    %get3A_228 = arith.constant 1 : index
    %get3A_229 = arith.constant 0 : index
    %get3A_230 = vector.load %arg30[%get3A_228, %get3A_229] : memref<2049x256xf32, #tpu.memory_space<vmem>>, vector<2048x256xf32>
    %add3A_231 = arith.addf %add3A_227, %get3A_230 : vector<2048x256xf32>
    %slice3A_232 = vector.extract_strided_slice %mul3A_223 {offsets = [0, 0], sizes = [1, 256], strides = [1, 1]} : vector<2x256xf32> to vector<1x256xf32>
    %swap3A = arith.constant 0 : index
    %swap3A_233 = arith.constant 0 : index
    %swap3A_234 = arith.constant 0 : index
    %swap3A_235 = vector.load %arg31[%swap3A, %swap3A_233, %swap3A_234] : memref<2x2049x256xf32, #tpu.memory_space<vmem>>, vector<1x1x256xf32>
    %swap3A_236 = vector.shape_cast %swap3A_235 : vector<1x1x256xf32> to vector<1x256xf32>
    %swap3A_237 = vector.shape_cast %slice3A_232 : vector<1x256xf32> to vector<1x1x256xf32>
    tpu.vector_store %arg31[%swap3A, %swap3A_233, %swap3A_234], %swap3A_237 {strides = array<i32>} : memref<2x2049x256xf32, #tpu.memory_space<vmem>>, vector<1x1x256xf32>,
    %mul3A_238 = arith.mulf %add3A_231, %add3A_231 : vector<2048x256xf32>
    %reduce_sum3A_239 = arith.constant dense<0.000000e+00> : vector<2048xf32>
    %reduce_sum3A_240 = vector.multi_reduction <add>, %mul3A_238, %reduce_sum3A_239 [1] : vector<2048x256xf32> to vector<2048xf32>
    %broadcast_in_dim3A_241 = vector.shape_cast %reduce_sum3A_240 : vector<2048xf32> to vector<2048x1xf32>
    %div3A_242 = arith.constant 2.560000e+02 : f32
    %div3A_243 = vector.broadcast %div3A_242 : f32 to vector<2048x1xf32>
    %div3A_244 = arith.divf %broadcast_in_dim3A_241, %div3A_243 : vector<2048x1xf32>
    %add3A_245 = arith.constant 9.99999997E-7 : f32
    %add3A_246 = vector.broadcast %add3A_245 : f32 to vector<2048x1xf32>
    %add3A_247 = arith.addf %div3A_244, %add3A_246 : vector<2048x1xf32>
    %rsqrt3A_248 = math.rsqrt %add3A_247 : vector<2048x1xf32>
    %mul3A_249 = vector.broadcast %rsqrt3A_248 : vector<2048x1xf32> to vector<2048x256xf32>
    %mul3A_250 = arith.mulf %add3A_231, %mul3A_249 : vector<2048x256xf32>
    %get3A_251 = arith.constant 0 : index
    %get3A_252 = arith.constant 0 : index
    %get3A_253 = vector.load %arg29[%get3A_251, %get3A_252] : memref<1x256xf32, #tpu.memory_space<vmem>>, vector<1x256xf32>
    %mul3A_254 = vector.broadcast %get3A_253 : vector<1x256xf32> to vector<2048x256xf32>
    %mul3A_255 = arith.mulf %mul3A_250, %mul3A_254 : vector<2048x256xf32>
    %swap3A_256 = arith.constant 0 : index
    %swap3A_257 = arith.constant 1 : index
    %swap3A_258 = arith.constant 0 : index
    %swap3A_259 = vector.load %arg31[%swap3A_256, %swap3A_257, %swap3A_258] : memref<2x2049x256xf32, #tpu.memory_space<vmem>>, vector<1x2048x256xf32>
    %swap3A_260 = vector.shape_cast %swap3A_259 : vector<1x2048x256xf32> to vector<2048x256xf32>
    %swap3A_261 = vector.shape_cast %mul3A_255 : vector<2048x256xf32> to vector<1x2048x256xf32>
    tpu.vector_store %arg31[%swap3A_256, %swap3A_257, %swap3A_258], %swap3A_261 {strides = array<i32>} : memref<2x2049x256xf32, #tpu.memory_space<vmem>>, vector<1x2048x256xf32>,
    %slice3A_262 = vector.extract_strided_slice %add3A_97 {offsets = [2048, 0], sizes = [2048, 256], strides = [1, 1]} : vector<4096x256xf32> to vector<2048x256xf32>
    %slice3A_263 = vector.extract_strided_slice %add3A_195 {offsets = [1, 0], sizes = [1, 256], strides = [1, 1]} : vector<2x256xf32> to vector<1x256xf32>
    %add3A_264 = vector.broadcast %slice3A_263 : vector<1x256xf32> to vector<2048x256xf32>
    %add3A_265 = arith.addf %slice3A_262, %add3A_264 : vector<2048x256xf32>
    %get3A_266 = arith.constant 1 : index
    %get3A_267 = arith.constant 0 : index
    %get3A_268 = vector.load %arg30[%get3A_266, %get3A_267] : memref<2049x256xf32, #tpu.memory_space<vmem>>, vector<2048x256xf32>
    %add3A_269 = arith.addf %add3A_265, %get3A_268 : vector<2048x256xf32>
    %slice3A_270 = vector.extract_strided_slice %mul3A_223 {offsets = [1, 0], sizes = [1, 256], strides = [1, 1]} : vector<2x256xf32> to vector<1x256xf32>
    %swap3A_271 = arith.constant 1 : index
    %swap3A_272 = arith.constant 0 : index
    %swap3A_273 = arith.constant 0 : index
    %swap3A_274 = vector.load %arg31[%swap3A_271, %swap3A_272, %swap3A_273] : memref<2x2049x256xf32, #tpu.memory_space<vmem>>, vector<1x1x256xf32>
    %swap3A_275 = vector.shape_cast %swap3A_274 : vector<1x1x256xf32> to vector<1x256xf32>
    %swap3A_276 = vector.shape_cast %slice3A_270 : vector<1x256xf32> to vector<1x1x256xf32>
    tpu.vector_store %arg31[%swap3A_271, %swap3A_272, %swap3A_273], %swap3A_276 {strides = array<i32>} : memref<2x2049x256xf32, #tpu.memory_space<vmem>>, vector<1x1x256xf32>,
    %mul3A_277 = arith.mulf %add3A_269, %add3A_269 : vector<2048x256xf32>
    %reduce_sum3A_278 = arith.constant dense<0.000000e+00> : vector<2048xf32>
    %reduce_sum3A_279 = vector.multi_reduction <add>, %mul3A_277, %reduce_sum3A_278 [1] : vector<2048x256xf32> to vector<2048xf32>
    %broadcast_in_dim3A_280 = vector.shape_cast %reduce_sum3A_279 : vector<2048xf32> to vector<2048x1xf32>
    %div3A_281 = arith.constant 2.560000e+02 : f32
    %div3A_282 = vector.broadcast %div3A_281 : f32 to vector<2048x1xf32>
    %div3A_283 = arith.divf %broadcast_in_dim3A_280, %div3A_282 : vector<2048x1xf32>
    %add3A_284 = arith.constant 9.99999997E-7 : f32
    %add3A_285 = vector.broadcast %add3A_284 : f32 to vector<2048x1xf32>
    %add3A_286 = arith.addf %div3A_283, %add3A_285 : vector<2048x1xf32>
    %rsqrt3A_287 = math.rsqrt %add3A_286 : vector<2048x1xf32>
    %mul3A_288 = vector.broadcast %rsqrt3A_287 : vector<2048x1xf32> to vector<2048x256xf32>
    %mul3A_289 = arith.mulf %add3A_269, %mul3A_288 : vector<2048x256xf32>
    %get3A_290 = arith.constant 0 : index
    %get3A_291 = arith.constant 0 : index
    %get3A_292 = vector.load %arg29[%get3A_290, %get3A_291] : memref<1x256xf32, #tpu.memory_space<vmem>>, vector<1x256xf32>
    %mul3A_293 = vector.broadcast %get3A_292 : vector<1x256xf32> to vector<2048x256xf32>
    %mul3A_294 = arith.mulf %mul3A_289, %mul3A_293 : vector<2048x256xf32>
    %swap3A_295 = arith.constant 1 : index
    %swap3A_296 = arith.constant 1 : index
    %swap3A_297 = arith.constant 0 : index
    %swap3A_298 = vector.load %arg31[%swap3A_295, %swap3A_296, %swap3A_297] : memref<2x2049x256xf32, #tpu.memory_space<vmem>>, vector<1x2048x256xf32>
    %swap3A_299 = vector.shape_cast %swap3A_298 : vector<1x2048x256xf32> to vector<2048x256xf32>
    %swap3A_300 = vector.shape_cast %mul3A_294 : vector<2048x256xf32> to vector<1x2048x256xf32>
    tpu.vector_store %arg31[%swap3A_295, %swap3A_296, %swap3A_297], %swap3A_300 {strides = array<i32>} : memref<2x2049x256xf32, #tpu.memory_space<vmem>>, vector<1x2048x256xf32>,
    return
  }
  func.func @transform_0(%arg0: i32) -> (i32, i32, i32) {
    %c0_i32 = arith.constant 0 : i32
    %c0_i32_0 = arith.constant 0 : i32
    %c0_i32_1 = arith.constant 0 : i32
    return %arg0, %c0_i32, %c0_i32_0 : i32, i32, i32
  }
  func.func @transform_1(%arg0: i32) -> (i32, i32, i32) {
    %c0_i32 = arith.constant 0 : i32
    %c0_i32_0 = arith.constant 0 : i32
    %c0_i32_1 = arith.constant 0 : i32
    return %arg0, %c0_i32, %c0_i32_0 : i32, i32, i32
  }
  func.func @transform_2(%arg0: i32) -> (i32, i32, i32) {
    %c0_i32 = arith.constant 0 : i32
    %c0_i32_0 = arith.constant 0 : i32
    %c0_i32_1 = arith.constant 0 : i32
    return %arg0, %c0_i32, %c0_i32_0 : i32, i32, i32
  }
  func.func @transform_3(%arg0: i32) -> (i32, i32, i32) {
    %c0_i32 = arith.constant 0 : i32
    %c0_i32_0 = arith.constant 0 : i32
    %c0_i32_1 = arith.constant 0 : i32
    return %arg0, %c0_i32, %c0_i32_0 : i32, i32, i32
  }
  func.func @transform_4(%arg0: i32) -> (i32, i32, i32) {
    %c0_i32 = arith.constant 0 : i32
    %c0_i32_0 = arith.constant 0 : i32
    %c0_i32_1 = arith.constant 0 : i32
    return %arg0, %c0_i32, %c0_i32_0 : i32, i32, i32
  }
  func.func @transform_5(%arg0: i32) -> (i32, i32) {
    %c0_i32 = arith.constant 0 : i32
    %c0_i32_0 = arith.constant 0 : i32
    %c0_i32_1 = arith.constant 0 : i32
    return %c0_i32, %c0_i32_0 : i32, i32
  }
  func.func @transform_6(%arg0: i32) -> (i32, i32) {
    %c0_i32 = arith.constant 0 : i32
    %c0_i32_0 = arith.constant 0 : i32
    %c0_i32_1 = arith.constant 0 : i32
    return %c0_i32, %c0_i32_0 : i32, i32
  }
  func.func @transform_7(%arg0: i32) -> (i32, i32) {
    %c0_i32 = arith.constant 0 : i32
    %c0_i32_0 = arith.constant 0 : i32
    %c0_i32_1 = arith.constant 0 : i32
    return %c0_i32, %c0_i32_0 : i32, i32
  }
  func.func @transform_8(%arg0: i32) -> (i32, i32) {
    %c0_i32 = arith.constant 0 : i32
    %c0_i32_0 = arith.constant 0 : i32
    %c0_i32_1 = arith.constant 0 : i32
    return %c0_i32, %c0_i32_0 : i32, i32
  }
  func.func @transform_9(%arg0: i32) -> (i32, i32) {
    %c0_i32 = arith.constant 0 : i32
    %c0_i32_0 = arith.constant 0 : i32
    %c0_i32_1 = arith.constant 0 : i32
    return %c0_i32, %c0_i32_0 : i32, i32
  }
  func.func @transform_10(%arg0: i32) -> (i32, i32) {
    %c0_i32 = arith.constant 0 : i32
    %c0_i32_0 = arith.constant 0 : i32
    %c0_i32_1 = arith.constant 0 : i32
    return %c0_i32, %c0_i32_0 : i32, i32
  }
  func.func @transform_11(%arg0: i32) -> (i32, i32) {
    %c0_i32 = arith.constant 0 : i32
    %c0_i32_0 = arith.constant 0 : i32
    %c0_i32_1 = arith.constant 0 : i32
    return %c0_i32, %c0_i32_0 : i32, i32
  }
  func.func @transform_12(%arg0: i32) -> (i32, i32) {
    %c0_i32 = arith.constant 0 : i32
    %c0_i32_0 = arith.constant 0 : i32
    %c0_i32_1 = arith.constant 0 : i32
    return %c0_i32, %c0_i32_0 : i32, i32
  }
  func.func @transform_13(%arg0: i32) -> (i32, i32) {
    %c0_i32 = arith.constant 0 : i32
    %c0_i32_0 = arith.constant 0 : i32
    %c0_i32_1 = arith.constant 0 : i32
    return %c0_i32, %c0_i32_0 : i32, i32
  }
  func.func @transform_14(%arg0: i32) -> (i32, i32) {
    %c0_i32 = arith.constant 0 : i32
    %c0_i32_0 = arith.constant 0 : i32
    %c0_i32_1 = arith.constant 0 : i32
    return %c0_i32, %c0_i32_0 : i32, i32
  }
  func.func @transform_15(%arg0: i32) -> (i32, i32) {
    %c0_i32 = arith.constant 0 : i32
    %c0_i32_0 = arith.constant 0 : i32
    %c0_i32_1 = arith.constant 0 : i32
    return %c0_i32, %c0_i32_0 : i32, i32
  }
  func.func @transform_16(%arg0: i32) -> (i32, i32) {
    %c0_i32 = arith.constant 0 : i32
    %c0_i32_0 = arith.constant 0 : i32
    %c0_i32_1 = arith.constant 0 : i32
    return %c0_i32, %c0_i32_0 : i32, i32
  }
  func.func @transform_17(%arg0: i32) -> (i32, i32) {
    %c0_i32 = arith.constant 0 : i32
    %c0_i32_0 = arith.constant 0 : i32
    %c0_i32_1 = arith.constant 0 : i32
    return %c0_i32, %c0_i32_0 : i32, i32
  }
  func.func @transform_18(%arg0: i32) -> (i32, i32) {
    %c0_i32 = arith.constant 0 : i32
    %c0_i32_0 = arith.constant 0 : i32
    %c0_i32_1 = arith.constant 0 : i32
    return %c0_i32, %c0_i32_0 : i32, i32
  }
  func.func @transform_19(%arg0: i32) -> (i32, i32) {
    %c0_i32 = arith.constant 0 : i32
    %c0_i32_0 = arith.constant 0 : i32
    %c0_i32_1 = arith.constant 0 : i32
    return %c0_i32, %c0_i32_0 : i32, i32
  }
  func.func @transform_20(%arg0: i32) -> (i32, i32) {
    %c0_i32 = arith.constant 0 : i32
    %c0_i32_0 = arith.constant 0 : i32
    %c0_i32_1 = arith.constant 0 : i32
    return %c0_i32, %c0_i32_0 : i32, i32
  }
  func.func @transform_21(%arg0: i32) -> (i32, i32) {
    %c0_i32 = arith.constant 0 : i32
    %c0_i32_0 = arith.constant 0 : i32
    %c0_i32_1 = arith.constant 0 : i32
    return %c0_i32, %c0_i32_0 : i32, i32
  }
  func.func @transform_22(%arg0: i32) -> (i32, i32) {
    %c0_i32 = arith.constant 0 : i32
    %c0_i32_0 = arith.constant 0 : i32
    %c0_i32_1 = arith.constant 0 : i32
    return %c0_i32, %c0_i32_0 : i32, i32
  }
  func.func @transform_23(%arg0: i32) -> (i32, i32) {
    %c0_i32 = arith.constant 0 : i32
    %c0_i32_0 = arith.constant 0 : i32
    %c0_i32_1 = arith.constant 0 : i32
    return %c0_i32, %c0_i32_0 : i32, i32
  }
  func.func @transform_24(%arg0: i32) -> (i32, i32) {
    %c0_i32 = arith.constant 0 : i32
    %c0_i32_0 = arith.constant 0 : i32
    %c0_i32_1 = arith.constant 0 : i32
    return %c0_i32, %c0_i32_0 : i32, i32
  }
  func.func @transform_25(%arg0: i32) -> (i32, i32) {
    %c0_i32 = arith.constant 0 : i32
    %c0_i32_0 = arith.constant 0 : i32
    %c0_i32_1 = arith.constant 0 : i32
    return %c0_i32, %c0_i32_0 : i32, i32
  }
  func.func @transform_26(%arg0: i32) -> (i32, i32) {
    %c0_i32 = arith.constant 0 : i32
    %c0_i32_0 = arith.constant 0 : i32
    %c0_i32_1 = arith.constant 0 : i32
    return %c0_i32, %c0_i32_0 : i32, i32
  }
  func.func @transform_27(%arg0: i32) -> (i32, i32) {
    %c0_i32 = arith.constant 0 : i32
    %c0_i32_0 = arith.constant 0 : i32
    %c0_i32_1 = arith.constant 0 : i32
    return %c0_i32, %c0_i32_0 : i32, i32
  }
  func.func @transform_28(%arg0: i32) -> (i32, i32) {
    %c0_i32 = arith.constant 0 : i32
    %c0_i32_0 = arith.constant 0 : i32
    %c0_i32_1 = arith.constant 0 : i32
    return %c0_i32, %c0_i32_0 : i32, i32
  }
  func.func @transform_29(%arg0: i32) -> (i32, i32) {
    %c0_i32 = arith.constant 0 : i32
    %c0_i32_0 = arith.constant 0 : i32
    %c0_i32_1 = arith.constant 0 : i32
    return %c0_i32, %c0_i32_0 : i32, i32
  }
  func.func @transform_30(%arg0: i32) -> (i32, i32, i32) {
    %c0_i32 = arith.constant 0 : i32
    %c0_i32_0 = arith.constant 0 : i32
    %c0_i32_1 = arith.constant 0 : i32
    return %arg0, %c0_i32, %c0_i32_0 : i32, i32, i32
  }
}

</mosaic_0001>

<sc_bundles>
// kernel: kernel.4.cloned.1.call-start
scs
__scs_entry_jumppad:
0x0: {  	(pc) =	sbr.rel $0x88, $3  }
0x1: {  	(tag) =	ssettag $0x0;
	lr =	simm.s32 $0x1  }
0x2: {  	[smem:$0x3F7E] =	sst lr;
	_ =	strace $0xD0000000  }
0x3: {  	_ = 	snop  }
0x4: {  	_ = 	snop  }
0x5: {  	_ = 	snop  }
0x6: {  	_ = 	snop  }
0x7: {  	_ = 	snop  }
__scs_overlays_trampoline_lowered:
0x8: {  	[smem:$0x3F8D] =	sst s0  }
0x9: {  	[smem:$0x3F8E] =	sst s1  }
0xa: {  	[smem:$0x3F8F] =	sst s2  }
0xb: {  	[smem:$0x3F90] =	sst s3  }
0xc: {  	[smem:$0x3F91] =	sst s4  }
0xd: {  	[smem:$0x3F92] =	sst s5  }
0xe: {  	[smem:$0x3F93] =	sst s6  }
0xf: {  	[smem:$0x3F94] =	sst s7  }
0x10: {  	[smem:$0x3F95] =	sst s8  }
0x11: {  	[smem:$0x3F96] =	sst s9;
	s0 =	simm.s32 @!p0 $0x0  }
0x12: {  	s1 =	sld [smem:$0x3F7C];
	s0 =	simm.s32 @p0 $0x1  }
0x13: {  	[smem:$0x3F97] =	sst s0;
	s0 =	simm.s32 @!p1 $0x0  }
0x14: {  	s2 =	sld [smem:$0x3F7B];
	s0 =	simm.s32 @p1 $0x1  }
0x15: {  	[smem:$0x3F98] =	sst s0;
	s0 =	simm.s32 @!p2 $0x0  }
0x16: {  	s3 =	sld [smem:$0x3FDB];
	s0 =	simm.s32 @p2 $0x1  }
0x17: {  	s4 =	simm.s32 $0x1BF5;
	[smem:$0x3F9A] =	sst s0  }
0x18: {  	s0 =	sld [smem:$0x3F7D];
	_ =	swait.ge [sflag:s4], $0x0  }
0x19: {  	s7 =	sld [smem:$0x3F7E]  }
0x1a: {  	s8 =	sadd.s32 $0xFFFFE003, lr  }
0x1b: {  	s9 =	sadd.s32 $0xFFFFFEF7, lr;
	s5 =	simm.s32 $0xFFFFFFFF;
	p2 =	slt.u32 s8, $0xFFFFF086  }
0x1c: {  	p1 =	slt.u32 s9, $0xF7A;
	s5 =	simm.s32 @!p2 $0x0  }
0x1d: {  	s5 =	simm.s32 @p1 $0x1;
	p0 =	seq.s32 s7, s2  }
0x1e: {  	s7 =	smul.u32 @!p0 $0xF7A, s2;
	p2 =	seq.s32 @!p0 s5, $0x0  }
0x1f: {  	s9 =	smul.u32 $0xF7A, s1;
	s8 =	simm.s32 @!p0 $0x1BF5;
	p2 =	por !p2, p0  }
0x20: {  	[sflag:s8] =	ssyncset.s32 @!p0 $0xFFFFF086;
	s6 =	sadd.s32 @!p0 s3, s7;
	s7 =	simm.s32 @!p0 $0x108  }
0x21: {  	s3 =	sadd.s32 s3, s9;
	s6 =	sadd.s32 @!p0 $0x88, s6;
	s7 =	simm.s32 @p2 $0x1082  }
0x22: {  	[simem:s7], [sflag:s8] =	dma.local @!p0 [hbm:s6], $0xF7A  }
0x23: {  	s9 =	sor.u32 $0xD0000000, s2;
	s6 =	simm.s32 $0x108;
	_ =	swait.ge @!p0 [sflag:s8], $0x0  }
0x24: {  	s3 =	sadd.s32 $0x88, s3;
	s6 =	simm.s32 @!p1 $0x1082;
	[sflag:s4] =	ssyncset.s32 $0xFFFFF086  }
0x25: {  	[simem:s6], [sflag:s4] =	dma.local [hbm:s3], $0xF7A  }
0x26: {  	[smem:$0x3F7E] =	sst s1;
	(tag) =	ssettag s2;
	_ =	strace s9  }
0x27: {  	s1 =	sld [smem:$0x3F8E]  }
0x28: {  	s2 =	sld [smem:$0x3F8F]  }
0x29: {  	s4 =	sld [smem:$0x3F91]  }
0x2a: {  	p0 =	seq.s32 s5, $0x0;
	s5 =	sld [smem:$0x3F92]  }
0x2b: {  	s6 =	sld [smem:$0x3F93]  }
0x2c: {  	s7 =	sld [smem:$0x3F94]  }
0x2d: {  	s3 =	simm.s32 $0x108;
	s8 =	sld [smem:$0x3F95]  }
0x2e: {  	s3 =	simm.s32 @!p0 $0x1082;
	s9 =	sld [smem:$0x3F96]  }
0x2f: {  	lr =	sadd.s32 s0, s3;
	s0 =	sld [smem:$0x3F8D]  }
0x30: {  	s3 =	sld [smem:$0x3F90]  }
0x31: {  	[smem:$0x3F99] =	sst s10  }
0x32: {  	s10 =	sld [smem:$0x3F97];
	_ =	sdelay $0x3  }
0x33: {  	p0 =	seq.s32 s10, $0x1;
	s10 =	sld [smem:$0x3F99];
	_ =	sdelay $0x3  }
0x34: {  	[smem:$0x3F99] =	sst s10  }
0x35: {  	s10 =	sld [smem:$0x3F98];
	_ =	sdelay $0x3  }
0x36: {  	p1 =	seq.s32 s10, $0x1;
	s10 =	sld [smem:$0x3F99];
	_ =	sdelay $0x3  }
0x37: {  	[smem:$0x3F99] =	sst s10  }
0x38: {  	s10 =	sld [smem:$0x3F9A]  }
0x39: {  	_ = 	snop;
	(pc) =	sbr.ind lr, $3  }
0x3a: {  	_ = 	snop  }
0x3b: {  	_ = 	snop  }
0x3c: {  	p2 =	seq.s32 s10, $0x1;
	s10 =	sld [smem:$0x3F99]  }
0x3d: {  	_ =	shalt  }
0x3e: {  	_ =	shalt  }
0x3f: {  	_ =	shalt  }
0x40: {  	_ =	shalt  }
0x41: {  	_ =	shalt  }
0x42: {  	_ =	shalt  }
0x43: {  	_ =	shalt  }
0x44: {  	_ =	shalt  }
0x45: {  	_ =	shalt  }
0x46: {  	_ =	shalt  }
0x47: {  	_ =	shalt  }
0x48: {  	_ =	shalt  }
0x49: {  	_ =	shalt  }
0x4a: {  	_ =	shalt  }
0x4b: {  	_ =	shalt  }
0x4c: {  	_ =	shalt  }
0x4d: {  	_ =	shalt  }
0x4e: {  	_ =	shalt  }
0x4f: {  	_ =	shalt  }
0x50: {  	_ =	shalt  }
0x51: {  	_ =	shalt  }
0x52: {  	_ =	shalt  }
0x53: {  	_ =	shalt  }
0x54: {  	_ =	shalt  }
0x55: {  	_ =	shalt  }
0x56: {  	_ =	shalt  }
0x57: {  	_ =	shalt  }
0x58: {  	_ =	shalt  }
0x59: {  	_ =	shalt  }
0x5a: {  	_ =	shalt  }
0x5b: {  	_ =	shalt  }
0x5c: {  	_ =	shalt  }
0x5d: {  	_ =	shalt  }
0x5e: {  	_ =	shalt  }
0x5f: {  	_ =	shalt  }
0x60: {  	_ =	shalt  }
0x61: {  	_ =	shalt  }
0x62: {  	_ =	shalt  }
0x63: {  	_ =	shalt  }
0x64: {  	_ =	shalt  }
0x65: {  	_ =	shalt  }
0x66: {  	_ =	shalt  }
0x67: {  	_ =	shalt  }
0x68: {  	_ =	shalt  }
0x69: {  	_ =	shalt  }
0x6a: {  	_ =	shalt  }
0x6b: {  	_ =	shalt  }
0x6c: {  	_ =	shalt  }
0x6d: {  	_ =	shalt  }
0x6e: {  	_ =	shalt  }
0x6f: {  	_ =	shalt  }
0x70: {  	_ =	shalt  }
0x71: {  	_ =	shalt  }
0x72: {  	_ =	shalt  }
0x73: {  	_ =	shalt  }
0x74: {  	_ =	shalt  }
0x75: {  	_ =	shalt  }
0x76: {  	_ =	shalt  }
0x77: {  	_ =	shalt  }
0x78: {  	_ =	shalt  }
0x79: {  	_ =	shalt  }
0x7a: {  	_ =	shalt  }
0x7b: {  	_ =	shalt  }
0x7c: {  	_ =	shalt  }
0x7d: {  	_ =	shalt  }
0x7e: {  	_ =	shalt  }
0x7f: {  	_ =	shalt  }
0x80: {  	_ =	shalt  }
0x81: {  	_ =	shalt  }
0x82: {  	_ =	shalt  }
0x83: {  	_ =	shalt  }
0x84: {  	_ =	shalt  }
0x85: {  	_ =	shalt  }
0x86: {  	_ =	shalt  }
0x87: {  	_ =	shalt  }
.Lfunc_end0:
.L_simem_size_0:
called_computation_lowered:
.L_overlay_start_0:
0x88: {  	s2 =	sld [smem:$0x3FD9]  }
0x89: {  	s3 =	sld [smem:$0x3FFE];
	_ =	sdelay $0x1  }
0x8a: {  	s1 =	srdreg.scid  }
0x8b: {  	s0 =	sand.u32 $0x1, s1  }
0x8c: {  	s17 =	sshll.u32 s0, $0xA;
	s2 =	sadd.s32 s3, s2  }
0x8d: {  	s2 =	sadd.s32 s2, s17  }
0x8e: {  	[smem:$0x3FA5] =	sst s2  }
0x8f: {  	_ = 	snop  }
0x90: {  	s2 =	sld [smem:$0x3FC8]  }
0x91: {  	s18 =	sld [smem:$0x3FBC]  }
0x92: {  	s4 =	sld [smem:$0x3FD0];
	(tm) =	ssettm $0x1  }
0x93: {  	s5 =	sld [smem:$0x3FFB];
	_ =	sdelay $0x3  }
0x94: {  	_ =	strace s5  }
0x95: {  	s5 =	sld [smem:$0x3FFC];
	_ =	sdelay $0x3  }
0x96: {  	_ =	strace s5  }
0x97: {  	s5 =	sld [smem:$0x3FFD];
	_ =	sdelay $0x3  }
0x98: {  	_ =	strace s5  }
0x99: {  	_ =	strace $0x8FFFFFFF  }
0x9a: {  	s19 =	sld [smem:$0x3FDB];
	_ =	sdelay $0x1  }
0x9b: {  	s6 =	simm.s32 $_scs_section_size  }
0x9c: {  	s7 =	simm.s32 $_size__tile_overlayer_lowered;
	s8 =	simm.s32 $_tile_overlayer_lowered  }
0x9d: {  	s22 =	simm.s32 $0x1BFF;
	s21 =	sshll.u32 s8, $0x1;
	s5 =	sadd.s32 s6, s19  }
0x9e: {  	s9 =	simm.s32 $0x0;
	s20 =	sshll.u32 s7, $0x1;
	s7 =	sadd.s32 s21, s5  }
0x9f: {  	[timem:s9], [sflag:s22] =	dma.local [hbm:s7], s20  }
0xa0: {  	_ =	swait.ge [sflag:s22], s20  }
0xa1: {  	s6 =	ssub.s32 $0x0, s20;
	[sflag:s22] =	ssyncset.done $0x0  }
0xa2: {  	[sflag:s22] =	ssyncadd.s32 s6;
	_ =	sdelay $0x1  }
0xa3: {  	s23 =	simm.s32 $0x1B8B  }
0xa4: {  	_ =	swait.ge [sflag:s23], $0x1  }
0xa5: {  	[sflag:s23] =	ssyncset.done $0x0  }
0xa6: {  	s25 =	simm.s32 $0x1B8E;
	s24 =	sld [smem:$0x3FFE];
	[sflag:s23] =	ssyncadd.s32 $0xFFFFFFFF  }
0xa7: {  	s26 =	simm.s32 $execute0_lowered;
	[smem:$0x3FD2] =	sst s25  }
0xa8: {  	s7 =	sshll.u32 s26, $0x1;
	_ =	strace $0x80000046;
	[dreg:$0x1] =	wrdreg $0xFFFFFFFF  }
0xa9: {  	s28 =	simm.s32 $_size_execute0_lowered;
	s5 =	sadd.s32 s5, s7;
	[dreg:$0x0] =	wrdreg $0x0  }
0xaa: {  	s7 =	sshll.u32 s28, $0x1;
	[dreg:$0x2] =	wrdreg s5  }
0xab: {  	[dreg:$0x3] =	wrdreg s7  }
0xac: {  	[dreg:$0x4] =	wrdreg $0xC0  }
0xad: {  	_ =	task [dreg:s9], $0x5FFFF  }
0xae: {  	[dreg:$0x1] =	wrdreg $0xFFFFFFFF  }
0xaf: {  	[dreg:$0x0] =	wrdreg $0x60  }
0xb0: {  	[dreg:$0x2] =	wrdreg s2  }
0xb1: {  	[dreg:$0x3] =	wrdreg s24  }
0xb2: {  	[dreg:$0x4] =	wrdreg s18  }
0xb3: {  	[dreg:$0x5] =	wrdreg s4  }
0xb4: {  	[dreg:$0x6] =	wrdreg $0x9  }
0xb5: {  	_ =	task.clear_ibuf [dreg:s9], $0x7FFFF;
	_ =	strace $0x90000046  }
0xb6: {  	s29 =	simm.s32 $0x9;
	_ =	strace $0x80000048  }
0xb7: {  	_ =	swait.ge [sflag:s29], $0x1  }
0xb8: {  	[sflag:s29] =	ssyncadd.s32 $0xFFFFFFFF  }
0xb9: {  	_ =	strace $0x90000048  }
0xba: {  	_ =	sfence  }
0xbb: {  	s30 =	sld [smem:$0x0];
	_ =	sdelay $0x2  }
0xbc: {  	s31 =	sshll.u32 s1, $0xD;
	s1 =	sshrl.u32 s1, $0x2  }
0xbd: {  	s3 =	sand.u32 $0x4000, s31;
	s1 =	sadd.s32 s1, s30  }
0xbe: {  	s0 =	sor.u32 s3, s0;
	s1 =	sshll.u32 s1, $0x11  }
0xbf: {  	s0 =	sor.u32 s1, s0  }
0xc0: {  	s0 =	sadd.s32 $0x8F2B, s0  }
0xc1: {  	[sflag:s0] =	ssyncadd.remote.s32 $0x1  }
0xc2: {  	_ =	sfence.sel $0xFFFF  }
0xc3: {  	[dreg:$0x0] =	wrdreg $0xFFFFFFFF;
	(pc) =	sbr.abs _section_cstart, $3  }
0xc4: {  	[dreg:$0x1] =	wrdreg $0xFFFFFFFF  }
0xc5: {  	_ =	task.clear_ibuf [dreg:s9], $0x2FFFF;
	_ =	strace $0x9FFFFFFF  }
0xc6: {  	(tm) =	ssettm $0x7FFFFFFF  }
0xc7: {  	_ =	shalt  }
tec
execute0_lowered:
.L_overlay_start_1:
0x0: {  	(tag) =	ssettag $0x1  }
0x1: {  	s1 =	rddreg [dreg:$0x0]  }
0x2: {  	s0 =	rddreg [dreg:$0x1]  }
0x3: {  	s2 =	rddreg [dreg:$0x3]  }
0x4: {  	s3 =	srdreg.scid;
	s5 =	stileid.u32  }
0x5: {  	s4 =	simm.s32 $0x0;
	s3 =	sand.u32 $0x1, s3;
	s5 =	sshll.u32 s5, $0x1  }
0x6: {  	[smem:$0x7FF] =	sst s4;
	s7 =	sadd.s32 $0x4400, s0;
	s5 =	sor.u32 s3, s5  }
0x7: {  	_ =	strace $0x80000047;
	[dreg:$0x5] =	wrdreg s7;
	s6 =	sshll.u32 s5, $0x8  }
0x8: {  	s13 =	sshll.u32 s5, $0x10;
	s6 =	sadd.s32 s6, s0;
	s0 =	sadd.s32 $0x6600, s0  }
0x9: {  	s15 =	sadd.s32 s2, s13;
	[dreg:$0x6] =	wrdreg s0  }
0xa: {  	s14 =	sadd.s32 $0x4600, s6;
	[dreg:$0x17] =	wrdreg s15  }
0xb: {  	s2 =	sadd.s32 $0x1000, s15;
	[dreg:$0x7] =	wrdreg s14  }
0xc: {  	s16 =	sadd.s32 $0x2000, s15;
	[dreg:$0x8] =	wrdreg s2  }
0xd: {  	s17 =	sadd.s32 $0x3000, s15;
	[dreg:$0x9] =	wrdreg s16  }
0xe: {  	s18 =	sadd.s32 $0x4000, s15;
	[dreg:$0xa] =	wrdreg s17  }
0xf: {  	s19 =	sadd.s32 $0x5000, s15;
	[dreg:$0xb] =	wrdreg s18  }
0x10: {  	s20 =	sadd.s32 $0x6000, s15;
	[dreg:$0xc] =	wrdreg s19  }
0x11: {  	s21 =	sadd.s32 $0x7000, s15;
	[dreg:$0xd] =	wrdreg s20  }
0x12: {  	s28 =	simm.s32 $0x1000;
	s22 =	sadd.s32 $0x8000, s15;
	[dreg:$0xe] =	wrdreg s21  }
0x13: {  	s3 =	ssub.s32 $0x2, s3;
	s23 =	sadd.s32 $0x9000, s15;
	[dreg:$0xf] =	wrdreg s22  }
0x14: {  	s12 =	sshrl.u32 s3, $0x1;
	s24 =	sadd.s32 $0xA000, s15;
	[dreg:$0x10] =	wrdreg s23  }
0x15: {  	p0 =	sne.s32 s5, $0x0;
	s25 =	sadd.s32 $0xB000, s15;
	[dreg:$0x11] =	wrdreg s24  }
0x16: {  	s5 =	simm.s32 $0x2;
	s26 =	sadd.s32 $0xC000, s15;
	[dreg:$0x12] =	wrdreg s25  }
.Ltmp0:
0x17: {  	s29 =	sadd.s32 $0xD000, s15;
	[dreg:$0x13] =	wrdreg s26;
	(pc) =	sbr.rel .LBB2_1-.Ltmp0, $4  }
0x18: {  	s0 =	ssub.s32 s3, s12;
	s30 =	sadd.s32 $0xE000, s15;
	[dreg:$0x14] =	wrdreg s29  }
0x19: {  	v2 =	vlaneseq.u32;
	s31 =	sadd.s32 $0xF000, s15;
	s15 =	simm.s32 $0x8800;
	[dreg:$0x15] =	wrdreg s30  }
0x1a: {  	vm0 =	vmmov $0xffff;
	v1 =	vshrl.u32 v2, $0x3;
	s6 =	simm.s32 $0x4;
	[dreg:$0x16] =	wrdreg s31;
	s3 =	smax.u32 s0, $0x1  }
0x1b: {  	v0 =	vand.u32 $0x7, v2;
	v2 =	vor.u32 $0x8, v2;
	v1 =	vmul.u32 $0x8, v1;
	s26 =	simm.s32 $0x800;
	s0 =	simm.s32 $0x1;
	s2 =	simm.s32 $0x3  }
.LBB2_3:
0x1c: {  	s3 =	rddreg [dreg:$0x18]  }
0x1d: {  	s3 =	sadd.s32 $0xFFFFFFFF, s3  }
0x1e: {  	p1 =	sne.s32 s3, $0x0  }
.Ltmp1:
0x1f: {  	_ = 	snop;
	(pc) =	sbr.rel @!p1 .LBB2_4-.Ltmp1, $1  }
0x20: {  	_ =	sdelay $0x3  }
.LBB2_1:
0x21: {  	[dreg:$0x18] =	wrdreg s3  }
0x22: {  	s7 =	rddreg [dreg:$0x7];
	s19 =	simm.s32 $0x6  }
0x23: {  	[tilespmem:s4], [sflag:$0x6] =	stream.linear.gather [hbm4b:s7+s4], $0x800, $0x38;
	[tilespmem:$0x18880] =	vst v63  }
0x24: {  	_ =	swait.ge [sflag:s19], $0x800  }
0x25: {  	[sflag:s19] =	ssyncset.done $0x0  }
0x26: {  	[sflag:s19] =	ssyncadd.s32 $0xFFFFF800  }
0x27: {  	v3 =	vld [tilespmem:$0x0];
	_ =	sdelay $0x4  }
0x28: {  	v4 =	vshll.u32 v3, $0x1  }
0x29: {  	v3 =	vand.u32 $0x7, v3;
	v4 =	vand.u32 $0xFFFFFFF0, v4  }
0x2a: {  	v3 =	vor.u32 v3, v4  }
0x2b: {  	v4 =	vperm.xlane v3, v0;
	_ =	sdelay $0x1  }
0x2c: {  	v3 =	vperm.xlane v3, v2;
	v4 =	vadd.s32 v1, v4;
	_ =	sdelay $0x1  }
0x2d: {  	v3 =	vadd.s32 v1, v3;
	_ =	sdelay $0x2  }
0x2e: {  	[tilespmem:s26], [sflag:$0x1] =	stream.indirect_vreg.gather [hbm4b:s1+s4], $0x80, v4, vm0, $0xb8;
	[tilespmem:$0x18880] =	vst v63  }
0x2f: {  	_ = 	snop  }
0x30: {  	[tilespmem:s28], [sflag:$0x1] =	stream.indirect_vreg.gather [hbm4b:s1+s4], $0x80, v3, vm0, $0xb8;
	[tilespmem:$0x18880] =	vst v63  }
0x31: {  	v3 =	vld [tilespmem:$0x10];
	_ =	sdelay $0x4  }
0x32: {  	v49 =	vshll.u32 v3, $0x1  }
0x33: {  	v3 =	vand.u32 $0x7, v3;
	v4 =	vand.u32 $0xFFFFFFF0, v49  }
0x34: {  	v3 =	vor.u32 v3, v4  }
0x35: {  	v4 =	vperm.xlane v3, v0;
	_ =	sdelay $0x1  }
0x36: {  	v3 =	vperm.xlane v3, v2;
	v4 =	vadd.s32 v1, v4;
	_ =	sdelay $0x1  }
0x37: {  	v3 =	vadd.s32 v1, v3;
	_ =	sdelay $0x1  }
0x38: {  	s20 =	simm.s32 $0x1800  }
0x39: {  	[tilespmem:s20], [sflag:$0x1] =	stream.indirect_vreg.gather [hbm4b:s1+s4], $0x80, v4, vm0, $0xb8;
	[tilespmem:$0x18880] =	vst v63  }
0x3a: {  	s21 =	simm.s32 $0x2000  }
0x3b: {  	[tilespmem:s21], [sflag:$0x1] =	stream.indirect_vreg.gather [hbm4b:s1+s4], $0x80, v3, vm0, $0xb8;
	[tilespmem:$0x18880] =	vst v63  }
0x3c: {  	v3 =	vld [tilespmem:$0x20];
	_ =	sdelay $0x4  }
0x3d: {  	v50 =	vshll.u32 v3, $0x1  }
0x3e: {  	v3 =	vand.u32 $0x7, v3;
	v4 =	vand.u32 $0xFFFFFFF0, v50  }
0x3f: {  	v3 =	vor.u32 v3, v4  }
0x40: {  	v4 =	vperm.xlane v3, v0;
	_ =	sdelay $0x1  }
0x41: {  	v3 =	vperm.xlane v3, v2;
	v4 =	vadd.s32 v1, v4;
	_ =	sdelay $0x1  }
0x42: {  	v3 =	vadd.s32 v1, v3;
	_ =	sdelay $0x1  }
0x43: {  	s22 =	simm.s32 $0x2800  }
0x44: {  	[tilespmem:s22], [sflag:$0x1] =	stream.indirect_vreg.gather [hbm4b:s1+s4], $0x80, v4, vm0, $0xb8;
	[tilespmem:$0x18880] =	vst v63  }
0x45: {  	s23 =	simm.s32 $0x3000  }
0x46: {  	[tilespmem:s23], [sflag:$0x1] =	stream.indirect_vreg.gather [hbm4b:s1+s4], $0x80, v3, vm0, $0xb8;
	[tilespmem:$0x18880] =	vst v63  }
0x47: {  	v3 =	vld [tilespmem:$0x30];
	_ =	sdelay $0x4  }
0x48: {  	v51 =	vshll.u32 v3, $0x1  }
0x49: {  	v3 =	vand.u32 $0x7, v3;
	v4 =	vand.u32 $0xFFFFFFF0, v51  }
0x4a: {  	v3 =	vor.u32 v3, v4  }
0x4b: {  	v4 =	vperm.xlane v3, v0;
	_ =	sdelay $0x1  }
0x4c: {  	v3 =	vperm.xlane v3, v2;
	v4 =	vadd.s32 v1, v4;
	_ =	sdelay $0x1  }
0x4d: {  	v3 =	vadd.s32 v1, v3;
	_ =	sdelay $0x1  }
0x4e: {  	s24 =	simm.s32 $0x3800  }
0x4f: {  	[tilespmem:s24], [sflag:$0x1] =	stream.indirect_vreg.gather [hbm4b:s1+s4], $0x80, v4, vm0, $0xb8;
	[tilespmem:$0x18880] =	vst v63  }
0x50: {  	s30 =	simm.s32 $0x4000  }
0x51: {  	[tilespmem:s30], [sflag:$0x1] =	stream.indirect_vreg.gather [hbm4b:s1+s4], $0x80, v3, vm0, $0xb8;
	[tilespmem:$0x18880] =	vst v63  }
0x52: {  	v3 =	vld [tilespmem:$0x40];
	_ =	sdelay $0x4  }
0x53: {  	v52 =	vshll.u32 v3, $0x1  }
0x54: {  	v3 =	vand.u32 $0x7, v3;
	v4 =	vand.u32 $0xFFFFFFF0, v52  }
0x55: {  	v3 =	vor.u32 v3, v4  }
0x56: {  	v4 =	vperm.xlane v3, v0;
	_ =	sdelay $0x1  }
0x57: {  	v3 =	vperm.xlane v3, v2;
	v4 =	vadd.s32 v1, v4;
	_ =	sdelay $0x1  }
0x58: {  	v3 =	vadd.s32 v1, v3;
	_ =	sdelay $0x1  }
0x59: {  	s31 =	simm.s32 $0x4800  }
0x5a: {  	[tilespmem:s31], [sflag:$0x1] =	stream.indirect_vreg.gather [hbm4b:s1+s4], $0x80, v4, vm0, $0xb8;
	[tilespmem:$0x18880] =	vst v63  }
0x5b: {  	s7 =	simm.s32 $0x5000  }
0x5c: {  	[tilespmem:s7], [sflag:$0x1] =	stream.indirect_vreg.gather [hbm4b:s1+s4], $0x80, v3, vm0, $0xb8;
	[tilespmem:$0x18880] =	vst v63  }
0x5d: {  	v3 =	vld [tilespmem:$0x50];
	_ =	sdelay $0x4  }
0x5e: {  	v53 =	vshll.u32 v3, $0x1  }
0x5f: {  	v3 =	vand.u32 $0x7, v3;
	v4 =	vand.u32 $0xFFFFFFF0, v53  }
0x60: {  	v3 =	vor.u32 v3, v4  }
0x61: {  	v4 =	vperm.xlane v3, v0;
	_ =	sdelay $0x1  }
0x62: {  	v3 =	vperm.xlane v3, v2;
	v4 =	vadd.s32 v1, v4;
	_ =	sdelay $0x1  }
0x63: {  	v3 =	vadd.s32 v1, v3;
	_ =	sdelay $0x1  }
0x64: {  	s8 =	simm.s32 $0x5800  }
0x65: {  	[tilespmem:s8], [sflag:$0x1] =	stream.indirect_vreg.gather [hbm4b:s1+s4], $0x80, v4, vm0, $0xb8;
	[tilespmem:$0x18880] =	vst v63  }
0x66: {  	s9 =	simm.s32 $0x6000  }
0x67: {  	[tilespmem:s9], [sflag:$0x1] =	stream.indirect_vreg.gather [hbm4b:s1+s4], $0x80, v3, vm0, $0xb8;
	[tilespmem:$0x18880] =	vst v63  }
0x68: {  	v3 =	vld [tilespmem:$0x60];
	_ =	sdelay $0x4  }
0x69: {  	v54 =	vshll.u32 v3, $0x1  }
0x6a: {  	v3 =	vand.u32 $0x7, v3;
	v4 =	vand.u32 $0xFFFFFFF0, v54  }
0x6b: {  	v3 =	vor.u32 v3, v4  }
0x6c: {  	v4 =	vperm.xlane v3, v0;
	_ =	sdelay $0x1  }
0x6d: {  	v3 =	vperm.xlane v3, v2;
	v4 =	vadd.s32 v1, v4;
	_ =	sdelay $0x1  }
0x6e: {  	v3 =	vadd.s32 v1, v3;
	_ =	sdelay $0x1  }
0x6f: {  	s10 =	simm.s32 $0x6800  }
0x70: {  	[tilespmem:s10], [sflag:$0x1] =	stream.indirect_vreg.gather [hbm4b:s1+s4], $0x80, v4, vm0, $0xb8;
	[tilespmem:$0x18880] =	vst v63  }
0x71: {  	s11 =	simm.s32 $0x7000  }
0x72: {  	[tilespmem:s11], [sflag:$0x1] =	stream.indirect_vreg.gather [hbm4b:s1+s4], $0x80, v3, vm0, $0xb8;
	[tilespmem:$0x18880] =	vst v63  }
0x73: {  	v3 =	vld [tilespmem:$0x70];
	_ =	sdelay $0x4  }
0x74: {  	v55 =	vshll.u32 v3, $0x1  }
0x75: {  	v3 =	vand.u32 $0x7, v3;
	v4 =	vand.u32 $0xFFFFFFF0, v55  }
0x76: {  	v3 =	vor.u32 v3, v4  }
0x77: {  	v4 =	vperm.xlane v3, v0;
	_ =	sdelay $0x1  }
0x78: {  	v3 =	vperm.xlane v3, v2;
	v4 =	vadd.s32 v1, v4;
	_ =	sdelay $0x1  }
0x79: {  	v3 =	vadd.s32 v1, v3;
	_ =	sdelay $0x1  }
0x7a: {  	s12 =	simm.s32 $0x7800  }
0x7b: {  	[tilespmem:s12], [sflag:$0x1] =	stream.indirect_vreg.gather [hbm4b:s1+s4], $0x80, v4, vm0, $0xb8;
	[tilespmem:$0x18880] =	vst v63  }
0x7c: {  	s13 =	simm.s32 $0x8000  }
0x7d: {  	[tilespmem:s13], [sflag:$0x1] =	stream.indirect_vreg.gather [hbm4b:s1+s4], $0x80, v3, vm0, $0xb8;
	[tilespmem:$0x18880] =	vst v63  }
0x7e: {  	v3 =	vld [tilespmem:$0x80];
	_ =	sdelay $0x4  }
0x7f: {  	v56 =	vshll.u32 v3, $0x1  }
0x80: {  	v3 =	vand.u32 $0x7, v3;
	v4 =	vand.u32 $0xFFFFFFF0, v56  }
0x81: {  	v3 =	vor.u32 v3, v4  }
0x82: {  	v4 =	vperm.xlane v3, v0;
	_ =	sdelay $0x1  }
0x83: {  	v3 =	vperm.xlane v3, v2;
	v4 =	vadd.s32 v1, v4;
	_ =	sdelay $0x1  }
0x84: {  	v3 =	vadd.s32 v1, v3;
	_ =	sdelay $0x2  }
0x85: {  	[tilespmem:s15], [sflag:$0x2] =	stream.indirect_vreg.gather [hbm4b:s1+s4], $0x80, v4, vm0, $0xb8;
	[tilespmem:$0x18880] =	vst v63  }
0x86: {  	s14 =	simm.s32 $0x9000  }
0x87: {  	[tilespmem:s14], [sflag:$0x2] =	stream.indirect_vreg.gather [hbm4b:s1+s4], $0x80, v3, vm0, $0xb8;
	[tilespmem:$0x18880] =	vst v63  }
0x88: {  	v3 =	vld [tilespmem:$0x90];
	_ =	sdelay $0x4  }
0x89: {  	v57 =	vshll.u32 v3, $0x1  }
0x8a: {  	v3 =	vand.u32 $0x7, v3;
	v4 =	vand.u32 $0xFFFFFFF0, v57  }
0x8b: {  	v3 =	vor.u32 v3, v4  }
0x8c: {  	v4 =	vperm.xlane v3, v0;
	_ =	sdelay $0x1  }
0x8d: {  	v3 =	vperm.xlane v3, v2;
	v4 =	vadd.s32 v1, v4;
	_ =	sdelay $0x1  }
0x8e: {  	v3 =	vadd.s32 v1, v3;
	_ =	sdelay $0x1  }
0x8f: {  	s16 =	simm.s32 $0x9800  }
0x90: {  	[tilespmem:s16], [sflag:$0x2] =	stream.indirect_vreg.gather [hbm4b:s1+s4], $0x80, v4, vm0, $0xb8;
	[tilespmem:$0x18880] =	vst v63  }
0x91: {  	s17 =	simm.s32 $0xA000  }
0x92: {  	[tilespmem:s17], [sflag:$0x2] =	stream.indirect_vreg.gather [hbm4b:s1+s4], $0x80, v3, vm0, $0xb8;
	[tilespmem:$0x18880] =	vst v63  }
0x93: {  	v3 =	vld [tilespmem:$0xA0];
	_ =	sdelay $0x4  }
0x94: {  	v58 =	vshll.u32 v3, $0x1  }
0x95: {  	v3 =	vand.u32 $0x7, v3;
	v4 =	vand.u32 $0xFFFFFFF0, v58  }
0x96: {  	v3 =	vor.u32 v3, v4  }
0x97: {  	v4 =	vperm.xlane v3, v0;
	_ =	sdelay $0x1  }
0x98: {  	v3 =	vperm.xlane v3, v2;
	v4 =	vadd.s32 v1, v4;
	_ =	sdelay $0x1  }
0x99: {  	v3 =	vadd.s32 v1, v3;
	_ =	sdelay $0x1  }
0x9a: {  	s30 =	simm.s32 $0xA800  }
0x9b: {  	[tilespmem:s30], [sflag:$0x2] =	stream.indirect_vreg.gather [hbm4b:s1+s4], $0x80, v4, vm0, $0xb8;
	[tilespmem:$0x18880] =	vst v63  }
0x9c: {  	s7 =	simm.s32 $0xB000  }
0x9d: {  	[tilespmem:s7], [sflag:$0x2] =	stream.indirect_vreg.gather [hbm4b:s1+s4], $0x80, v3, vm0, $0xb8;
	[tilespmem:$0x18880] =	vst v63  }
0x9e: {  	v3 =	vld [tilespmem:$0xB0];
	_ =	sdelay $0x4  }
0x9f: {  	v59 =	vshll.u32 v3, $0x1  }
0xa0: {  	v3 =	vand.u32 $0x7, v3;
	v4 =	vand.u32 $0xFFFFFFF0, v59  }
0xa1: {  	v3 =	vor.u32 v3, v4  }
0xa2: {  	v4 =	vperm.xlane v3, v0;
	_ =	sdelay $0x1  }
0xa3: {  	v3 =	vperm.xlane v3, v2;
	v4 =	vadd.s32 v1, v4;
	_ =	sdelay $0x1  }
0xa4: {  	v3 =	vadd.s32 v1, v3;
	_ =	sdelay $0x1  }
0xa5: {  	s8 =	simm.s32 $0xB800  }
0xa6: {  	[tilespmem:s8], [sflag:$0x2] =	stream.indirect_vreg.gather [hbm4b:s1+s4], $0x80, v4, vm0, $0xb8;
	[tilespmem:$0x18880] =	vst v63  }
0xa7: {  	s11 =	simm.s32 $0xC000  }
0xa8: {  	[tilespmem:s11], [sflag:$0x2] =	stream.indirect_vreg.gather [hbm4b:s1+s4], $0x80, v3, vm0, $0xb8;
	[tilespmem:$0x18880] =	vst v63  }
0xa9: {  	v3 =	vld [tilespmem:$0xC0];
	_ =	sdelay $0x4  }
0xaa: {  	v60 =	vshll.u32 v3, $0x1  }
0xab: {  	v3 =	vand.u32 $0x7, v3;
	v4 =	vand.u32 $0xFFFFFFF0, v60  }
0xac: {  	v3 =	vor.u32 v3, v4  }
0xad: {  	v4 =	vperm.xlane v3, v0;
	_ =	sdelay $0x1  }
0xae: {  	v3 =	vperm.xlane v3, v2;
	v4 =	vadd.s32 v1, v4;
	_ =	sdelay $0x1  }
0xaf: {  	v3 =	vadd.s32 v1, v3;
	_ =	sdelay $0x1  }
0xb0: {  	s9 =	simm.s32 $0xC800  }
0xb1: {  	[tilespmem:s9], [sflag:$0x2] =	stream.indirect_vreg.gather [hbm4b:s1+s4], $0x80, v4, vm0, $0xb8;
	[tilespmem:$0x18880] =	vst v63  }
0xb2: {  	s13 =	simm.s32 $0xD000  }
0xb3: {  	[tilespmem:s13], [sflag:$0x2] =	stream.indirect_vreg.gather [hbm4b:s1+s4], $0x80, v3, vm0, $0xb8;
	[tilespmem:$0x18880] =	vst v63  }
0xb4: {  	v3 =	vld [tilespmem:$0xD0];
	_ =	sdelay $0x4  }
0xb5: {  	v61 =	vshll.u32 v3, $0x1  }
0xb6: {  	v3 =	vand.u32 $0x7, v3;
	v4 =	vand.u32 $0xFFFFFFF0, v61  }
0xb7: {  	v3 =	vor.u32 v3, v4  }
0xb8: {  	v4 =	vperm.xlane v3, v0;
	_ =	sdelay $0x1  }
0xb9: {  	v3 =	vperm.xlane v3, v2;
	v4 =	vadd.s32 v1, v4;
	_ =	sdelay $0x1  }
0xba: {  	v3 =	vadd.s32 v1, v3;
	_ =	sdelay $0x1  }
0xbb: {  	s14 =	simm.s32 $0xD800  }
0xbc: {  	[tilespmem:s14], [sflag:$0x2] =	stream.indirect_vreg.gather [hbm4b:s1+s4], $0x80, v4, vm0, $0xb8;
	[tilespmem:$0x18880] =	vst v63  }
0xbd: {  	s16 =	simm.s32 $0xE000  }
0xbe: {  	[tilespmem:s16], [sflag:$0x2] =	stream.indirect_vreg.gather [hbm4b:s1+s4], $0x80, v3, vm0, $0xb8;
	[tilespmem:$0x18880] =	vst v63  }
0xbf: {  	v3 =	vld [tilespmem:$0xE0];
	_ =	sdelay $0x4  }
0xc0: {  	v62 =	vshll.u32 v3, $0x1  }
0xc1: {  	v3 =	vand.u32 $0x7, v3;
	v4 =	vand.u32 $0xFFFFFFF0, v62  }
0xc2: {  	v3 =	vor.u32 v3, v4  }
0xc3: {  	v4 =	vperm.xlane v3, v0;
	_ =	sdelay $0x1  }
0xc4: {  	v3 =	vperm.xlane v3, v2;
	v4 =	vadd.s32 v1, v4;
	_ =	sdelay $0x1  }
0xc5: {  	v3 =	vadd.s32 v1, v3;
	_ =	sdelay $0x1  }
0xc6: {  	s17 =	simm.s32 $0xE800  }
0xc7: {  	[tilespmem:s17], [sflag:$0x2] =	stream.indirect_vreg.gather [hbm4b:s1+s4], $0x80, v4, vm0, $0xb8;
	[tilespmem:$0x18880] =	vst v63  }
0xc8: {  	s30 =	simm.s32 $0xF000  }
0xc9: {  	[tilespmem:s30], [sflag:$0x2] =	stream.indirect_vreg.gather [hbm4b:s1+s4], $0x80, v3, vm0, $0xb8;
	[tilespmem:$0x18880] =	vst v63  }
0xca: {  	v3 =	vld [tilespmem:$0xF0];
	_ =	sdelay $0x4  }
0xcb: {  	v63 =	vshll.u32 v3, $0x1  }
0xcc: {  	v3 =	vand.u32 $0x7, v3;
	v4 =	vand.u32 $0xFFFFFFF0, v63  }
0xcd: {  	v3 =	vor.u32 v3, v4  }
0xce: {  	v4 =	vperm.xlane v3, v0;
	_ =	sdelay $0x1  }
0xcf: {  	v3 =	vperm.xlane v3, v2;
	v4 =	vadd.s32 v1, v4;
	_ =	sdelay $0x1  }
0xd0: {  	v3 =	vadd.s32 v1, v3;
	_ =	sdelay $0x1  }
0xd1: {  	s9 =	simm.s32 $0xF800  }
0xd2: {  	[tilespmem:s9], [sflag:$0x2] =	stream.indirect_vreg.gather [hbm4b:s1+s4], $0x80, v4, vm0, $0xb8;
	[tilespmem:$0x18880] =	vst v63  }
0xd3: {  	s17 =	simm.s32 $0x10000  }
0xd4: {  	[tilespmem:s17], [sflag:$0x2] =	stream.indirect_vreg.gather [hbm4b:s1+s4], $0x80, v3, vm0, $0xb8;
	[tilespmem:$0x18880] =	vst v63  }
0xd5: {  	_ =	swait.ge [sflag:s0], $0x8000  }
0xd6: {  	[sflag:s0] =	ssyncset.done $0x0  }
0xd7: {  	s30 =	rddreg [dreg:$0x17];
	[sflag:s0] =	ssyncadd.s32 $0xFFFF8000  }
0xd8: {  	[hbm4b:s30+s4] =	stream.linear.scatter [tilespmem:s26], [sflag:$0x3], $0x8000, $0x38;
	[tilespmem:$0x18880] =	vst v63  }
0xd9: {  	_ =	swait.ge [sflag:s2], $0x8000  }
0xda: {  	[sflag:s2] =	ssyncset.done $0x0  }
0xdb: {  	[sflag:s2] =	ssyncadd.s32 $0xFFFF8000  }
0xdc: {  	v3 =	vld [tilespmem:$0x100];
	_ =	sdelay $0x4  }
0xdd: {  	v8 =	vshll.u32 v3, $0x1  }
0xde: {  	v3 =	vand.u32 $0x7, v3;
	v4 =	vand.u32 $0xFFFFFFF0, v8  }
0xdf: {  	v3 =	vor.u32 v3, v4  }
0xe0: {  	v4 =	vperm.xlane v3, v0;
	_ =	sdelay $0x1  }
0xe1: {  	v3 =	vperm.xlane v3, v2;
	v4 =	vadd.s32 v1, v4;
	_ =	sdelay $0x1  }
0xe2: {  	v3 =	vadd.s32 v1, v3;
	_ =	sdelay $0x2  }
0xe3: {  	[tilespmem:s26], [sflag:$0x1] =	stream.indirect_vreg.gather [hbm4b:s1+s4], $0x80, v4, vm0, $0xb8;
	[tilespmem:$0x18880] =	vst v63  }
0xe4: {  	_ = 	snop  }
0xe5: {  	[tilespmem:s28], [sflag:$0x1] =	stream.indirect_vreg.gather [hbm4b:s1+s4], $0x80, v3, vm0, $0xb8;
	[tilespmem:$0x18880] =	vst v63  }
0xe6: {  	v3 =	vld [tilespmem:$0x110];
	_ =	sdelay $0x4  }
0xe7: {  	v9 =	vshll.u32 v3, $0x1  }
0xe8: {  	v3 =	vand.u32 $0x7, v3;
	v4 =	vand.u32 $0xFFFFFFF0, v9  }
0xe9: {  	v3 =	vor.u32 v3, v4  }
0xea: {  	v4 =	vperm.xlane v3, v0;
	_ =	sdelay $0x1  }
0xeb: {  	v3 =	vperm.xlane v3, v2;
	v4 =	vadd.s32 v1, v4;
	_ =	sdelay $0x1  }
0xec: {  	v3 =	vadd.s32 v1, v3;
	_ =	sdelay $0x1  }
0xed: {  	s25 =	simm.s32 $0x1800  }
0xee: {  	[tilespmem:s25], [sflag:$0x1] =	stream.indirect_vreg.gather [hbm4b:s1+s4], $0x80, v4, vm0, $0xb8;
	[tilespmem:$0x18880] =	vst v63  }
0xef: {  	s29 =	simm.s32 $0x2000  }
0xf0: {  	[tilespmem:s29], [sflag:$0x1] =	stream.indirect_vreg.gather [hbm4b:s1+s4], $0x80, v3, vm0, $0xb8;
	[tilespmem:$0x18880] =	vst v63  }
0xf1: {  	v3 =	vld [tilespmem:$0x120];
	_ =	sdelay $0x4  }
0xf2: {  	v10 =	vshll.u32 v3, $0x1  }
0xf3: {  	v3 =	vand.u32 $0x7, v3;
	v4 =	vand.u32 $0xFFFFFFF0, v10  }
0xf4: {  	v3 =	vor.u32 v3, v4  }
0xf5: {  	v4 =	vperm.xlane v3, v0;
	_ =	sdelay $0x1  }
0xf6: {  	v3 =	vperm.xlane v3, v2;
	v4 =	vadd.s32 v1, v4;
	_ =	sdelay $0x1  }
0xf7: {  	v3 =	vadd.s32 v1, v3;
	_ =	sdelay $0x1  }
0xf8: {  	s18 =	simm.s32 $0x2800  }
0xf9: {  	[tilespmem:s18], [sflag:$0x1] =	stream.indirect_vreg.gather [hbm4b:s1+s4], $0x80, v4, vm0, $0xb8;
	[tilespmem:$0x18880] =	vst v63  }
0xfa: {  	s19 =	simm.s32 $0x3000  }
0xfb: {  	[tilespmem:s19], [sflag:$0x1] =	stream.indirect_vreg.gather [hbm4b:s1+s4], $0x80, v3, vm0, $0xb8;
	[tilespmem:$0x18880] =	vst v63  }
0xfc: {  	v3 =	vld [tilespmem:$0x130];
	_ =	sdelay $0x4  }
0xfd: {  	v11 =	vshll.u32 v3, $0x1  }
0xfe: {  	v3 =	vand.u32 $0x7, v3;
	v4 =	vand.u32 $0xFFFFFFF0, v11  }
0xff: {  	v3 =	vor.u32 v3, v4  }
0x100: {  	v4 =	vperm.xlane v3, v0;
	_ =	sdelay $0x1  }
0x101: {  	v3 =	vperm.xlane v3, v2;
	v4 =	vadd.s32 v1, v4;
	_ =	sdelay $0x1  }
0x102: {  	v3 =	vadd.s32 v1, v3;
	_ =	sdelay $0x1  }
0x103: {  	s19 =	simm.s32 $0x3800  }
0x104: {  	[tilespmem:s19], [sflag:$0x1] =	stream.indirect_vreg.gather [hbm4b:s1+s4], $0x80, v4, vm0, $0xb8;
	[tilespmem:$0x18880] =	vst v63  }
0x105: {  	s20 =	simm.s32 $0x4000  }
0x106: {  	[tilespmem:s20], [sflag:$0x1] =	stream.indirect_vreg.gather [hbm4b:s1+s4], $0x80, v3, vm0, $0xb8;
	[tilespmem:$0x18880] =	vst v63  }
0x107: {  	v3 =	vld [tilespmem:$0x140];
	_ =	sdelay $0x4  }
0x108: {  	v12 =	vshll.u32 v3, $0x1  }
0x109: {  	v3 =	vand.u32 $0x7, v3;
	v4 =	vand.u32 $0xFFFFFFF0, v12  }
0x10a: {  	v3 =	vor.u32 v3, v4  }
0x10b: {  	v4 =	vperm.xlane v3, v0;
	_ =	sdelay $0x1  }
0x10c: {  	v3 =	vperm.xlane v3, v2;
	v4 =	vadd.s32 v1, v4;
	_ =	sdelay $0x1  }
0x10d: {  	v3 =	vadd.s32 v1, v3;
	_ =	sdelay $0x1  }
0x10e: {  	s20 =	simm.s32 $0x4800  }
0x10f: {  	[tilespmem:s20], [sflag:$0x1] =	stream.indirect_vreg.gather [hbm4b:s1+s4], $0x80, v4, vm0, $0xb8;
	[tilespmem:$0x18880] =	vst v63  }
0x110: {  	s21 =	simm.s32 $0x5000  }
0x111: {  	[tilespmem:s21], [sflag:$0x1] =	stream.indirect_vreg.gather [hbm4b:s1+s4], $0x80, v3, vm0, $0xb8;
	[tilespmem:$0x18880] =	vst v63  }
0x112: {  	v3 =	vld [tilespmem:$0x150];
	_ =	sdelay $0x4  }
0x113: {  	v13 =	vshll.u32 v3, $0x1  }
0x114: {  	v3 =	vand.u32 $0x7, v3;
	v4 =	vand.u32 $0xFFFFFFF0, v13  }
0x115: {  	v3 =	vor.u32 v3, v4  }
0x116: {  	v4 =	vperm.xlane v3, v0;
	_ =	sdelay $0x1  }
0x117: {  	v3 =	vperm.xlane v3, v2;
	v4 =	vadd.s32 v1, v4;
	_ =	sdelay $0x1  }
0x118: {  	v3 =	vadd.s32 v1, v3;
	_ =	sdelay $0x1  }
0x119: {  	s21 =	simm.s32 $0x5800  }
0x11a: {  	[tilespmem:s21], [sflag:$0x1] =	stream.indirect_vreg.gather [hbm4b:s1+s4], $0x80, v4, vm0, $0xb8;
	[tilespmem:$0x18880] =	vst v63  }
0x11b: {  	s22 =	simm.s32 $0x6000  }
0x11c: {  	[tilespmem:s22], [sflag:$0x1] =	stream.indirect_vreg.gather [hbm4b:s1+s4], $0x80, v3, vm0, $0xb8;
	[tilespmem:$0x18880] =	vst v63  }
0x11d: {  	v3 =	vld [tilespmem:$0x160];
	_ =	sdelay $0x4  }
0x11e: {  	v14 =	vshll.u32 v3, $0x1  }
0x11f: {  	v3 =	vand.u32 $0x7, v3;
	v4 =	vand.u32 $0xFFFFFFF0, v14  }
0x120: {  	v3 =	vor.u32 v3, v4  }
0x121: {  	v4 =	vperm.xlane v3, v0;
	_ =	sdelay $0x1  }
0x122: {  	v3 =	vperm.xlane v3, v2;
	v4 =	vadd.s32 v1, v4;
	_ =	sdelay $0x1  }
0x123: {  	v3 =	vadd.s32 v1, v3;
	_ =	sdelay $0x1  }
0x124: {  	s22 =	simm.s32 $0x6800  }
0x125: {  	[tilespmem:s22], [sflag:$0x1] =	stream.indirect_vreg.gather [hbm4b:s1+s4], $0x80, v4, vm0, $0xb8;
	[tilespmem:$0x18880] =	vst v63  }
0x126: {  	s23 =	simm.s32 $0x7000  }
0x127: {  	[tilespmem:s23], [sflag:$0x1] =	stream.indirect_vreg.gather [hbm4b:s1+s4], $0x80, v3, vm0, $0xb8;
	[tilespmem:$0x18880] =	vst v63  }
0x128: {  	v3 =	vld [tilespmem:$0x170];
	_ =	sdelay $0x4  }
0x129: {  	v15 =	vshll.u32 v3, $0x1  }
0x12a: {  	v3 =	vand.u32 $0x7, v3;
	v4 =	vand.u32 $0xFFFFFFF0, v15  }
0x12b: {  	v3 =	vor.u32 v3, v4  }
0x12c: {  	v4 =	vperm.xlane v3, v0;
	_ =	sdelay $0x1  }
0x12d: {  	v3 =	vperm.xlane v3, v2;
	v4 =	vadd.s32 v1, v4;
	_ =	sdelay $0x1  }
0x12e: {  	v3 =	vadd.s32 v1, v3;
	_ =	sdelay $0x1  }
0x12f: {  	s23 =	simm.s32 $0x7800  }
0x130: {  	[tilespmem:s23], [sflag:$0x1] =	stream.indirect_vreg.gather [hbm4b:s1+s4], $0x80, v4, vm0, $0xb8;
	[tilespmem:$0x18880] =	vst v63  }
0x131: {  	s25 =	simm.s32 $0x8000  }
0x132: {  	[tilespmem:s25], [sflag:$0x1] =	stream.indirect_vreg.gather [hbm4b:s1+s4], $0x80, v3, vm0, $0xb8;
	[tilespmem:$0x18880] =	vst v63  }
0x133: {  	_ =	swait.ge [sflag:s5], $0x8000  }
0x134: {  	[sflag:s5] =	ssyncset.done $0x0  }
0x135: {  	s30 =	rddreg [dreg:$0x8];
	[sflag:s5] =	ssyncadd.s32 $0xFFFF8000  }
0x136: {  	[hbm4b:s30+s4] =	stream.linear.scatter [tilespmem:s15], [sflag:$0x4], $0x8000, $0x38;
	[tilespmem:$0x18880] =	vst v63  }
0x137: {  	_ =	swait.ge [sflag:s6], $0x8000  }
0x138: {  	[sflag:s6] =	ssyncset.done $0x0  }
0x139: {  	[sflag:s6] =	ssyncadd.s32 $0xFFFF8000  }
0x13a: {  	v3 =	vld [tilespmem:$0x180];
	_ =	sdelay $0x4  }
0x13b: {  	v16 =	vshll.u32 v3, $0x1  }
0x13c: {  	v3 =	vand.u32 $0x7, v3;
	v4 =	vand.u32 $0xFFFFFFF0, v16  }
0x13d: {  	v3 =	vor.u32 v3, v4  }
0x13e: {  	v4 =	vperm.xlane v3, v0;
	_ =	sdelay $0x1  }
0x13f: {  	v3 =	vperm.xlane v3, v2;
	v4 =	vadd.s32 v1, v4;
	_ =	sdelay $0x1  }
0x140: {  	v3 =	vadd.s32 v1, v3;
	_ =	sdelay $0x2  }
0x141: {  	[tilespmem:s15], [sflag:$0x2] =	stream.indirect_vreg.gather [hbm4b:s1+s4], $0x80, v4, vm0, $0xb8;
	[tilespmem:$0x18880] =	vst v63  }
0x142: {  	s24 =	simm.s32 $0x9000  }
0x143: {  	[tilespmem:s24], [sflag:$0x2] =	stream.indirect_vreg.gather [hbm4b:s1+s4], $0x80, v3, vm0, $0xb8;
	[tilespmem:$0x18880] =	vst v63  }
0x144: {  	v3 =	vld [tilespmem:$0x190];
	_ =	sdelay $0x4  }
0x145: {  	v17 =	vshll.u32 v3, $0x1  }
0x146: {  	v3 =	vand.u32 $0x7, v3;
	v4 =	vand.u32 $0xFFFFFFF0, v17  }
0x147: {  	v3 =	vor.u32 v3, v4  }
0x148: {  	v4 =	vperm.xlane v3, v0;
	_ =	sdelay $0x1  }
0x149: {  	v3 =	vperm.xlane v3, v2;
	v4 =	vadd.s32 v1, v4;
	_ =	sdelay $0x1  }
0x14a: {  	v3 =	vadd.s32 v1, v3;
	_ =	sdelay $0x1  }
0x14b: {  	s24 =	simm.s32 $0x9800  }
0x14c: {  	[tilespmem:s24], [sflag:$0x2] =	stream.indirect_vreg.gather [hbm4b:s1+s4], $0x80, v4, vm0, $0xb8;
	[tilespmem:$0x18880] =	vst v63  }
0x14d: {  	s31 =	simm.s32 $0xA000  }
0x14e: {  	[tilespmem:s31], [sflag:$0x2] =	stream.indirect_vreg.gather [hbm4b:s1+s4], $0x80, v3, vm0, $0xb8;
	[tilespmem:$0x18880] =	vst v63  }
0x14f: {  	v3 =	vld [tilespmem:$0x1A0];
	_ =	sdelay $0x4  }
0x150: {  	v18 =	vshll.u32 v3, $0x1  }
0x151: {  	v3 =	vand.u32 $0x7, v3;
	v4 =	vand.u32 $0xFFFFFFF0, v18  }
0x152: {  	v3 =	vor.u32 v3, v4  }
0x153: {  	v4 =	vperm.xlane v3, v0;
	_ =	sdelay $0x1  }
0x154: {  	v3 =	vperm.xlane v3, v2;
	v4 =	vadd.s32 v1, v4;
	_ =	sdelay $0x1  }
0x155: {  	v3 =	vadd.s32 v1, v3;
	_ =	sdelay $0x1  }
0x156: {  	s31 =	simm.s32 $0xA800  }
0x157: {  	[tilespmem:s31], [sflag:$0x2] =	stream.indirect_vreg.gather [hbm4b:s1+s4], $0x80, v4, vm0, $0xb8;
	[tilespmem:$0x18880] =	vst v63  }
0x158: {  	s18 =	simm.s32 $0xB000  }
0x159: {  	[tilespmem:s18], [sflag:$0x2] =	stream.indirect_vreg.gather [hbm4b:s1+s4], $0x80, v3, vm0, $0xb8;
	[tilespmem:$0x18880] =	vst v63  }
0x15a: {  	v3 =	vld [tilespmem:$0x1B0];
	_ =	sdelay $0x4  }
0x15b: {  	v19 =	vshll.u32 v3, $0x1  }
0x15c: {  	v3 =	vand.u32 $0x7, v3;
	v4 =	vand.u32 $0xFFFFFFF0, v19  }
0x15d: {  	v3 =	vor.u32 v3, v4  }
0x15e: {  	v4 =	vperm.xlane v3, v0;
	_ =	sdelay $0x1  }
0x15f: {  	v3 =	vperm.xlane v3, v2;
	v4 =	vadd.s32 v1, v4;
	_ =	sdelay $0x1  }
0x160: {  	v3 =	vadd.s32 v1, v3;
	_ =	sdelay $0x1  }
0x161: {  	s10 =	simm.s32 $0xB800  }
0x162: {  	[tilespmem:s10], [sflag:$0x2] =	stream.indirect_vreg.gather [hbm4b:s1+s4], $0x80, v4, vm0, $0xb8;
	[tilespmem:$0x18880] =	vst v63  }
0x163: {  	s12 =	simm.s32 $0xC000  }
0x164: {  	[tilespmem:s12], [sflag:$0x2] =	stream.indirect_vreg.gather [hbm4b:s1+s4], $0x80, v3, vm0, $0xb8;
	[tilespmem:$0x18880] =	vst v63  }
0x165: {  	v3 =	vld [tilespmem:$0x1C0];
	_ =	sdelay $0x4  }
0x166: {  	v20 =	vshll.u32 v3, $0x1  }
0x167: {  	v3 =	vand.u32 $0x7, v3;
	v4 =	vand.u32 $0xFFFFFFF0, v20  }
0x168: {  	v3 =	vor.u32 v3, v4  }
0x169: {  	v4 =	vperm.xlane v3, v0;
	_ =	sdelay $0x1  }
0x16a: {  	v3 =	vperm.xlane v3, v2;
	v4 =	vadd.s32 v1, v4;
	_ =	sdelay $0x1  }
0x16b: {  	v3 =	vadd.s32 v1, v3;
	_ =	sdelay $0x1  }
0x16c: {  	s3 =	simm.s32 $0xC800  }
0x16d: {  	[tilespmem:s3], [sflag:$0x2] =	stream.indirect_vreg.gather [hbm4b:s1+s4], $0x80, v4, vm0, $0xb8;
	[tilespmem:$0x18880] =	vst v63  }
0x16e: {  	s13 =	simm.s32 $0xD000  }
0x16f: {  	[tilespmem:s13], [sflag:$0x2] =	stream.indirect_vreg.gather [hbm4b:s1+s4], $0x80, v3, vm0, $0xb8;
	[tilespmem:$0x18880] =	vst v63  }
0x170: {  	v3 =	vld [tilespmem:$0x1D0];
	_ =	sdelay $0x4  }
0x171: {  	v21 =	vshll.u32 v3, $0x1  }
0x172: {  	v3 =	vand.u32 $0x7, v3;
	v4 =	vand.u32 $0xFFFFFFF0, v21  }
0x173: {  	v3 =	vor.u32 v3, v4  }
0x174: {  	v4 =	vperm.xlane v3, v0;
	_ =	sdelay $0x1  }
0x175: {  	v3 =	vperm.xlane v3, v2;
	v4 =	vadd.s32 v1, v4;
	_ =	sdelay $0x1  }
0x176: {  	v3 =	vadd.s32 v1, v3;
	_ =	sdelay $0x1  }
0x177: {  	s7 =	simm.s32 $0xD800  }
0x178: {  	[tilespmem:s7], [sflag:$0x2] =	stream.indirect_vreg.gather [hbm4b:s1+s4], $0x80, v4, vm0, $0xb8;
	[tilespmem:$0x18880] =	vst v63  }
0x179: {  	s14 =	simm.s32 $0xE000  }
0x17a: {  	[tilespmem:s14], [sflag:$0x2] =	stream.indirect_vreg.gather [hbm4b:s1+s4], $0x80, v3, vm0, $0xb8;
	[tilespmem:$0x18880] =	vst v63  }
0x17b: {  	v3 =	vld [tilespmem:$0x1E0];
	_ =	sdelay $0x4  }
0x17c: {  	v22 =	vshll.u32 v3, $0x1  }
0x17d: {  	v3 =	vand.u32 $0x7, v3;
	v4 =	vand.u32 $0xFFFFFFF0, v22  }
0x17e: {  	v3 =	vor.u32 v3, v4  }
0x17f: {  	v4 =	vperm.xlane v3, v0;
	_ =	sdelay $0x1  }
0x180: {  	v3 =	vperm.xlane v3, v2;
	v4 =	vadd.s32 v1, v4;
	_ =	sdelay $0x1  }
0x181: {  	v3 =	vadd.s32 v1, v3;
	_ =	sdelay $0x1  }
0x182: {  	s8 =	simm.s32 $0xE800  }
0x183: {  	[tilespmem:s8], [sflag:$0x2] =	stream.indirect_vreg.gather [hbm4b:s1+s4], $0x80, v4, vm0, $0xb8;
	[tilespmem:$0x18880] =	vst v63  }
0x184: {  	s16 =	simm.s32 $0xF000  }
0x185: {  	[tilespmem:s16], [sflag:$0x2] =	stream.indirect_vreg.gather [hbm4b:s1+s4], $0x80, v3, vm0, $0xb8;
	[tilespmem:$0x18880] =	vst v63  }
0x186: {  	v3 =	vld [tilespmem:$0x1F0];
	_ =	sdelay $0x4  }
0x187: {  	v23 =	vshll.u32 v3, $0x1  }
0x188: {  	v3 =	vand.u32 $0x7, v3;
	v4 =	vand.u32 $0xFFFFFFF0, v23  }
0x189: {  	v3 =	vor.u32 v3, v4  }
0x18a: {  	v4 =	vperm.xlane v3, v0;
	_ =	sdelay $0x1  }
0x18b: {  	v3 =	vperm.xlane v3, v2;
	v4 =	vadd.s32 v1, v4;
	_ =	sdelay $0x1  }
0x18c: {  	v3 =	vadd.s32 v1, v3;
	_ =	sdelay $0x1  }
0x18d: {  	s9 =	simm.s32 $0xF800  }
0x18e: {  	[tilespmem:s9], [sflag:$0x2] =	stream.indirect_vreg.gather [hbm4b:s1+s4], $0x80, v4, vm0, $0xb8;
	[tilespmem:$0x18880] =	vst v63  }
0x18f: {  	s17 =	simm.s32 $0x10000  }
0x190: {  	[tilespmem:s17], [sflag:$0x2] =	stream.indirect_vreg.gather [hbm4b:s1+s4], $0x80, v3, vm0, $0xb8;
	[tilespmem:$0x18880] =	vst v63  }
0x191: {  	_ =	swait.ge [sflag:s0], $0x8000  }
0x192: {  	[sflag:s0] =	ssyncset.done $0x0  }
0x193: {  	s11 =	rddreg [dreg:$0x9];
	[sflag:s0] =	ssyncadd.s32 $0xFFFF8000  }
0x194: {  	[hbm4b:s11+s4] =	stream.linear.scatter [tilespmem:s26], [sflag:$0x3], $0x8000, $0x38;
	[tilespmem:$0x18880] =	vst v63  }
0x195: {  	_ =	swait.ge [sflag:s2], $0x8000  }
0x196: {  	[sflag:s2] =	ssyncset.done $0x0  }
0x197: {  	[sflag:s2] =	ssyncadd.s32 $0xFFFF8000  }
0x198: {  	v3 =	vld [tilespmem:$0x200];
	_ =	sdelay $0x4  }
0x199: {  	v24 =	vshll.u32 v3, $0x1  }
0x19a: {  	v3 =	vand.u32 $0x7, v3;
	v4 =	vand.u32 $0xFFFFFFF0, v24  }
0x19b: {  	v3 =	vor.u32 v3, v4  }
0x19c: {  	v4 =	vperm.xlane v3, v0;
	_ =	sdelay $0x1  }
0x19d: {  	v3 =	vperm.xlane v3, v2;
	v4 =	vadd.s32 v1, v4;
	_ =	sdelay $0x1  }
0x19e: {  	v3 =	vadd.s32 v1, v3;
	_ =	sdelay $0x2  }
0x19f: {  	[tilespmem:s26], [sflag:$0x1] =	stream.indirect_vreg.gather [hbm4b:s1+s4], $0x80, v4, vm0, $0xb8;
	[tilespmem:$0x18880] =	vst v63  }
0x1a0: {  	_ = 	snop  }
0x1a1: {  	[tilespmem:s28], [sflag:$0x1] =	stream.indirect_vreg.gather [hbm4b:s1+s4], $0x80, v3, vm0, $0xb8;
	[tilespmem:$0x18880] =	vst v63  }
0x1a2: {  	v3 =	vld [tilespmem:$0x210];
	_ =	sdelay $0x4  }
0x1a3: {  	v25 =	vshll.u32 v3, $0x1  }
0x1a4: {  	v3 =	vand.u32 $0x7, v3;
	v4 =	vand.u32 $0xFFFFFFF0, v25  }
0x1a5: {  	v3 =	vor.u32 v3, v4  }
0x1a6: {  	v4 =	vperm.xlane v3, v0;
	_ =	sdelay $0x1  }
0x1a7: {  	v3 =	vperm.xlane v3, v2;
	v4 =	vadd.s32 v1, v4;
	_ =	sdelay $0x1  }
0x1a8: {  	v3 =	vadd.s32 v1, v3;
	_ =	sdelay $0x1  }
0x1a9: {  	s11 =	simm.s32 $0x1800  }
0x1aa: {  	[tilespmem:s11], [sflag:$0x1] =	stream.indirect_vreg.gather [hbm4b:s1+s4], $0x80, v4, vm0, $0xb8;
	[tilespmem:$0x18880] =	vst v63  }
0x1ab: {  	s11 =	simm.s32 $0x2000  }
0x1ac: {  	[tilespmem:s11], [sflag:$0x1] =	stream.indirect_vreg.gather [hbm4b:s1+s4], $0x80, v3, vm0, $0xb8;
	[tilespmem:$0x18880] =	vst v63  }
0x1ad: {  	v3 =	vld [tilespmem:$0x220];
	_ =	sdelay $0x4  }
0x1ae: {  	v26 =	vshll.u32 v3, $0x1  }
0x1af: {  	v3 =	vand.u32 $0x7, v3;
	v4 =	vand.u32 $0xFFFFFFF0, v26  }
0x1b0: {  	v3 =	vor.u32 v3, v4  }
0x1b1: {  	v4 =	vperm.xlane v3, v0;
	_ =	sdelay $0x1  }
0x1b2: {  	v3 =	vperm.xlane v3, v2;
	v4 =	vadd.s32 v1, v4;
	_ =	sdelay $0x1  }
0x1b3: {  	v3 =	vadd.s32 v1, v3;
	_ =	sdelay $0x1  }
0x1b4: {  	s11 =	simm.s32 $0x2800  }
0x1b5: {  	[tilespmem:s11], [sflag:$0x1] =	stream.indirect_vreg.gather [hbm4b:s1+s4], $0x80, v4, vm0, $0xb8;
	[tilespmem:$0x18880] =	vst v63  }
0x1b6: {  	s11 =	simm.s32 $0x3000  }
0x1b7: {  	[tilespmem:s11], [sflag:$0x1] =	stream.indirect_vreg.gather [hbm4b:s1+s4], $0x80, v3, vm0, $0xb8;
	[tilespmem:$0x18880] =	vst v63  }
0x1b8: {  	v3 =	vld [tilespmem:$0x230];
	_ =	sdelay $0x4  }
0x1b9: {  	v27 =	vshll.u32 v3, $0x1  }
0x1ba: {  	v3 =	vand.u32 $0x7, v3;
	v4 =	vand.u32 $0xFFFFFFF0, v27  }
0x1bb: {  	v3 =	vor.u32 v3, v4  }
0x1bc: {  	v4 =	vperm.xlane v3, v0;
	_ =	sdelay $0x1  }
0x1bd: {  	v3 =	vperm.xlane v3, v2;
	v4 =	vadd.s32 v1, v4;
	_ =	sdelay $0x1  }
0x1be: {  	v3 =	vadd.s32 v1, v3;
	_ =	sdelay $0x2  }
0x1bf: {  	[tilespmem:s19], [sflag:$0x1] =	stream.indirect_vreg.gather [hbm4b:s1+s4], $0x80, v4, vm0, $0xb8;
	[tilespmem:$0x18880] =	vst v63  }
0x1c0: {  	s11 =	simm.s32 $0x4000  }
0x1c1: {  	[tilespmem:s11], [sflag:$0x1] =	stream.indirect_vreg.gather [hbm4b:s1+s4], $0x80, v3, vm0, $0xb8;
	[tilespmem:$0x18880] =	vst v63  }
0x1c2: {  	v3 =	vld [tilespmem:$0x240];
	_ =	sdelay $0x4  }
0x1c3: {  	v28 =	vshll.u32 v3, $0x1  }
0x1c4: {  	v3 =	vand.u32 $0x7, v3;
	v4 =	vand.u32 $0xFFFFFFF0, v28  }
0x1c5: {  	v3 =	vor.u32 v3, v4  }
0x1c6: {  	v4 =	vperm.xlane v3, v0;
	_ =	sdelay $0x1  }
0x1c7: {  	v3 =	vperm.xlane v3, v2;
	v4 =	vadd.s32 v1, v4;
	_ =	sdelay $0x1  }
0x1c8: {  	v3 =	vadd.s32 v1, v3;
	_ =	sdelay $0x2  }
0x1c9: {  	[tilespmem:s20], [sflag:$0x1] =	stream.indirect_vreg.gather [hbm4b:s1+s4], $0x80, v4, vm0, $0xb8;
	[tilespmem:$0x18880] =	vst v63  }
0x1ca: {  	s11 =	simm.s32 $0x5000  }
0x1cb: {  	[tilespmem:s11], [sflag:$0x1] =	stream.indirect_vreg.gather [hbm4b:s1+s4], $0x80, v3, vm0, $0xb8;
	[tilespmem:$0x18880] =	vst v63  }
0x1cc: {  	v3 =	vld [tilespmem:$0x250];
	_ =	sdelay $0x4  }
0x1cd: {  	v29 =	vshll.u32 v3, $0x1  }
0x1ce: {  	v3 =	vand.u32 $0x7, v3;
	v4 =	vand.u32 $0xFFFFFFF0, v29  }
0x1cf: {  	v3 =	vor.u32 v3, v4  }
0x1d0: {  	v4 =	vperm.xlane v3, v0;
	_ =	sdelay $0x1  }
0x1d1: {  	v3 =	vperm.xlane v3, v2;
	v4 =	vadd.s32 v1, v4;
	_ =	sdelay $0x1  }
0x1d2: {  	v3 =	vadd.s32 v1, v3;
	_ =	sdelay $0x2  }
0x1d3: {  	[tilespmem:s21], [sflag:$0x1] =	stream.indirect_vreg.gather [hbm4b:s1+s4], $0x80, v4, vm0, $0xb8;
	[tilespmem:$0x18880] =	vst v63  }
0x1d4: {  	s11 =	simm.s32 $0x6000  }
0x1d5: {  	[tilespmem:s11], [sflag:$0x1] =	stream.indirect_vreg.gather [hbm4b:s1+s4], $0x80, v3, vm0, $0xb8;
	[tilespmem:$0x18880] =	vst v63  }
0x1d6: {  	v3 =	vld [tilespmem:$0x260];
	_ =	sdelay $0x4  }
0x1d7: {  	v30 =	vshll.u32 v3, $0x1  }
0x1d8: {  	v3 =	vand.u32 $0x7, v3;
	v4 =	vand.u32 $0xFFFFFFF0, v30  }
0x1d9: {  	v3 =	vor.u32 v3, v4  }
0x1da: {  	v4 =	vperm.xlane v3, v0;
	_ =	sdelay $0x1  }
0x1db: {  	v3 =	vperm.xlane v3, v2;
	v4 =	vadd.s32 v1, v4;
	_ =	sdelay $0x1  }
0x1dc: {  	v3 =	vadd.s32 v1, v3;
	_ =	sdelay $0x2  }
0x1dd: {  	[tilespmem:s22], [sflag:$0x1] =	stream.indirect_vreg.gather [hbm4b:s1+s4], $0x80, v4, vm0, $0xb8;
	[tilespmem:$0x18880] =	vst v63  }
0x1de: {  	s11 =	simm.s32 $0x7000  }
0x1df: {  	[tilespmem:s11], [sflag:$0x1] =	stream.indirect_vreg.gather [hbm4b:s1+s4], $0x80, v3, vm0, $0xb8;
	[tilespmem:$0x18880] =	vst v63  }
0x1e0: {  	v3 =	vld [tilespmem:$0x270];
	_ =	sdelay $0x4  }
0x1e1: {  	v31 =	vshll.u32 v3, $0x1  }
0x1e2: {  	v3 =	vand.u32 $0x7, v3;
	v4 =	vand.u32 $0xFFFFFFF0, v31  }
0x1e3: {  	v3 =	vor.u32 v3, v4  }
0x1e4: {  	v4 =	vperm.xlane v3, v0;
	_ =	sdelay $0x1  }
0x1e5: {  	v3 =	vperm.xlane v3, v2;
	v4 =	vadd.s32 v1, v4;
	_ =	sdelay $0x1  }
0x1e6: {  	v3 =	vadd.s32 v1, v3;
	_ =	sdelay $0x2  }
0x1e7: {  	[tilespmem:s23], [sflag:$0x1] =	stream.indirect_vreg.gather [hbm4b:s1+s4], $0x80, v4, vm0, $0xb8;
	[tilespmem:$0x18880] =	vst v63  }
0x1e8: {  	_ = 	snop  }
0x1e9: {  	[tilespmem:s25], [sflag:$0x1] =	stream.indirect_vreg.gather [hbm4b:s1+s4], $0x80, v3, vm0, $0xb8;
	[tilespmem:$0x18880] =	vst v63  }
0x1ea: {  	_ =	swait.ge [sflag:s5], $0x8000  }
0x1eb: {  	[sflag:s5] =	ssyncset.done $0x0  }
0x1ec: {  	s11 =	rddreg [dreg:$0xa];
	[sflag:s5] =	ssyncadd.s32 $0xFFFF8000  }
0x1ed: {  	[hbm4b:s11+s4] =	stream.linear.scatter [tilespmem:s15], [sflag:$0x4], $0x8000, $0x38;
	[tilespmem:$0x18880] =	vst v63  }
0x1ee: {  	_ =	swait.ge [sflag:s6], $0x8000  }
0x1ef: {  	[sflag:s6] =	ssyncset.done $0x0  }
0x1f0: {  	[sflag:s6] =	ssyncadd.s32 $0xFFFF8000  }
0x1f1: {  	v3 =	vld [tilespmem:$0x280];
	_ =	sdelay $0x4  }
0x1f2: {  	v32 =	vshll.u32 v3, $0x1  }
0x1f3: {  	v3 =	vand.u32 $0x7, v3;
	v4 =	vand.u32 $0xFFFFFFF0, v32  }
0x1f4: {  	v3 =	vor.u32 v3, v4  }
0x1f5: {  	v4 =	vperm.xlane v3, v0;
	_ =	sdelay $0x1  }
0x1f6: {  	v3 =	vperm.xlane v3, v2;
	v4 =	vadd.s32 v1, v4;
	_ =	sdelay $0x1  }
0x1f7: {  	v3 =	vadd.s32 v1, v3;
	_ =	sdelay $0x2  }
0x1f8: {  	[tilespmem:s15], [sflag:$0x2] =	stream.indirect_vreg.gather [hbm4b:s1+s4], $0x80, v4, vm0, $0xb8;
	[tilespmem:$0x18880] =	vst v63  }
0x1f9: {  	s29 =	simm.s32 $0x9000  }
0x1fa: {  	[tilespmem:s29], [sflag:$0x2] =	stream.indirect_vreg.gather [hbm4b:s1+s4], $0x80, v3, vm0, $0xb8;
	[tilespmem:$0x18880] =	vst v63  }
0x1fb: {  	v3 =	vld [tilespmem:$0x290];
	_ =	sdelay $0x4  }
0x1fc: {  	v33 =	vshll.u32 v3, $0x1  }
0x1fd: {  	v3 =	vand.u32 $0x7, v3;
	v4 =	vand.u32 $0xFFFFFFF0, v33  }
0x1fe: {  	v3 =	vor.u32 v3, v4  }
0x1ff: {  	v4 =	vperm.xlane v3, v0;
	_ =	sdelay $0x1  }
0x200: {  	v3 =	vperm.xlane v3, v2;
	v4 =	vadd.s32 v1, v4;
	_ =	sdelay $0x1  }
0x201: {  	v3 =	vadd.s32 v1, v3;
	_ =	sdelay $0x2  }
0x202: {  	[tilespmem:s24], [sflag:$0x2] =	stream.indirect_vreg.gather [hbm4b:s1+s4], $0x80, v4, vm0, $0xb8;
	[tilespmem:$0x18880] =	vst v63  }
0x203: {  	s30 =	simm.s32 $0xA000  }
0x204: {  	[tilespmem:s30], [sflag:$0x2] =	stream.indirect_vreg.gather [hbm4b:s1+s4], $0x80, v3, vm0, $0xb8;
	[tilespmem:$0x18880] =	vst v63  }
0x205: {  	v3 =	vld [tilespmem:$0x2A0];
	_ =	sdelay $0x4  }
0x206: {  	v34 =	vshll.u32 v3, $0x1  }
0x207: {  	v3 =	vand.u32 $0x7, v3;
	v4 =	vand.u32 $0xFFFFFFF0, v34  }
0x208: {  	v3 =	vor.u32 v3, v4  }
0x209: {  	v4 =	vperm.xlane v3, v0;
	_ =	sdelay $0x1  }
0x20a: {  	v3 =	vperm.xlane v3, v2;
	v4 =	vadd.s32 v1, v4;
	_ =	sdelay $0x1  }
0x20b: {  	v3 =	vadd.s32 v1, v3;
	_ =	sdelay $0x2  }
0x20c: {  	[tilespmem:s31], [sflag:$0x2] =	stream.indirect_vreg.gather [hbm4b:s1+s4], $0x80, v4, vm0, $0xb8;
	[tilespmem:$0x18880] =	vst v63  }
0x20d: {  	_ = 	snop  }
0x20e: {  	[tilespmem:s18], [sflag:$0x2] =	stream.indirect_vreg.gather [hbm4b:s1+s4], $0x80, v3, vm0, $0xb8;
	[tilespmem:$0x18880] =	vst v63  }
0x20f: {  	v3 =	vld [tilespmem:$0x2B0];
	_ =	sdelay $0x4  }
0x210: {  	v35 =	vshll.u32 v3, $0x1  }
0x211: {  	v3 =	vand.u32 $0x7, v3;
	v4 =	vand.u32 $0xFFFFFFF0, v35  }
0x212: {  	v3 =	vor.u32 v3, v4  }
0x213: {  	v4 =	vperm.xlane v3, v0;
	_ =	sdelay $0x1  }
0x214: {  	v3 =	vperm.xlane v3, v2;
	v4 =	vadd.s32 v1, v4;
	_ =	sdelay $0x1  }
0x215: {  	v3 =	vadd.s32 v1, v3;
	_ =	sdelay $0x1  }
0x216: {  	s10 =	simm.s32 $0xB800  }
0x217: {  	[tilespmem:s10], [sflag:$0x2] =	stream.indirect_vreg.gather [hbm4b:s1+s4], $0x80, v4, vm0, $0xb8;
	[tilespmem:$0x18880] =	vst v63  }
0x218: {  	s12 =	simm.s32 $0xC000  }
0x219: {  	[tilespmem:s12], [sflag:$0x2] =	stream.indirect_vreg.gather [hbm4b:s1+s4], $0x80, v3, vm0, $0xb8;
	[tilespmem:$0x18880] =	vst v63  }
0x21a: {  	v3 =	vld [tilespmem:$0x2C0];
	_ =	sdelay $0x4  }
0x21b: {  	v36 =	vshll.u32 v3, $0x1  }
0x21c: {  	v3 =	vand.u32 $0x7, v3;
	v4 =	vand.u32 $0xFFFFFFF0, v36  }
0x21d: {  	v3 =	vor.u32 v3, v4  }
0x21e: {  	v4 =	vperm.xlane v3, v0;
	_ =	sdelay $0x1  }
0x21f: {  	v3 =	vperm.xlane v3, v2;
	v4 =	vadd.s32 v1, v4;
	_ =	sdelay $0x1  }
0x220: {  	v3 =	vadd.s32 v1, v3;
	_ =	sdelay $0x1  }
0x221: {  	s3 =	simm.s32 $0xC800  }
0x222: {  	[tilespmem:s3], [sflag:$0x2] =	stream.indirect_vreg.gather [hbm4b:s1+s4], $0x80, v4, vm0, $0xb8;
	[tilespmem:$0x18880] =	vst v63  }
0x223: {  	s13 =	simm.s32 $0xD000  }
0x224: {  	[tilespmem:s13], [sflag:$0x2] =	stream.indirect_vreg.gather [hbm4b:s1+s4], $0x80, v3, vm0, $0xb8;
	[tilespmem:$0x18880] =	vst v63  }
0x225: {  	v3 =	vld [tilespmem:$0x2D0];
	_ =	sdelay $0x4  }
0x226: {  	v37 =	vshll.u32 v3, $0x1  }
0x227: {  	v3 =	vand.u32 $0x7, v3;
	v4 =	vand.u32 $0xFFFFFFF0, v37  }
0x228: {  	v3 =	vor.u32 v3, v4  }
0x229: {  	v4 =	vperm.xlane v3, v0;
	_ =	sdelay $0x1  }
0x22a: {  	v3 =	vperm.xlane v3, v2;
	v4 =	vadd.s32 v1, v4;
	_ =	sdelay $0x1  }
0x22b: {  	v3 =	vadd.s32 v1, v3;
	_ =	sdelay $0x1  }
0x22c: {  	s7 =	simm.s32 $0xD800  }
0x22d: {  	[tilespmem:s7], [sflag:$0x2] =	stream.indirect_vreg.gather [hbm4b:s1+s4], $0x80, v4, vm0, $0xb8;
	[tilespmem:$0x18880] =	vst v63  }
0x22e: {  	s14 =	simm.s32 $0xE000  }
0x22f: {  	[tilespmem:s14], [sflag:$0x2] =	stream.indirect_vreg.gather [hbm4b:s1+s4], $0x80, v3, vm0, $0xb8;
	[tilespmem:$0x18880] =	vst v63  }
0x230: {  	v3 =	vld [tilespmem:$0x2E0];
	_ =	sdelay $0x4  }
0x231: {  	v38 =	vshll.u32 v3, $0x1  }
0x232: {  	v3 =	vand.u32 $0x7, v3;
	v4 =	vand.u32 $0xFFFFFFF0, v38  }
0x233: {  	v3 =	vor.u32 v3, v4  }
0x234: {  	v4 =	vperm.xlane v3, v0;
	_ =	sdelay $0x1  }
0x235: {  	v3 =	vperm.xlane v3, v2;
	v4 =	vadd.s32 v1, v4;
	_ =	sdelay $0x1  }
0x236: {  	v3 =	vadd.s32 v1, v3;
	_ =	sdelay $0x1  }
0x237: {  	s8 =	simm.s32 $0xE800  }
0x238: {  	[tilespmem:s8], [sflag:$0x2] =	stream.indirect_vreg.gather [hbm4b:s1+s4], $0x80, v4, vm0, $0xb8;
	[tilespmem:$0x18880] =	vst v63  }
0x239: {  	s16 =	simm.s32 $0xF000  }
0x23a: {  	[tilespmem:s16], [sflag:$0x2] =	stream.indirect_vreg.gather [hbm4b:s1+s4], $0x80, v3, vm0, $0xb8;
	[tilespmem:$0x18880] =	vst v63  }
0x23b: {  	v3 =	vld [tilespmem:$0x2F0];
	_ =	sdelay $0x4  }
0x23c: {  	v39 =	vshll.u32 v3, $0x1  }
0x23d: {  	v3 =	vand.u32 $0x7, v3;
	v4 =	vand.u32 $0xFFFFFFF0, v39  }
0x23e: {  	v3 =	vor.u32 v3, v4  }
0x23f: {  	v4 =	vperm.xlane v3, v0;
	_ =	sdelay $0x1  }
0x240: {  	v3 =	vperm.xlane v3, v2;
	v4 =	vadd.s32 v1, v4;
	_ =	sdelay $0x1  }
0x241: {  	v3 =	vadd.s32 v1, v3;
	_ =	sdelay $0x1  }
0x242: {  	s9 =	simm.s32 $0xF800  }
0x243: {  	[tilespmem:s9], [sflag:$0x2] =	stream.indirect_vreg.gather [hbm4b:s1+s4], $0x80, v4, vm0, $0xb8;
	[tilespmem:$0x18880] =	vst v63  }
0x244: {  	s17 =	simm.s32 $0x10000  }
0x245: {  	[tilespmem:s17], [sflag:$0x2] =	stream.indirect_vreg.gather [hbm4b:s1+s4], $0x80, v3, vm0, $0xb8;
	[tilespmem:$0x18880] =	vst v63  }
0x246: {  	_ =	swait.ge [sflag:s0], $0x8000  }
0x247: {  	[sflag:s0] =	ssyncset.done $0x0  }
0x248: {  	s17 =	rddreg [dreg:$0xb];
	[sflag:s0] =	ssyncadd.s32 $0xFFFF8000  }
0x249: {  	[hbm4b:s17+s4] =	stream.linear.scatter [tilespmem:s26], [sflag:$0x3], $0x8000, $0x38;
	[tilespmem:$0x18880] =	vst v63  }
0x24a: {  	_ =	swait.ge [sflag:s2], $0x8000  }
0x24b: {  	[sflag:s2] =	ssyncset.done $0x0  }
0x24c: {  	[sflag:s2] =	ssyncadd.s32 $0xFFFF8000  }
0x24d: {  	v3 =	vld [tilespmem:$0x300];
	_ =	sdelay $0x4  }
0x24e: {  	v40 =	vshll.u32 v3, $0x1  }
0x24f: {  	v3 =	vand.u32 $0x7, v3;
	v4 =	vand.u32 $0xFFFFFFF0, v40  }
0x250: {  	v3 =	vor.u32 v3, v4  }
0x251: {  	v4 =	vperm.xlane v3, v0;
	_ =	sdelay $0x1  }
0x252: {  	v3 =	vperm.xlane v3, v2;
	v4 =	vadd.s32 v1, v4;
	_ =	sdelay $0x1  }
0x253: {  	v3 =	vadd.s32 v1, v3;
	_ =	sdelay $0x2  }
0x254: {  	[tilespmem:s26], [sflag:$0x1] =	stream.indirect_vreg.gather [hbm4b:s1+s4], $0x80, v4, vm0, $0xb8;
	[tilespmem:$0x18880] =	vst v63  }
0x255: {  	_ = 	snop  }
0x256: {  	[tilespmem:s28], [sflag:$0x1] =	stream.indirect_vreg.gather [hbm4b:s1+s4], $0x80, v3, vm0, $0xb8;
	[tilespmem:$0x18880] =	vst v63  }
0x257: {  	v3 =	vld [tilespmem:$0x310];
	_ =	sdelay $0x4  }
0x258: {  	v41 =	vshll.u32 v3, $0x1  }
0x259: {  	v3 =	vand.u32 $0x7, v3;
	v4 =	vand.u32 $0xFFFFFFF0, v41  }
0x25a: {  	v3 =	vor.u32 v3, v4  }
0x25b: {  	v4 =	vperm.xlane v3, v0;
	_ =	sdelay $0x1  }
0x25c: {  	v3 =	vperm.xlane v3, v2;
	v4 =	vadd.s32 v1, v4;
	_ =	sdelay $0x1  }
0x25d: {  	v3 =	vadd.s32 v1, v3;
	_ =	sdelay $0x1  }
0x25e: {  	s31 =	simm.s32 $0x1800  }
0x25f: {  	[tilespmem:s31], [sflag:$0x1] =	stream.indirect_vreg.gather [hbm4b:s1+s4], $0x80, v4, vm0, $0xb8;
	[tilespmem:$0x18880] =	vst v63  }
0x260: {  	s17 =	simm.s32 $0x2000  }
0x261: {  	[tilespmem:s17], [sflag:$0x1] =	stream.indirect_vreg.gather [hbm4b:s1+s4], $0x80, v3, vm0, $0xb8;
	[tilespmem:$0x18880] =	vst v63  }
0x262: {  	v3 =	vld [tilespmem:$0x320];
	_ =	sdelay $0x4  }
0x263: {  	v42 =	vshll.u32 v3, $0x1  }
0x264: {  	v3 =	vand.u32 $0x7, v3;
	v4 =	vand.u32 $0xFFFFFFF0, v42  }
0x265: {  	v3 =	vor.u32 v3, v4  }
0x266: {  	v4 =	vperm.xlane v3, v0;
	_ =	sdelay $0x1  }
0x267: {  	v3 =	vperm.xlane v3, v2;
	v4 =	vadd.s32 v1, v4;
	_ =	sdelay $0x1  }
0x268: {  	v3 =	vadd.s32 v1, v3;
	_ =	sdelay $0x1  }
0x269: {  	s31 =	simm.s32 $0x2800  }
0x26a: {  	[tilespmem:s31], [sflag:$0x1] =	stream.indirect_vreg.gather [hbm4b:s1+s4], $0x80, v4, vm0, $0xb8;
	[tilespmem:$0x18880] =	vst v63  }
0x26b: {  	s17 =	simm.s32 $0x3000  }
0x26c: {  	[tilespmem:s17], [sflag:$0x1] =	stream.indirect_vreg.gather [hbm4b:s1+s4], $0x80, v3, vm0, $0xb8;
	[tilespmem:$0x18880] =	vst v63  }
0x26d: {  	v3 =	vld [tilespmem:$0x330];
	_ =	sdelay $0x4  }
0x26e: {  	v43 =	vshll.u32 v3, $0x1  }
0x26f: {  	v3 =	vand.u32 $0x7, v3;
	v4 =	vand.u32 $0xFFFFFFF0, v43  }
0x270: {  	v3 =	vor.u32 v3, v4  }
0x271: {  	v4 =	vperm.xlane v3, v0;
	_ =	sdelay $0x1  }
0x272: {  	v3 =	vperm.xlane v3, v2;
	v4 =	vadd.s32 v1, v4;
	_ =	sdelay $0x1  }
0x273: {  	v3 =	vadd.s32 v1, v3;
	_ =	sdelay $0x1  }
0x274: {  	s19 =	simm.s32 $0x3800  }
0x275: {  	[tilespmem:s19], [sflag:$0x1] =	stream.indirect_vreg.gather [hbm4b:s1+s4], $0x80, v4, vm0, $0xb8;
	[tilespmem:$0x18880] =	vst v63  }
0x276: {  	s19 =	simm.s32 $0x4000  }
0x277: {  	[tilespmem:s19], [sflag:$0x1] =	stream.indirect_vreg.gather [hbm4b:s1+s4], $0x80, v3, vm0, $0xb8;
	[tilespmem:$0x18880] =	vst v63  }
0x278: {  	v3 =	vld [tilespmem:$0x340];
	_ =	sdelay $0x4  }
0x279: {  	v44 =	vshll.u32 v3, $0x1  }
0x27a: {  	v3 =	vand.u32 $0x7, v3;
	v4 =	vand.u32 $0xFFFFFFF0, v44  }
0x27b: {  	v3 =	vor.u32 v3, v4  }
0x27c: {  	v4 =	vperm.xlane v3, v0;
	_ =	sdelay $0x1  }
0x27d: {  	v3 =	vperm.xlane v3, v2;
	v4 =	vadd.s32 v1, v4;
	_ =	sdelay $0x1  }
0x27e: {  	v3 =	vadd.s32 v1, v3;
	_ =	sdelay $0x1  }
0x27f: {  	s20 =	simm.s32 $0x4800  }
0x280: {  	[tilespmem:s20], [sflag:$0x1] =	stream.indirect_vreg.gather [hbm4b:s1+s4], $0x80, v4, vm0, $0xb8;
	[tilespmem:$0x18880] =	vst v63  }
0x281: {  	s20 =	simm.s32 $0x5000  }
0x282: {  	[tilespmem:s20], [sflag:$0x1] =	stream.indirect_vreg.gather [hbm4b:s1+s4], $0x80, v3, vm0, $0xb8;
	[tilespmem:$0x18880] =	vst v63  }
0x283: {  	v3 =	vld [tilespmem:$0x350];
	_ =	sdelay $0x4  }
0x284: {  	v45 =	vshll.u32 v3, $0x1  }
0x285: {  	v3 =	vand.u32 $0x7, v3;
	v4 =	vand.u32 $0xFFFFFFF0, v45  }
0x286: {  	v3 =	vor.u32 v3, v4  }
0x287: {  	v4 =	vperm.xlane v3, v0;
	_ =	sdelay $0x1  }
0x288: {  	v3 =	vperm.xlane v3, v2;
	v4 =	vadd.s32 v1, v4;
	_ =	sdelay $0x1  }
0x289: {  	v3 =	vadd.s32 v1, v3;
	_ =	sdelay $0x1  }
0x28a: {  	s21 =	simm.s32 $0x5800  }
0x28b: {  	[tilespmem:s21], [sflag:$0x1] =	stream.indirect_vreg.gather [hbm4b:s1+s4], $0x80, v4, vm0, $0xb8;
	[tilespmem:$0x18880] =	vst v63  }
0x28c: {  	s21 =	simm.s32 $0x6000  }
0x28d: {  	[tilespmem:s21], [sflag:$0x1] =	stream.indirect_vreg.gather [hbm4b:s1+s4], $0x80, v3, vm0, $0xb8;
	[tilespmem:$0x18880] =	vst v63  }
0x28e: {  	v3 =	vld [tilespmem:$0x360];
	_ =	sdelay $0x4  }
0x28f: {  	v46 =	vshll.u32 v3, $0x1  }
0x290: {  	v3 =	vand.u32 $0x7, v3;
	v4 =	vand.u32 $0xFFFFFFF0, v46  }
0x291: {  	v3 =	vor.u32 v3, v4  }
0x292: {  	v4 =	vperm.xlane v3, v0;
	_ =	sdelay $0x1  }
0x293: {  	v3 =	vperm.xlane v3, v2;
	v4 =	vadd.s32 v1, v4;
	_ =	sdelay $0x1  }
0x294: {  	v3 =	vadd.s32 v1, v3;
	_ =	sdelay $0x1  }
0x295: {  	s22 =	simm.s32 $0x6800  }
0x296: {  	[tilespmem:s22], [sflag:$0x1] =	stream.indirect_vreg.gather [hbm4b:s1+s4], $0x80, v4, vm0, $0xb8;
	[tilespmem:$0x18880] =	vst v63  }
0x297: {  	s22 =	simm.s32 $0x7000  }
0x298: {  	[tilespmem:s22], [sflag:$0x1] =	stream.indirect_vreg.gather [hbm4b:s1+s4], $0x80, v3, vm0, $0xb8;
	[tilespmem:$0x18880] =	vst v63  }
0x299: {  	v3 =	vld [tilespmem:$0x370];
	_ =	sdelay $0x4  }
0x29a: {  	v47 =	vshll.u32 v3, $0x1  }
0x29b: {  	v3 =	vand.u32 $0x7, v3;
	v4 =	vand.u32 $0xFFFFFFF0, v47  }
0x29c: {  	v3 =	vor.u32 v3, v4  }
0x29d: {  	v4 =	vperm.xlane v3, v0;
	_ =	sdelay $0x1  }
0x29e: {  	v3 =	vperm.xlane v3, v2;
	v4 =	vadd.s32 v1, v4;
	_ =	sdelay $0x1  }
0x29f: {  	v3 =	vadd.s32 v1, v3;
	_ =	sdelay $0x1  }
0x2a0: {  	s23 =	simm.s32 $0x7800  }
0x2a1: {  	[tilespmem:s23], [sflag:$0x1] =	stream.indirect_vreg.gather [hbm4b:s1+s4], $0x80, v4, vm0, $0xb8;
	[tilespmem:$0x18880] =	vst v63  }
0x2a2: {  	s25 =	simm.s32 $0x8000  }
0x2a3: {  	[tilespmem:s25], [sflag:$0x1] =	stream.indirect_vreg.gather [hbm4b:s1+s4], $0x80, v3, vm0, $0xb8;
	[tilespmem:$0x18880] =	vst v63  }
0x2a4: {  	_ =	swait.ge [sflag:s5], $0x8000  }
0x2a5: {  	[sflag:s5] =	ssyncset.done $0x0  }
0x2a6: {  	s31 =	rddreg [dreg:$0xc];
	[sflag:s5] =	ssyncadd.s32 $0xFFFF8000  }
0x2a7: {  	[hbm4b:s31+s4] =	stream.linear.scatter [tilespmem:s15], [sflag:$0x4], $0x8000, $0x38;
	[tilespmem:$0x18880] =	vst v63  }
0x2a8: {  	_ =	swait.ge [sflag:s6], $0x8000  }
0x2a9: {  	[sflag:s6] =	ssyncset.done $0x0  }
0x2aa: {  	[sflag:s6] =	ssyncadd.s32 $0xFFFF8000  }
0x2ab: {  	v3 =	vld [tilespmem:$0x380];
	_ =	sdelay $0x4  }
0x2ac: {  	v48 =	vshll.u32 v3, $0x1  }
0x2ad: {  	v3 =	vand.u32 $0x7, v3;
	v4 =	vand.u32 $0xFFFFFFF0, v48  }
0x2ae: {  	v3 =	vor.u32 v3, v4  }
0x2af: {  	v4 =	vperm.xlane v3, v0;
	_ =	sdelay $0x1  }
0x2b0: {  	v3 =	vperm.xlane v3, v2;
	v4 =	vadd.s32 v1, v4;
	_ =	sdelay $0x1  }
0x2b1: {  	v3 =	vadd.s32 v1, v3;
	_ =	sdelay $0x2  }
0x2b2: {  	[tilespmem:s15], [sflag:$0x2] =	stream.indirect_vreg.gather [hbm4b:s1+s4], $0x80, v4, vm0, $0xb8;
	[tilespmem:$0x18880] =	vst v63  }
0x2b3: {  	s25 =	simm.s32 $0x9000  }
0x2b4: {  	[tilespmem:s25], [sflag:$0x2] =	stream.indirect_vreg.gather [hbm4b:s1+s4], $0x80, v3, vm0, $0xb8;
	[tilespmem:$0x18880] =	vst v63  }
0x2b5: {  	v3 =	vld [tilespmem:$0x390];
	_ =	sdelay $0x4  }
0x2b6: {  	v49 =	vshll.u32 v3, $0x1  }
0x2b7: {  	v3 =	vand.u32 $0x7, v3;
	v4 =	vand.u32 $0xFFFFFFF0, v49  }
0x2b8: {  	v3 =	vor.u32 v3, v4  }
0x2b9: {  	v4 =	vperm.xlane v3, v0;
	_ =	sdelay $0x1  }
0x2ba: {  	v3 =	vperm.xlane v3, v2;
	v4 =	vadd.s32 v1, v4;
	_ =	sdelay $0x1  }
0x2bb: {  	v3 =	vadd.s32 v1, v3;
	_ =	sdelay $0x1  }
0x2bc: {  	s24 =	simm.s32 $0x9800  }
0x2bd: {  	[tilespmem:s24], [sflag:$0x2] =	stream.indirect_vreg.gather [hbm4b:s1+s4], $0x80, v4, vm0, $0xb8;
	[tilespmem:$0x18880] =	vst v63  }
0x2be: {  	s31 =	simm.s32 $0xA000  }
0x2bf: {  	[tilespmem:s31], [sflag:$0x2] =	stream.indirect_vreg.gather [hbm4b:s1+s4], $0x80, v3, vm0, $0xb8;
	[tilespmem:$0x18880] =	vst v63  }
0x2c0: {  	v3 =	vld [tilespmem:$0x3A0];
	_ =	sdelay $0x4  }
0x2c1: {  	v50 =	vshll.u32 v3, $0x1  }
0x2c2: {  	v3 =	vand.u32 $0x7, v3;
	v4 =	vand.u32 $0xFFFFFFF0, v50  }
0x2c3: {  	v3 =	vor.u32 v3, v4  }
0x2c4: {  	v4 =	vperm.xlane v3, v0;
	_ =	sdelay $0x1  }
0x2c5: {  	v3 =	vperm.xlane v3, v2;
	v4 =	vadd.s32 v1, v4;
	_ =	sdelay $0x1  }
0x2c6: {  	v3 =	vadd.s32 v1, v3;
	_ =	sdelay $0x1  }
0x2c7: {  	s30 =	simm.s32 $0xA800  }
0x2c8: {  	[tilespmem:s30], [sflag:$0x2] =	stream.indirect_vreg.gather [hbm4b:s1+s4], $0x80, v4, vm0, $0xb8;
	[tilespmem:$0x18880] =	vst v63  }
0x2c9: {  	s18 =	simm.s32 $0xB000  }
0x2ca: {  	[tilespmem:s18], [sflag:$0x2] =	stream.indirect_vreg.gather [hbm4b:s1+s4], $0x80, v3, vm0, $0xb8;
	[tilespmem:$0x18880] =	vst v63  }
0x2cb: {  	v3 =	vld [tilespmem:$0x3B0];
	_ =	sdelay $0x4  }
0x2cc: {  	v51 =	vshll.u32 v3, $0x1  }
0x2cd: {  	v3 =	vand.u32 $0x7, v3;
	v4 =	vand.u32 $0xFFFFFFF0, v51  }
0x2ce: {  	v3 =	vor.u32 v3, v4  }
0x2cf: {  	v4 =	vperm.xlane v3, v0;
	_ =	sdelay $0x1  }
0x2d0: {  	v3 =	vperm.xlane v3, v2;
	v4 =	vadd.s32 v1, v4;
	_ =	sdelay $0x1  }
0x2d1: {  	v3 =	vadd.s32 v1, v3;
	_ =	sdelay $0x1  }
0x2d2: {  	s29 =	simm.s32 $0xB800  }
0x2d3: {  	[tilespmem:s29], [sflag:$0x2] =	stream.indirect_vreg.gather [hbm4b:s1+s4], $0x80, v4, vm0, $0xb8;
	[tilespmem:$0x18880] =	vst v63  }
0x2d4: {  	s10 =	simm.s32 $0xC000  }
0x2d5: {  	[tilespmem:s10], [sflag:$0x2] =	stream.indirect_vreg.gather [hbm4b:s1+s4], $0x80, v3, vm0, $0xb8;
	[tilespmem:$0x18880] =	vst v63  }
0x2d6: {  	v3 =	vld [tilespmem:$0x3C0];
	_ =	sdelay $0x4  }
0x2d7: {  	v52 =	vshll.u32 v3, $0x1  }
0x2d8: {  	v3 =	vand.u32 $0x7, v3;
	v4 =	vand.u32 $0xFFFFFFF0, v52  }
0x2d9: {  	v3 =	vor.u32 v3, v4  }
0x2da: {  	v4 =	vperm.xlane v3, v0;
	_ =	sdelay $0x1  }
0x2db: {  	v3 =	vperm.xlane v3, v2;
	v4 =	vadd.s32 v1, v4;
	_ =	sdelay $0x1  }
0x2dc: {  	v3 =	vadd.s32 v1, v3;
	_ =	sdelay $0x1  }
0x2dd: {  	s3 =	simm.s32 $0xC800  }
0x2de: {  	[tilespmem:s3], [sflag:$0x2] =	stream.indirect_vreg.gather [hbm4b:s1+s4], $0x80, v4, vm0, $0xb8;
	[tilespmem:$0x18880] =	vst v63  }
0x2df: {  	s12 =	simm.s32 $0xD000  }
0x2e0: {  	[tilespmem:s12], [sflag:$0x2] =	stream.indirect_vreg.gather [hbm4b:s1+s4], $0x80, v3, vm0, $0xb8;
	[tilespmem:$0x18880] =	vst v63  }
0x2e1: {  	v3 =	vld [tilespmem:$0x3D0];
	_ =	sdelay $0x4  }
0x2e2: {  	v53 =	vshll.u32 v3, $0x1  }
0x2e3: {  	v3 =	vand.u32 $0x7, v3;
	v4 =	vand.u32 $0xFFFFFFF0, v53  }
0x2e4: {  	v3 =	vor.u32 v3, v4  }
0x2e5: {  	v4 =	vperm.xlane v3, v0;
	_ =	sdelay $0x1  }
0x2e6: {  	v3 =	vperm.xlane v3, v2;
	v4 =	vadd.s32 v1, v4;
	_ =	sdelay $0x1  }
0x2e7: {  	v3 =	vadd.s32 v1, v3;
	_ =	sdelay $0x1  }
0x2e8: {  	s7 =	simm.s32 $0xD800  }
0x2e9: {  	[tilespmem:s7], [sflag:$0x2] =	stream.indirect_vreg.gather [hbm4b:s1+s4], $0x80, v4, vm0, $0xb8;
	[tilespmem:$0x18880] =	vst v63  }
0x2ea: {  	s13 =	simm.s32 $0xE000  }
0x2eb: {  	[tilespmem:s13], [sflag:$0x2] =	stream.indirect_vreg.gather [hbm4b:s1+s4], $0x80, v3, vm0, $0xb8;
	[tilespmem:$0x18880] =	vst v63  }
0x2ec: {  	v3 =	vld [tilespmem:$0x3E0];
	_ =	sdelay $0x4  }
0x2ed: {  	v54 =	vshll.u32 v3, $0x1  }
0x2ee: {  	v3 =	vand.u32 $0x7, v3;
	v4 =	vand.u32 $0xFFFFFFF0, v54  }
0x2ef: {  	v3 =	vor.u32 v3, v4  }
0x2f0: {  	v4 =	vperm.xlane v3, v0;
	_ =	sdelay $0x1  }
0x2f1: {  	v3 =	vperm.xlane v3, v2;
	v4 =	vadd.s32 v1, v4;
	_ =	sdelay $0x1  }
0x2f2: {  	v3 =	vadd.s32 v1, v3;
	_ =	sdelay $0x1  }
0x2f3: {  	s8 =	simm.s32 $0xE800  }
0x2f4: {  	[tilespmem:s8], [sflag:$0x2] =	stream.indirect_vreg.gather [hbm4b:s1+s4], $0x80, v4, vm0, $0xb8;
	[tilespmem:$0x18880] =	vst v63  }
0x2f5: {  	s14 =	simm.s32 $0xF000  }
0x2f6: {  	[tilespmem:s14], [sflag:$0x2] =	stream.indirect_vreg.gather [hbm4b:s1+s4], $0x80, v3, vm0, $0xb8;
	[tilespmem:$0x18880] =	vst v63  }
0x2f7: {  	v3 =	vld [tilespmem:$0x3F0];
	_ =	sdelay $0x4  }
0x2f8: {  	v55 =	vshll.u32 v3, $0x1  }
0x2f9: {  	v3 =	vand.u32 $0x7, v3;
	v4 =	vand.u32 $0xFFFFFFF0, v55  }
0x2fa: {  	v3 =	vor.u32 v3, v4  }
0x2fb: {  	v4 =	vperm.xlane v3, v0;
	_ =	sdelay $0x1  }
0x2fc: {  	v3 =	vperm.xlane v3, v2;
	v4 =	vadd.s32 v1, v4;
	_ =	sdelay $0x1  }
0x2fd: {  	v3 =	vadd.s32 v1, v3;
	_ =	sdelay $0x1  }
0x2fe: {  	s9 =	simm.s32 $0xF800  }
0x2ff: {  	[tilespmem:s9], [sflag:$0x2] =	stream.indirect_vreg.gather [hbm4b:s1+s4], $0x80, v4, vm0, $0xb8;
	[tilespmem:$0x18880] =	vst v63  }
0x300: {  	s16 =	simm.s32 $0x10000  }
0x301: {  	[tilespmem:s16], [sflag:$0x2] =	stream.indirect_vreg.gather [hbm4b:s1+s4], $0x80, v3, vm0, $0xb8;
	[tilespmem:$0x18880] =	vst v63  }
0x302: {  	_ =	swait.ge [sflag:s0], $0x8000  }
0x303: {  	[sflag:s0] =	ssyncset.done $0x0  }
0x304: {  	s16 =	rddreg [dreg:$0xd];
	[sflag:s0] =	ssyncadd.s32 $0xFFFF8000  }
0x305: {  	[hbm4b:s16+s4] =	stream.linear.scatter [tilespmem:s26], [sflag:$0x3], $0x8000, $0x38;
	[tilespmem:$0x18880] =	vst v63  }
0x306: {  	_ =	swait.ge [sflag:s2], $0x8000  }
0x307: {  	[sflag:s2] =	ssyncset.done $0x0  }
0x308: {  	[sflag:s2] =	ssyncadd.s32 $0xFFFF8000  }
0x309: {  	v3 =	vld [tilespmem:$0x400];
	_ =	sdelay $0x4  }
0x30a: {  	v56 =	vshll.u32 v3, $0x1  }
0x30b: {  	v3 =	vand.u32 $0x7, v3;
	v4 =	vand.u32 $0xFFFFFFF0, v56  }
0x30c: {  	v3 =	vor.u32 v3, v4  }
0x30d: {  	v4 =	vperm.xlane v3, v0;
	_ =	sdelay $0x1  }
0x30e: {  	v3 =	vperm.xlane v3, v2;
	v4 =	vadd.s32 v1, v4;
	_ =	sdelay $0x1  }
0x30f: {  	v3 =	vadd.s32 v1, v3;
	_ =	sdelay $0x2  }
0x310: {  	[tilespmem:s26], [sflag:$0x1] =	stream.indirect_vreg.gather [hbm4b:s1+s4], $0x80, v4, vm0, $0xb8;
	[tilespmem:$0x18880] =	vst v63  }
0x311: {  	_ = 	snop  }
0x312: {  	[tilespmem:s28], [sflag:$0x1] =	stream.indirect_vreg.gather [hbm4b:s1+s4], $0x80, v3, vm0, $0xb8;
	[tilespmem:$0x18880] =	vst v63  }
0x313: {  	v3 =	vld [tilespmem:$0x410];
	_ =	sdelay $0x4  }
0x314: {  	v57 =	vshll.u32 v3, $0x1  }
0x315: {  	v3 =	vand.u32 $0x7, v3;
	v4 =	vand.u32 $0xFFFFFFF0, v57  }
0x316: {  	v3 =	vor.u32 v3, v4  }
0x317: {  	v4 =	vperm.xlane v3, v0;
	_ =	sdelay $0x1  }
0x318: {  	v3 =	vperm.xlane v3, v2;
	v4 =	vadd.s32 v1, v4;
	_ =	sdelay $0x1  }
0x319: {  	v3 =	vadd.s32 v1, v3;
	_ =	sdelay $0x1  }
0x31a: {  	s14 =	simm.s32 $0x1800  }
0x31b: {  	[tilespmem:s14], [sflag:$0x1] =	stream.indirect_vreg.gather [hbm4b:s1+s4], $0x80, v4, vm0, $0xb8;
	[tilespmem:$0x18880] =	vst v63  }
0x31c: {  	s16 =	simm.s32 $0x2000  }
0x31d: {  	[tilespmem:s16], [sflag:$0x1] =	stream.indirect_vreg.gather [hbm4b:s1+s4], $0x80, v3, vm0, $0xb8;
	[tilespmem:$0x18880] =	vst v63  }
0x31e: {  	v3 =	vld [tilespmem:$0x420];
	_ =	sdelay $0x4  }
0x31f: {  	v58 =	vshll.u32 v3, $0x1  }
0x320: {  	v3 =	vand.u32 $0x7, v3;
	v4 =	vand.u32 $0xFFFFFFF0, v58  }
0x321: {  	v3 =	vor.u32 v3, v4  }
0x322: {  	v4 =	vperm.xlane v3, v0;
	_ =	sdelay $0x1  }
0x323: {  	v3 =	vperm.xlane v3, v2;
	v4 =	vadd.s32 v1, v4;
	_ =	sdelay $0x1  }
0x324: {  	v3 =	vadd.s32 v1, v3;
	_ =	sdelay $0x1  }
0x325: {  	s14 =	simm.s32 $0x2800  }
0x326: {  	[tilespmem:s14], [sflag:$0x1] =	stream.indirect_vreg.gather [hbm4b:s1+s4], $0x80, v4, vm0, $0xb8;
	[tilespmem:$0x18880] =	vst v63  }
0x327: {  	s16 =	simm.s32 $0x3000  }
0x328: {  	[tilespmem:s16], [sflag:$0x1] =	stream.indirect_vreg.gather [hbm4b:s1+s4], $0x80, v3, vm0, $0xb8;
	[tilespmem:$0x18880] =	vst v63  }
0x329: {  	v3 =	vld [tilespmem:$0x430];
	_ =	sdelay $0x4  }
0x32a: {  	v59 =	vshll.u32 v3, $0x1  }
0x32b: {  	v3 =	vand.u32 $0x7, v3;
	v4 =	vand.u32 $0xFFFFFFF0, v59  }
0x32c: {  	v3 =	vor.u32 v3, v4  }
0x32d: {  	v4 =	vperm.xlane v3, v0;
	_ =	sdelay $0x1  }
0x32e: {  	v3 =	vperm.xlane v3, v2;
	v4 =	vadd.s32 v1, v4;
	_ =	sdelay $0x1  }
0x32f: {  	v3 =	vadd.s32 v1, v3;
	_ =	sdelay $0x1  }
0x330: {  	s17 =	simm.s32 $0x3800  }
0x331: {  	[tilespmem:s17], [sflag:$0x1] =	stream.indirect_vreg.gather [hbm4b:s1+s4], $0x80, v4, vm0, $0xb8;
	[tilespmem:$0x18880] =	vst v63  }
0x332: {  	s17 =	simm.s32 $0x4000  }
0x333: {  	[tilespmem:s17], [sflag:$0x1] =	stream.indirect_vreg.gather [hbm4b:s1+s4], $0x80, v3, vm0, $0xb8;
	[tilespmem:$0x18880] =	vst v63  }
0x334: {  	v3 =	vld [tilespmem:$0x440];
	_ =	sdelay $0x4  }
0x335: {  	v60 =	vshll.u32 v3, $0x1  }
0x336: {  	v3 =	vand.u32 $0x7, v3;
	v4 =	vand.u32 $0xFFFFFFF0, v60  }
0x337: {  	v3 =	vor.u32 v3, v4  }
0x338: {  	v4 =	vperm.xlane v3, v0;
	_ =	sdelay $0x1  }
0x339: {  	v3 =	vperm.xlane v3, v2;
	v4 =	vadd.s32 v1, v4;
	_ =	sdelay $0x1  }
0x33a: {  	v3 =	vadd.s32 v1, v3;
	_ =	sdelay $0x1  }
0x33b: {  	s19 =	simm.s32 $0x4800  }
0x33c: {  	[tilespmem:s19], [sflag:$0x1] =	stream.indirect_vreg.gather [hbm4b:s1+s4], $0x80, v4, vm0, $0xb8;
	[tilespmem:$0x18880] =	vst v63  }
0x33d: {  	s19 =	simm.s32 $0x5000  }
0x33e: {  	[tilespmem:s19], [sflag:$0x1] =	stream.indirect_vreg.gather [hbm4b:s1+s4], $0x80, v3, vm0, $0xb8;
	[tilespmem:$0x18880] =	vst v63  }
0x33f: {  	v3 =	vld [tilespmem:$0x450];
	_ =	sdelay $0x4  }
0x340: {  	v61 =	vshll.u32 v3, $0x1  }
0x341: {  	v3 =	vand.u32 $0x7, v3;
	v4 =	vand.u32 $0xFFFFFFF0, v61  }
0x342: {  	v3 =	vor.u32 v3, v4  }
0x343: {  	v4 =	vperm.xlane v3, v0;
	_ =	sdelay $0x1  }
0x344: {  	v3 =	vperm.xlane v3, v2;
	v4 =	vadd.s32 v1, v4;
	_ =	sdelay $0x1  }
0x345: {  	v3 =	vadd.s32 v1, v3;
	_ =	sdelay $0x1  }
0x346: {  	s20 =	simm.s32 $0x5800  }
0x347: {  	[tilespmem:s20], [sflag:$0x1] =	stream.indirect_vreg.gather [hbm4b:s1+s4], $0x80, v4, vm0, $0xb8;
	[tilespmem:$0x18880] =	vst v63  }
0x348: {  	s20 =	simm.s32 $0x6000  }
0x349: {  	[tilespmem:s20], [sflag:$0x1] =	stream.indirect_vreg.gather [hbm4b:s1+s4], $0x80, v3, vm0, $0xb8;
	[tilespmem:$0x18880] =	vst v63  }
0x34a: {  	v3 =	vld [tilespmem:$0x460];
	_ =	sdelay $0x4  }
0x34b: {  	v62 =	vshll.u32 v3, $0x1  }
0x34c: {  	v3 =	vand.u32 $0x7, v3;
	v4 =	vand.u32 $0xFFFFFFF0, v62  }
0x34d: {  	v3 =	vor.u32 v3, v4  }
0x34e: {  	v4 =	vperm.xlane v3, v0;
	_ =	sdelay $0x1  }
0x34f: {  	v3 =	vperm.xlane v3, v2;
	v4 =	vadd.s32 v1, v4;
	_ =	sdelay $0x1  }
0x350: {  	v3 =	vadd.s32 v1, v3;
	_ =	sdelay $0x1  }
0x351: {  	s21 =	simm.s32 $0x6800  }
0x352: {  	[tilespmem:s21], [sflag:$0x1] =	stream.indirect_vreg.gather [hbm4b:s1+s4], $0x80, v4, vm0, $0xb8;
	[tilespmem:$0x18880] =	vst v63  }
0x353: {  	s21 =	simm.s32 $0x7000  }
0x354: {  	[tilespmem:s21], [sflag:$0x1] =	stream.indirect_vreg.gather [hbm4b:s1+s4], $0x80, v3, vm0, $0xb8;
	[tilespmem:$0x18880] =	vst v63  }
0x355: {  	v3 =	vld [tilespmem:$0x470];
	_ =	sdelay $0x4  }
0x356: {  	v63 =	vshll.u32 v3, $0x1  }
0x357: {  	v3 =	vand.u32 $0x7, v3;
	v4 =	vand.u32 $0xFFFFFFF0, v63  }
0x358: {  	v3 =	vor.u32 v3, v4  }
0x359: {  	v4 =	vperm.xlane v3, v0;
	_ =	sdelay $0x1  }
0x35a: {  	v3 =	vperm.xlane v3, v2;
	v4 =	vadd.s32 v1, v4;
	_ =	sdelay $0x1  }
0x35b: {  	v3 =	vadd.s32 v1, v3;
	_ =	sdelay $0x1  }
0x35c: {  	s22 =	simm.s32 $0x7800  }
0x35d: {  	[tilespmem:s22], [sflag:$0x1] =	stream.indirect_vreg.gather [hbm4b:s1+s4], $0x80, v4, vm0, $0xb8;
	[tilespmem:$0x18880] =	vst v63  }
0x35e: {  	s23 =	simm.s32 $0x8000  }
0x35f: {  	[tilespmem:s23], [sflag:$0x1] =	stream.indirect_vreg.gather [hbm4b:s1+s4], $0x80, v3, vm0, $0xb8;
	[tilespmem:$0x18880] =	vst v63  }
0x360: {  	_ =	swait.ge [sflag:s5], $0x8000  }
0x361: {  	[sflag:s5] =	ssyncset.done $0x0  }
0x362: {  	s22 =	rddreg [dreg:$0xe];
	[sflag:s5] =	ssyncadd.s32 $0xFFFF8000  }
0x363: {  	[hbm4b:s22+s4] =	stream.linear.scatter [tilespmem:s15], [sflag:$0x4], $0x8000, $0x38;
	[tilespmem:$0x18880] =	vst v63  }
0x364: {  	_ =	swait.ge [sflag:s6], $0x8000  }
0x365: {  	[sflag:s6] =	ssyncset.done $0x0  }
0x366: {  	[sflag:s6] =	ssyncadd.s32 $0xFFFF8000  }
0x367: {  	v3 =	vld [tilespmem:$0x480];
	_ =	sdelay $0x4  }
0x368: {  	v8 =	vshll.u32 v3, $0x1  }
0x369: {  	v3 =	vand.u32 $0x7, v3;
	v4 =	vand.u32 $0xFFFFFFF0, v8  }
0x36a: {  	v3 =	vor.u32 v3, v4  }
0x36b: {  	v4 =	vperm.xlane v3, v0;
	_ =	sdelay $0x1  }
0x36c: {  	v3 =	vperm.xlane v3, v2;
	v4 =	vadd.s32 v1, v4;
	_ =	sdelay $0x1  }
0x36d: {  	v3 =	vadd.s32 v1, v3;
	_ =	sdelay $0x2  }
0x36e: {  	[tilespmem:s15], [sflag:$0x2] =	stream.indirect_vreg.gather [hbm4b:s1+s4], $0x80, v4, vm0, $0xb8;
	[tilespmem:$0x18880] =	vst v63  }
0x36f: {  	s23 =	simm.s32 $0x9000  }
0x370: {  	[tilespmem:s23], [sflag:$0x2] =	stream.indirect_vreg.gather [hbm4b:s1+s4], $0x80, v3, vm0, $0xb8;
	[tilespmem:$0x18880] =	vst v63  }
0x371: {  	v3 =	vld [tilespmem:$0x490];
	_ =	sdelay $0x4  }
0x372: {  	v9 =	vshll.u32 v3, $0x1  }
0x373: {  	v3 =	vand.u32 $0x7, v3;
	v4 =	vand.u32 $0xFFFFFFF0, v9  }
0x374: {  	v3 =	vor.u32 v3, v4  }
0x375: {  	v4 =	vperm.xlane v3, v0;
	_ =	sdelay $0x1  }
0x376: {  	v3 =	vperm.xlane v3, v2;
	v4 =	vadd.s32 v1, v4;
	_ =	sdelay $0x1  }
0x377: {  	v3 =	vadd.s32 v1, v3;
	_ =	sdelay $0x1  }
0x378: {  	s24 =	simm.s32 $0x9800  }
0x379: {  	[tilespmem:s24], [sflag:$0x2] =	stream.indirect_vreg.gather [hbm4b:s1+s4], $0x80, v4, vm0, $0xb8;
	[tilespmem:$0x18880] =	vst v63  }
0x37a: {  	s24 =	simm.s32 $0xA000  }
0x37b: {  	[tilespmem:s24], [sflag:$0x2] =	stream.indirect_vreg.gather [hbm4b:s1+s4], $0x80, v3, vm0, $0xb8;
	[tilespmem:$0x18880] =	vst v63  }
0x37c: {  	v3 =	vld [tilespmem:$0x4A0];
	_ =	sdelay $0x4  }
0x37d: {  	v10 =	vshll.u32 v3, $0x1  }
0x37e: {  	v3 =	vand.u32 $0x7, v3;
	v4 =	vand.u32 $0xFFFFFFF0, v10  }
0x37f: {  	v3 =	vor.u32 v3, v4  }
0x380: {  	v4 =	vperm.xlane v3, v0;
	_ =	sdelay $0x1  }
0x381: {  	v3 =	vperm.xlane v3, v2;
	v4 =	vadd.s32 v1, v4;
	_ =	sdelay $0x1  }
0x382: {  	v3 =	vadd.s32 v1, v3;
	_ =	sdelay $0x1  }
0x383: {  	s25 =	simm.s32 $0xA800  }
0x384: {  	[tilespmem:s25], [sflag:$0x2] =	stream.indirect_vreg.gather [hbm4b:s1+s4], $0x80, v4, vm0, $0xb8;
	[tilespmem:$0x18880] =	vst v63  }
0x385: {  	s31 =	simm.s32 $0xB000  }
0x386: {  	[tilespmem:s31], [sflag:$0x2] =	stream.indirect_vreg.gather [hbm4b:s1+s4], $0x80, v3, vm0, $0xb8;
	[tilespmem:$0x18880] =	vst v63  }
0x387: {  	v3 =	vld [tilespmem:$0x4B0];
	_ =	sdelay $0x4  }
0x388: {  	v11 =	vshll.u32 v3, $0x1  }
0x389: {  	v3 =	vand.u32 $0x7, v3;
	v4 =	vand.u32 $0xFFFFFFF0, v11  }
0x38a: {  	v3 =	vor.u32 v3, v4  }
0x38b: {  	v4 =	vperm.xlane v3, v0;
	_ =	sdelay $0x1  }
0x38c: {  	v3 =	vperm.xlane v3, v2;
	v4 =	vadd.s32 v1, v4;
	_ =	sdelay $0x1  }
0x38d: {  	v3 =	vadd.s32 v1, v3;
	_ =	sdelay $0x1  }
0x38e: {  	s18 =	simm.s32 $0xB800  }
0x38f: {  	[tilespmem:s18], [sflag:$0x2] =	stream.indirect_vreg.gather [hbm4b:s1+s4], $0x80, v4, vm0, $0xb8;
	[tilespmem:$0x18880] =	vst v63  }
0x390: {  	s29 =	simm.s32 $0xC000  }
0x391: {  	[tilespmem:s29], [sflag:$0x2] =	stream.indirect_vreg.gather [hbm4b:s1+s4], $0x80, v3, vm0, $0xb8;
	[tilespmem:$0x18880] =	vst v63  }
0x392: {  	v3 =	vld [tilespmem:$0x4C0];
	_ =	sdelay $0x4  }
0x393: {  	v12 =	vshll.u32 v3, $0x1  }
0x394: {  	v3 =	vand.u32 $0x7, v3;
	v4 =	vand.u32 $0xFFFFFFF0, v12  }
0x395: {  	v3 =	vor.u32 v3, v4  }
0x396: {  	v4 =	vperm.xlane v3, v0;
	_ =	sdelay $0x1  }
0x397: {  	v3 =	vperm.xlane v3, v2;
	v4 =	vadd.s32 v1, v4;
	_ =	sdelay $0x1  }
0x398: {  	v3 =	vadd.s32 v1, v3;
	_ =	sdelay $0x1  }
0x399: {  	s3 =	simm.s32 $0xC800  }
0x39a: {  	[tilespmem:s3], [sflag:$0x2] =	stream.indirect_vreg.gather [hbm4b:s1+s4], $0x80, v4, vm0, $0xb8;
	[tilespmem:$0x18880] =	vst v63  }
0x39b: {  	s10 =	simm.s32 $0xD000  }
0x39c: {  	[tilespmem:s10], [sflag:$0x2] =	stream.indirect_vreg.gather [hbm4b:s1+s4], $0x80, v3, vm0, $0xb8;
	[tilespmem:$0x18880] =	vst v63  }
0x39d: {  	v3 =	vld [tilespmem:$0x4D0];
	_ =	sdelay $0x4  }
0x39e: {  	v13 =	vshll.u32 v3, $0x1  }
0x39f: {  	v3 =	vand.u32 $0x7, v3;
	v4 =	vand.u32 $0xFFFFFFF0, v13  }
0x3a0: {  	v3 =	vor.u32 v3, v4  }
0x3a1: {  	v4 =	vperm.xlane v3, v0;
	_ =	sdelay $0x1  }
0x3a2: {  	v3 =	vperm.xlane v3, v2;
	v4 =	vadd.s32 v1, v4;
	_ =	sdelay $0x1  }
0x3a3: {  	v3 =	vadd.s32 v1, v3;
	_ =	sdelay $0x1  }
0x3a4: {  	s7 =	simm.s32 $0xD800  }
0x3a5: {  	[tilespmem:s7], [sflag:$0x2] =	stream.indirect_vreg.gather [hbm4b:s1+s4], $0x80, v4, vm0, $0xb8;
	[tilespmem:$0x18880] =	vst v63  }
0x3a6: {  	s12 =	simm.s32 $0xE000  }
0x3a7: {  	[tilespmem:s12], [sflag:$0x2] =	stream.indirect_vreg.gather [hbm4b:s1+s4], $0x80, v3, vm0, $0xb8;
	[tilespmem:$0x18880] =	vst v63  }
0x3a8: {  	v3 =	vld [tilespmem:$0x4E0];
	_ =	sdelay $0x4  }
0x3a9: {  	v14 =	vshll.u32 v3, $0x1  }
0x3aa: {  	v3 =	vand.u32 $0x7, v3;
	v4 =	vand.u32 $0xFFFFFFF0, v14  }
0x3ab: {  	v3 =	vor.u32 v3, v4  }
0x3ac: {  	v4 =	vperm.xlane v3, v0;
	_ =	sdelay $0x1  }
0x3ad: {  	v3 =	vperm.xlane v3, v2;
	v4 =	vadd.s32 v1, v4;
	_ =	sdelay $0x1  }
0x3ae: {  	v3 =	vadd.s32 v1, v3;
	_ =	sdelay $0x1  }
0x3af: {  	s30 =	simm.s32 $0xE800  }
0x3b0: {  	[tilespmem:s30], [sflag:$0x2] =	stream.indirect_vreg.gather [hbm4b:s1+s4], $0x80, v4, vm0, $0xb8;
	[tilespmem:$0x18880] =	vst v63  }
0x3b1: {  	s13 =	simm.s32 $0xF000  }
0x3b2: {  	[tilespmem:s13], [sflag:$0x2] =	stream.indirect_vreg.gather [hbm4b:s1+s4], $0x80, v3, vm0, $0xb8;
	[tilespmem:$0x18880] =	vst v63  }
0x3b3: {  	v3 =	vld [tilespmem:$0x4F0];
	_ =	sdelay $0x4  }
0x3b4: {  	v15 =	vshll.u32 v3, $0x1  }
0x3b5: {  	v3 =	vand.u32 $0x7, v3;
	v4 =	vand.u32 $0xFFFFFFF0, v15  }
0x3b6: {  	v3 =	vor.u32 v3, v4  }
0x3b7: {  	v4 =	vperm.xlane v3, v0;
	_ =	sdelay $0x1  }
0x3b8: {  	v3 =	vperm.xlane v3, v2;
	v4 =	vadd.s32 v1, v4;
	_ =	sdelay $0x1  }
0x3b9: {  	v3 =	vadd.s32 v1, v3;
	_ =	sdelay $0x1  }
0x3ba: {  	s8 =	simm.s32 $0xF800  }
0x3bb: {  	[tilespmem:s8], [sflag:$0x2] =	stream.indirect_vreg.gather [hbm4b:s1+s4], $0x80, v4, vm0, $0xb8;
	[tilespmem:$0x18880] =	vst v63  }
0x3bc: {  	s9 =	simm.s32 $0x10000  }
0x3bd: {  	[tilespmem:s9], [sflag:$0x2] =	stream.indirect_vreg.gather [hbm4b:s1+s4], $0x80, v3, vm0, $0xb8;
	[tilespmem:$0x18880] =	vst v63  }
0x3be: {  	_ =	swait.ge [sflag:s0], $0x8000  }
0x3bf: {  	[sflag:s0] =	ssyncset.done $0x0  }
0x3c0: {  	s9 =	rddreg [dreg:$0xf];
	[sflag:s0] =	ssyncadd.s32 $0xFFFF8000  }
0x3c1: {  	[hbm4b:s9+s4] =	stream.linear.scatter [tilespmem:s26], [sflag:$0x3], $0x8000, $0x38;
	[tilespmem:$0x18880] =	vst v63  }
0x3c2: {  	_ =	swait.ge [sflag:s2], $0x8000  }
0x3c3: {  	[sflag:s2] =	ssyncset.done $0x0  }
0x3c4: {  	[sflag:s2] =	ssyncadd.s32 $0xFFFF8000  }
0x3c5: {  	v3 =	vld [tilespmem:$0x500];
	_ =	sdelay $0x4  }
0x3c6: {  	v16 =	vshll.u32 v3, $0x1  }
0x3c7: {  	v3 =	vand.u32 $0x7, v3;
	v4 =	vand.u32 $0xFFFFFFF0, v16  }
0x3c8: {  	v3 =	vor.u32 v3, v4  }
0x3c9: {  	v4 =	vperm.xlane v3, v0;
	_ =	sdelay $0x1  }
0x3ca: {  	v3 =	vperm.xlane v3, v2;
	v4 =	vadd.s32 v1, v4;
	_ =	sdelay $0x1  }
0x3cb: {  	v3 =	vadd.s32 v1, v3;
	_ =	sdelay $0x2  }
0x3cc: {  	[tilespmem:s26], [sflag:$0x1] =	stream.indirect_vreg.gather [hbm4b:s1+s4], $0x80, v4, vm0, $0xb8;
	[tilespmem:$0x18880] =	vst v63  }
0x3cd: {  	_ = 	snop  }
0x3ce: {  	[tilespmem:s28], [sflag:$0x1] =	stream.indirect_vreg.gather [hbm4b:s1+s4], $0x80, v3, vm0, $0xb8;
	[tilespmem:$0x18880] =	vst v63  }
0x3cf: {  	v3 =	vld [tilespmem:$0x510];
	_ =	sdelay $0x4  }
0x3d0: {  	v17 =	vshll.u32 v3, $0x1  }
0x3d1: {  	v3 =	vand.u32 $0x7, v3;
	v4 =	vand.u32 $0xFFFFFFF0, v17  }
0x3d2: {  	v3 =	vor.u32 v3, v4  }
0x3d3: {  	v4 =	vperm.xlane v3, v0;
	_ =	sdelay $0x1  }
0x3d4: {  	v3 =	vperm.xlane v3, v2;
	v4 =	vadd.s32 v1, v4;
	_ =	sdelay $0x1  }
0x3d5: {  	v3 =	vadd.s32 v1, v3;
	_ =	sdelay $0x1  }
0x3d6: {  	s11 =	simm.s32 $0x1800  }
0x3d7: {  	[tilespmem:s11], [sflag:$0x1] =	stream.indirect_vreg.gather [hbm4b:s1+s4], $0x80, v4, vm0, $0xb8;
	[tilespmem:$0x18880] =	vst v63  }
0x3d8: {  	s13 =	simm.s32 $0x2000  }
0x3d9: {  	[tilespmem:s13], [sflag:$0x1] =	stream.indirect_vreg.gather [hbm4b:s1+s4], $0x80, v3, vm0, $0xb8;
	[tilespmem:$0x18880] =	vst v63  }
0x3da: {  	v3 =	vld [tilespmem:$0x520];
	_ =	sdelay $0x4  }
0x3db: {  	v18 =	vshll.u32 v3, $0x1  }
0x3dc: {  	v3 =	vand.u32 $0x7, v3;
	v4 =	vand.u32 $0xFFFFFFF0, v18  }
0x3dd: {  	v3 =	vor.u32 v3, v4  }
0x3de: {  	v4 =	vperm.xlane v3, v0;
	_ =	sdelay $0x1  }
0x3df: {  	v3 =	vperm.xlane v3, v2;
	v4 =	vadd.s32 v1, v4;
	_ =	sdelay $0x1  }
0x3e0: {  	v3 =	vadd.s32 v1, v3;
	_ =	sdelay $0x1  }
0x3e1: {  	s11 =	simm.s32 $0x2800  }
0x3e2: {  	[tilespmem:s11], [sflag:$0x1] =	stream.indirect_vreg.gather [hbm4b:s1+s4], $0x80, v4, vm0, $0xb8;
	[tilespmem:$0x18880] =	vst v63  }
0x3e3: {  	s13 =	simm.s32 $0x3000  }
0x3e4: {  	[tilespmem:s13], [sflag:$0x1] =	stream.indirect_vreg.gather [hbm4b:s1+s4], $0x80, v3, vm0, $0xb8;
	[tilespmem:$0x18880] =	vst v63  }
0x3e5: {  	v3 =	vld [tilespmem:$0x530];
	_ =	sdelay $0x4  }
0x3e6: {  	v19 =	vshll.u32 v3, $0x1  }
0x3e7: {  	v3 =	vand.u32 $0x7, v3;
	v4 =	vand.u32 $0xFFFFFFF0, v19  }
0x3e8: {  	v3 =	vor.u32 v3, v4  }
0x3e9: {  	v4 =	vperm.xlane v3, v0;
	_ =	sdelay $0x1  }
0x3ea: {  	v3 =	vperm.xlane v3, v2;
	v4 =	vadd.s32 v1, v4;
	_ =	sdelay $0x1  }
0x3eb: {  	v3 =	vadd.s32 v1, v3;
	_ =	sdelay $0x1  }
0x3ec: {  	s14 =	simm.s32 $0x3800  }
0x3ed: {  	[tilespmem:s14], [sflag:$0x1] =	stream.indirect_vreg.gather [hbm4b:s1+s4], $0x80, v4, vm0, $0xb8;
	[tilespmem:$0x18880] =	vst v63  }
0x3ee: {  	s14 =	simm.s32 $0x4000  }
0x3ef: {  	[tilespmem:s14], [sflag:$0x1] =	stream.indirect_vreg.gather [hbm4b:s1+s4], $0x80, v3, vm0, $0xb8;
	[tilespmem:$0x18880] =	vst v63  }
0x3f0: {  	v3 =	vld [tilespmem:$0x540];
	_ =	sdelay $0x4  }
0x3f1: {  	v20 =	vshll.u32 v3, $0x1  }
0x3f2: {  	v3 =	vand.u32 $0x7, v3;
	v4 =	vand.u32 $0xFFFFFFF0, v20  }
0x3f3: {  	v3 =	vor.u32 v3, v4  }
0x3f4: {  	v4 =	vperm.xlane v3, v0;
	_ =	sdelay $0x1  }
0x3f5: {  	v3 =	vperm.xlane v3, v2;
	v4 =	vadd.s32 v1, v4;
	_ =	sdelay $0x1  }
0x3f6: {  	v3 =	vadd.s32 v1, v3;
	_ =	sdelay $0x1  }
0x3f7: {  	s16 =	simm.s32 $0x4800  }
0x3f8: {  	[tilespmem:s16], [sflag:$0x1] =	stream.indirect_vreg.gather [hbm4b:s1+s4], $0x80, v4, vm0, $0xb8;
	[tilespmem:$0x18880] =	vst v63  }
0x3f9: {  	s16 =	simm.s32 $0x5000  }
0x3fa: {  	[tilespmem:s16], [sflag:$0x1] =	stream.indirect_vreg.gather [hbm4b:s1+s4], $0x80, v3, vm0, $0xb8;
	[tilespmem:$0x18880] =	vst v63  }
0x3fb: {  	v3 =	vld [tilespmem:$0x550];
	_ =	sdelay $0x4  }
0x3fc: {  	v21 =	vshll.u32 v3, $0x1  }
0x3fd: {  	v3 =	vand.u32 $0x7, v3;
	v4 =	vand.u32 $0xFFFFFFF0, v21  }
0x3fe: {  	v3 =	vor.u32 v3, v4  }
0x3ff: {  	v4 =	vperm.xlane v3, v0;
	_ =	sdelay $0x1  }
0x400: {  	v3 =	vperm.xlane v3, v2;
	v4 =	vadd.s32 v1, v4;
	_ =	sdelay $0x1  }
0x401: {  	v3 =	vadd.s32 v1, v3;
	_ =	sdelay $0x1  }
0x402: {  	s17 =	simm.s32 $0x5800  }
0x403: {  	[tilespmem:s17], [sflag:$0x1] =	stream.indirect_vreg.gather [hbm4b:s1+s4], $0x80, v4, vm0, $0xb8;
	[tilespmem:$0x18880] =	vst v63  }
0x404: {  	s17 =	simm.s32 $0x6000  }
0x405: {  	[tilespmem:s17], [sflag:$0x1] =	stream.indirect_vreg.gather [hbm4b:s1+s4], $0x80, v3, vm0, $0xb8;
	[tilespmem:$0x18880] =	vst v63  }
0x406: {  	v3 =	vld [tilespmem:$0x560];
	_ =	sdelay $0x4  }
0x407: {  	v22 =	vshll.u32 v3, $0x1  }
0x408: {  	v3 =	vand.u32 $0x7, v3;
	v4 =	vand.u32 $0xFFFFFFF0, v22  }
0x409: {  	v3 =	vor.u32 v3, v4  }
0x40a: {  	v4 =	vperm.xlane v3, v0;
	_ =	sdelay $0x1  }
0x40b: {  	v3 =	vperm.xlane v3, v2;
	v4 =	vadd.s32 v1, v4;
	_ =	sdelay $0x1  }
0x40c: {  	v3 =	vadd.s32 v1, v3;
	_ =	sdelay $0x1  }
0x40d: {  	s19 =	simm.s32 $0x6800  }
0x40e: {  	[tilespmem:s19], [sflag:$0x1] =	stream.indirect_vreg.gather [hbm4b:s1+s4], $0x80, v4, vm0, $0xb8;
	[tilespmem:$0x18880] =	vst v63  }
0x40f: {  	s19 =	simm.s32 $0x7000  }
0x410: {  	[tilespmem:s19], [sflag:$0x1] =	stream.indirect_vreg.gather [hbm4b:s1+s4], $0x80, v3, vm0, $0xb8;
	[tilespmem:$0x18880] =	vst v63  }
0x411: {  	v3 =	vld [tilespmem:$0x570];
	_ =	sdelay $0x4  }
0x412: {  	v23 =	vshll.u32 v3, $0x1  }
0x413: {  	v3 =	vand.u32 $0x7, v3;
	v4 =	vand.u32 $0xFFFFFFF0, v23  }
0x414: {  	v3 =	vor.u32 v3, v4  }
0x415: {  	v4 =	vperm.xlane v3, v0;
	_ =	sdelay $0x1  }
0x416: {  	v3 =	vperm.xlane v3, v2;
	v4 =	vadd.s32 v1, v4;
	_ =	sdelay $0x1  }
0x417: {  	v3 =	vadd.s32 v1, v3;
	_ =	sdelay $0x1  }
0x418: {  	s20 =	simm.s32 $0x7800  }
0x419: {  	[tilespmem:s20], [sflag:$0x1] =	stream.indirect_vreg.gather [hbm4b:s1+s4], $0x80, v4, vm0, $0xb8;
	[tilespmem:$0x18880] =	vst v63  }
0x41a: {  	s21 =	simm.s32 $0x8000  }
0x41b: {  	[tilespmem:s21], [sflag:$0x1] =	stream.indirect_vreg.gather [hbm4b:s1+s4], $0x80, v3, vm0, $0xb8;
	[tilespmem:$0x18880] =	vst v63  }
0x41c: {  	_ =	swait.ge [sflag:s5], $0x8000  }
0x41d: {  	[sflag:s5] =	ssyncset.done $0x0  }
0x41e: {  	s20 =	rddreg [dreg:$0x10];
	[sflag:s5] =	ssyncadd.s32 $0xFFFF8000  }
0x41f: {  	[hbm4b:s20+s4] =	stream.linear.scatter [tilespmem:s15], [sflag:$0x4], $0x8000, $0x38;
	[tilespmem:$0x18880] =	vst v63  }
0x420: {  	_ =	swait.ge [sflag:s6], $0x8000  }
0x421: {  	[sflag:s6] =	ssyncset.done $0x0  }
0x422: {  	[sflag:s6] =	ssyncadd.s32 $0xFFFF8000  }
0x423: {  	v3 =	vld [tilespmem:$0x580];
	_ =	sdelay $0x4  }
0x424: {  	v24 =	vshll.u32 v3, $0x1  }
0x425: {  	v3 =	vand.u32 $0x7, v3;
	v4 =	vand.u32 $0xFFFFFFF0, v24  }
0x426: {  	v3 =	vor.u32 v3, v4  }
0x427: {  	v4 =	vperm.xlane v3, v0;
	_ =	sdelay $0x1  }
0x428: {  	v3 =	vperm.xlane v3, v2;
	v4 =	vadd.s32 v1, v4;
	_ =	sdelay $0x1  }
0x429: {  	v3 =	vadd.s32 v1, v3;
	_ =	sdelay $0x2  }
0x42a: {  	[tilespmem:s15], [sflag:$0x2] =	stream.indirect_vreg.gather [hbm4b:s1+s4], $0x80, v4, vm0, $0xb8;
	[tilespmem:$0x18880] =	vst v63  }
0x42b: {  	s21 =	simm.s32 $0x9000  }
0x42c: {  	[tilespmem:s21], [sflag:$0x2] =	stream.indirect_vreg.gather [hbm4b:s1+s4], $0x80, v3, vm0, $0xb8;
	[tilespmem:$0x18880] =	vst v63  }
0x42d: {  	v3 =	vld [tilespmem:$0x590];
	_ =	sdelay $0x4  }
0x42e: {  	v25 =	vshll.u32 v3, $0x1  }
0x42f: {  	v3 =	vand.u32 $0x7, v3;
	v4 =	vand.u32 $0xFFFFFFF0, v25  }
0x430: {  	v3 =	vor.u32 v3, v4  }
0x431: {  	v4 =	vperm.xlane v3, v0;
	_ =	sdelay $0x1  }
0x432: {  	v3 =	vperm.xlane v3, v2;
	v4 =	vadd.s32 v1, v4;
	_ =	sdelay $0x1  }
0x433: {  	v3 =	vadd.s32 v1, v3;
	_ =	sdelay $0x1  }
0x434: {  	s22 =	simm.s32 $0x9800  }
0x435: {  	[tilespmem:s22], [sflag:$0x2] =	stream.indirect_vreg.gather [hbm4b:s1+s4], $0x80, v4, vm0, $0xb8;
	[tilespmem:$0x18880] =	vst v63  }
0x436: {  	s22 =	simm.s32 $0xA000  }
0x437: {  	[tilespmem:s22], [sflag:$0x2] =	stream.indirect_vreg.gather [hbm4b:s1+s4], $0x80, v3, vm0, $0xb8;
	[tilespmem:$0x18880] =	vst v63  }
0x438: {  	v3 =	vld [tilespmem:$0x5A0];
	_ =	sdelay $0x4  }
0x439: {  	v26 =	vshll.u32 v3, $0x1  }
0x43a: {  	v3 =	vand.u32 $0x7, v3;
	v4 =	vand.u32 $0xFFFFFFF0, v26  }
0x43b: {  	v3 =	vor.u32 v3, v4  }
0x43c: {  	v4 =	vperm.xlane v3, v0;
	_ =	sdelay $0x1  }
0x43d: {  	v3 =	vperm.xlane v3, v2;
	v4 =	vadd.s32 v1, v4;
	_ =	sdelay $0x1  }
0x43e: {  	v3 =	vadd.s32 v1, v3;
	_ =	sdelay $0x1  }
0x43f: {  	s23 =	simm.s32 $0xA800  }
0x440: {  	[tilespmem:s23], [sflag:$0x2] =	stream.indirect_vreg.gather [hbm4b:s1+s4], $0x80, v4, vm0, $0xb8;
	[tilespmem:$0x18880] =	vst v63  }
0x441: {  	s31 =	simm.s32 $0xB000  }
0x442: {  	[tilespmem:s31], [sflag:$0x2] =	stream.indirect_vreg.gather [hbm4b:s1+s4], $0x80, v3, vm0, $0xb8;
	[tilespmem:$0x18880] =	vst v63  }
0x443: {  	v3 =	vld [tilespmem:$0x5B0];
	_ =	sdelay $0x4  }
0x444: {  	v27 =	vshll.u32 v3, $0x1  }
0x445: {  	v3 =	vand.u32 $0x7, v3;
	v4 =	vand.u32 $0xFFFFFFF0, v27  }
0x446: {  	v3 =	vor.u32 v3, v4  }
0x447: {  	v4 =	vperm.xlane v3, v0;
	_ =	sdelay $0x1  }
0x448: {  	v3 =	vperm.xlane v3, v2;
	v4 =	vadd.s32 v1, v4;
	_ =	sdelay $0x1  }
0x449: {  	v3 =	vadd.s32 v1, v3;
	_ =	sdelay $0x1  }
0x44a: {  	s18 =	simm.s32 $0xB800  }
0x44b: {  	[tilespmem:s18], [sflag:$0x2] =	stream.indirect_vreg.gather [hbm4b:s1+s4], $0x80, v4, vm0, $0xb8;
	[tilespmem:$0x18880] =	vst v63  }
0x44c: {  	s29 =	simm.s32 $0xC000  }
0x44d: {  	[tilespmem:s29], [sflag:$0x2] =	stream.indirect_vreg.gather [hbm4b:s1+s4], $0x80, v3, vm0, $0xb8;
	[tilespmem:$0x18880] =	vst v63  }
0x44e: {  	v3 =	vld [tilespmem:$0x5C0];
	_ =	sdelay $0x4  }
0x44f: {  	v28 =	vshll.u32 v3, $0x1  }
0x450: {  	v3 =	vand.u32 $0x7, v3;
	v4 =	vand.u32 $0xFFFFFFF0, v28  }
0x451: {  	v3 =	vor.u32 v3, v4  }
0x452: {  	v4 =	vperm.xlane v3, v0;
	_ =	sdelay $0x1  }
0x453: {  	v3 =	vperm.xlane v3, v2;
	v4 =	vadd.s32 v1, v4;
	_ =	sdelay $0x1  }
0x454: {  	v3 =	vadd.s32 v1, v3;
	_ =	sdelay $0x1  }
0x455: {  	s24 =	simm.s32 $0xC800  }
0x456: {  	[tilespmem:s24], [sflag:$0x2] =	stream.indirect_vreg.gather [hbm4b:s1+s4], $0x80, v4, vm0, $0xb8;
	[tilespmem:$0x18880] =	vst v63  }
0x457: {  	s25 =	simm.s32 $0xD000  }
0x458: {  	[tilespmem:s25], [sflag:$0x2] =	stream.indirect_vreg.gather [hbm4b:s1+s4], $0x80, v3, vm0, $0xb8;
	[tilespmem:$0x18880] =	vst v63  }
0x459: {  	v3 =	vld [tilespmem:$0x5D0];
	_ =	sdelay $0x4  }
0x45a: {  	v29 =	vshll.u32 v3, $0x1  }
0x45b: {  	v3 =	vand.u32 $0x7, v3;
	v4 =	vand.u32 $0xFFFFFFF0, v29  }
0x45c: {  	v3 =	vor.u32 v3, v4  }
0x45d: {  	v4 =	vperm.xlane v3, v0;
	_ =	sdelay $0x1  }
0x45e: {  	v3 =	vperm.xlane v3, v2;
	v4 =	vadd.s32 v1, v4;
	_ =	sdelay $0x1  }
0x45f: {  	v3 =	vadd.s32 v1, v3;
	_ =	sdelay $0x1  }
0x460: {  	s7 =	simm.s32 $0xD800  }
0x461: {  	[tilespmem:s7], [sflag:$0x2] =	stream.indirect_vreg.gather [hbm4b:s1+s4], $0x80, v4, vm0, $0xb8;
	[tilespmem:$0x18880] =	vst v63  }
0x462: {  	s10 =	simm.s32 $0xE000  }
0x463: {  	[tilespmem:s10], [sflag:$0x2] =	stream.indirect_vreg.gather [hbm4b:s1+s4], $0x80, v3, vm0, $0xb8;
	[tilespmem:$0x18880] =	vst v63  }
0x464: {  	v3 =	vld [tilespmem:$0x5E0];
	_ =	sdelay $0x4  }
0x465: {  	v30 =	vshll.u32 v3, $0x1  }
0x466: {  	v3 =	vand.u32 $0x7, v3;
	v4 =	vand.u32 $0xFFFFFFF0, v30  }
0x467: {  	v3 =	vor.u32 v3, v4  }
0x468: {  	v4 =	vperm.xlane v3, v0;
	_ =	sdelay $0x1  }
0x469: {  	v3 =	vperm.xlane v3, v2;
	v4 =	vadd.s32 v1, v4;
	_ =	sdelay $0x1  }
0x46a: {  	v3 =	vadd.s32 v1, v3;
	_ =	sdelay $0x1  }
0x46b: {  	s30 =	simm.s32 $0xE800  }
0x46c: {  	[tilespmem:s30], [sflag:$0x2] =	stream.indirect_vreg.gather [hbm4b:s1+s4], $0x80, v4, vm0, $0xb8;
	[tilespmem:$0x18880] =	vst v63  }
0x46d: {  	s12 =	simm.s32 $0xF000  }
0x46e: {  	[tilespmem:s12], [sflag:$0x2] =	stream.indirect_vreg.gather [hbm4b:s1+s4], $0x80, v3, vm0, $0xb8;
	[tilespmem:$0x18880] =	vst v63  }
0x46f: {  	v3 =	vld [tilespmem:$0x5F0];
	_ =	sdelay $0x4  }
0x470: {  	v31 =	vshll.u32 v3, $0x1  }
0x471: {  	v3 =	vand.u32 $0x7, v3;
	v4 =	vand.u32 $0xFFFFFFF0, v31  }
0x472: {  	v3 =	vor.u32 v3, v4  }
0x473: {  	v4 =	vperm.xlane v3, v0;
	_ =	sdelay $0x1  }
0x474: {  	v3 =	vperm.xlane v3, v2;
	v4 =	vadd.s32 v1, v4;
	_ =	sdelay $0x1  }
0x475: {  	v3 =	vadd.s32 v1, v3;
	_ =	sdelay $0x1  }
0x476: {  	s3 =	simm.s32 $0xF800  }
0x477: {  	[tilespmem:s3], [sflag:$0x2] =	stream.indirect_vreg.gather [hbm4b:s1+s4], $0x80, v4, vm0, $0xb8;
	[tilespmem:$0x18880] =	vst v63  }
0x478: {  	s8 =	simm.s32 $0x10000  }
0x479: {  	[tilespmem:s8], [sflag:$0x2] =	stream.indirect_vreg.gather [hbm4b:s1+s4], $0x80, v3, vm0, $0xb8;
	[tilespmem:$0x18880] =	vst v63  }
0x47a: {  	_ =	swait.ge [sflag:s0], $0x8000  }
0x47b: {  	[sflag:s0] =	ssyncset.done $0x0  }
0x47c: {  	s8 =	rddreg [dreg:$0x11];
	[sflag:s0] =	ssyncadd.s32 $0xFFFF8000  }
0x47d: {  	[hbm4b:s8+s4] =	stream.linear.scatter [tilespmem:s26], [sflag:$0x3], $0x8000, $0x38;
	[tilespmem:$0x18880] =	vst v63  }
0x47e: {  	_ =	swait.ge [sflag:s2], $0x8000  }
0x47f: {  	[sflag:s2] =	ssyncset.done $0x0  }
0x480: {  	[sflag:s2] =	ssyncadd.s32 $0xFFFF8000  }
0x481: {  	v3 =	vld [tilespmem:$0x600];
	_ =	sdelay $0x4  }
0x482: {  	v32 =	vshll.u32 v3, $0x1  }
0x483: {  	v3 =	vand.u32 $0x7, v3;
	v4 =	vand.u32 $0xFFFFFFF0, v32  }
0x484: {  	v3 =	vor.u32 v3, v4  }
0x485: {  	v4 =	vperm.xlane v3, v0;
	_ =	sdelay $0x1  }
0x486: {  	v3 =	vperm.xlane v3, v2;
	v4 =	vadd.s32 v1, v4;
	_ =	sdelay $0x1  }
0x487: {  	v3 =	vadd.s32 v1, v3;
	_ =	sdelay $0x2  }
0x488: {  	[tilespmem:s26], [sflag:$0x1] =	stream.indirect_vreg.gather [hbm4b:s1+s4], $0x80, v4, vm0, $0xb8;
	[tilespmem:$0x18880] =	vst v63  }
0x489: {  	_ = 	snop  }
0x48a: {  	[tilespmem:s28], [sflag:$0x1] =	stream.indirect_vreg.gather [hbm4b:s1+s4], $0x80, v3, vm0, $0xb8;
	[tilespmem:$0x18880] =	vst v63  }
0x48b: {  	v3 =	vld [tilespmem:$0x610];
	_ =	sdelay $0x4  }
0x48c: {  	v33 =	vshll.u32 v3, $0x1  }
0x48d: {  	v3 =	vand.u32 $0x7, v3;
	v4 =	vand.u32 $0xFFFFFFF0, v33  }
0x48e: {  	v3 =	vor.u32 v3, v4  }
0x48f: {  	v4 =	vperm.xlane v3, v0;
	_ =	sdelay $0x1  }
0x490: {  	v3 =	vperm.xlane v3, v2;
	v4 =	vadd.s32 v1, v4;
	_ =	sdelay $0x1  }
0x491: {  	v3 =	vadd.s32 v1, v3;
	_ =	sdelay $0x1  }
0x492: {  	s12 =	simm.s32 $0x1800  }
0x493: {  	[tilespmem:s12], [sflag:$0x1] =	stream.indirect_vreg.gather [hbm4b:s1+s4], $0x80, v4, vm0, $0xb8;
	[tilespmem:$0x18880] =	vst v63  }
0x494: {  	s7 =	simm.s32 $0x2000  }
0x495: {  	[tilespmem:s7], [sflag:$0x1] =	stream.indirect_vreg.gather [hbm4b:s1+s4], $0x80, v3, vm0, $0xb8;
	[tilespmem:$0x18880] =	vst v63  }
0x496: {  	v3 =	vld [tilespmem:$0x620];
	_ =	sdelay $0x4  }
0x497: {  	v34 =	vshll.u32 v3, $0x1  }
0x498: {  	v3 =	vand.u32 $0x7, v3;
	v4 =	vand.u32 $0xFFFFFFF0, v34  }
0x499: {  	v3 =	vor.u32 v3, v4  }
0x49a: {  	v4 =	vperm.xlane v3, v0;
	_ =	sdelay $0x1  }
0x49b: {  	v3 =	vperm.xlane v3, v2;
	v4 =	vadd.s32 v1, v4;
	_ =	sdelay $0x1  }
0x49c: {  	v3 =	vadd.s32 v1, v3;
	_ =	sdelay $0x1  }
0x49d: {  	s8 =	simm.s32 $0x2800  }
0x49e: {  	[tilespmem:s8], [sflag:$0x1] =	stream.indirect_vreg.gather [hbm4b:s1+s4], $0x80, v4, vm0, $0xb8;
	[tilespmem:$0x18880] =	vst v63  }
0x49f: {  	s11 =	simm.s32 $0x3000  }
0x4a0: {  	[tilespmem:s11], [sflag:$0x1] =	stream.indirect_vreg.gather [hbm4b:s1+s4], $0x80, v3, vm0, $0xb8;
	[tilespmem:$0x18880] =	vst v63  }
0x4a1: {  	v3 =	vld [tilespmem:$0x630];
	_ =	sdelay $0x4  }
0x4a2: {  	v35 =	vshll.u32 v3, $0x1  }
0x4a3: {  	v3 =	vand.u32 $0x7, v3;
	v4 =	vand.u32 $0xFFFFFFF0, v35  }
0x4a4: {  	v3 =	vor.u32 v3, v4  }
0x4a5: {  	v4 =	vperm.xlane v3, v0;
	_ =	sdelay $0x1  }
0x4a6: {  	v3 =	vperm.xlane v3, v2;
	v4 =	vadd.s32 v1, v4;
	_ =	sdelay $0x1  }
0x4a7: {  	v3 =	vadd.s32 v1, v3;
	_ =	sdelay $0x1  }
0x4a8: {  	s9 =	simm.s32 $0x3800  }
0x4a9: {  	[tilespmem:s9], [sflag:$0x1] =	stream.indirect_vreg.gather [hbm4b:s1+s4], $0x80, v4, vm0, $0xb8;
	[tilespmem:$0x18880] =	vst v63  }
0x4aa: {  	s12 =	simm.s32 $0x4000  }
0x4ab: {  	[tilespmem:s12], [sflag:$0x1] =	stream.indirect_vreg.gather [hbm4b:s1+s4], $0x80, v3, vm0, $0xb8;
	[tilespmem:$0x18880] =	vst v63  }
0x4ac: {  	v3 =	vld [tilespmem:$0x640];
	_ =	sdelay $0x4  }
0x4ad: {  	v36 =	vshll.u32 v3, $0x1  }
0x4ae: {  	v3 =	vand.u32 $0x7, v3;
	v4 =	vand.u32 $0xFFFFFFF0, v36  }
0x4af: {  	v3 =	vor.u32 v3, v4  }
0x4b0: {  	v4 =	vperm.xlane v3, v0;
	_ =	sdelay $0x1  }
0x4b1: {  	v3 =	vperm.xlane v3, v2;
	v4 =	vadd.s32 v1, v4;
	_ =	sdelay $0x1  }
0x4b2: {  	v3 =	vadd.s32 v1, v3;
	_ =	sdelay $0x1  }
0x4b3: {  	s13 =	simm.s32 $0x4800  }
0x4b4: {  	[tilespmem:s13], [sflag:$0x1] =	stream.indirect_vreg.gather [hbm4b:s1+s4], $0x80, v4, vm0, $0xb8;
	[tilespmem:$0x18880] =	vst v63  }
0x4b5: {  	s13 =	simm.s32 $0x5000  }
0x4b6: {  	[tilespmem:s13], [sflag:$0x1] =	stream.indirect_vreg.gather [hbm4b:s1+s4], $0x80, v3, vm0, $0xb8;
	[tilespmem:$0x18880] =	vst v63  }
0x4b7: {  	v3 =	vld [tilespmem:$0x650];
	_ =	sdelay $0x4  }
0x4b8: {  	v37 =	vshll.u32 v3, $0x1  }
0x4b9: {  	v3 =	vand.u32 $0x7, v3;
	v4 =	vand.u32 $0xFFFFFFF0, v37  }
0x4ba: {  	v3 =	vor.u32 v3, v4  }
0x4bb: {  	v4 =	vperm.xlane v3, v0;
	_ =	sdelay $0x1  }
0x4bc: {  	v3 =	vperm.xlane v3, v2;
	v4 =	vadd.s32 v1, v4;
	_ =	sdelay $0x1  }
0x4bd: {  	v3 =	vadd.s32 v1, v3;
	_ =	sdelay $0x1  }
0x4be: {  	s14 =	simm.s32 $0x5800  }
0x4bf: {  	[tilespmem:s14], [sflag:$0x1] =	stream.indirect_vreg.gather [hbm4b:s1+s4], $0x80, v4, vm0, $0xb8;
	[tilespmem:$0x18880] =	vst v63  }
0x4c0: {  	s14 =	simm.s32 $0x6000  }
0x4c1: {  	[tilespmem:s14], [sflag:$0x1] =	stream.indirect_vreg.gather [hbm4b:s1+s4], $0x80, v3, vm0, $0xb8;
	[tilespmem:$0x18880] =	vst v63  }
0x4c2: {  	v3 =	vld [tilespmem:$0x660];
	_ =	sdelay $0x4  }
0x4c3: {  	v38 =	vshll.u32 v3, $0x1  }
0x4c4: {  	v3 =	vand.u32 $0x7, v3;
	v4 =	vand.u32 $0xFFFFFFF0, v38  }
0x4c5: {  	v3 =	vor.u32 v3, v4  }
0x4c6: {  	v4 =	vperm.xlane v3, v0;
	_ =	sdelay $0x1  }
0x4c7: {  	v3 =	vperm.xlane v3, v2;
	v4 =	vadd.s32 v1, v4;
	_ =	sdelay $0x1  }
0x4c8: {  	v3 =	vadd.s32 v1, v3;
	_ =	sdelay $0x1  }
0x4c9: {  	s16 =	simm.s32 $0x6800  }
0x4ca: {  	[tilespmem:s16], [sflag:$0x1] =	stream.indirect_vreg.gather [hbm4b:s1+s4], $0x80, v4, vm0, $0xb8;
	[tilespmem:$0x18880] =	vst v63  }
0x4cb: {  	s16 =	simm.s32 $0x7000  }
0x4cc: {  	[tilespmem:s16], [sflag:$0x1] =	stream.indirect_vreg.gather [hbm4b:s1+s4], $0x80, v3, vm0, $0xb8;
	[tilespmem:$0x18880] =	vst v63  }
0x4cd: {  	v3 =	vld [tilespmem:$0x670];
	_ =	sdelay $0x4  }
0x4ce: {  	v39 =	vshll.u32 v3, $0x1  }
0x4cf: {  	v3 =	vand.u32 $0x7, v3;
	v4 =	vand.u32 $0xFFFFFFF0, v39  }
0x4d0: {  	v3 =	vor.u32 v3, v4  }
0x4d1: {  	v4 =	vperm.xlane v3, v0;
	_ =	sdelay $0x1  }
0x4d2: {  	v3 =	vperm.xlane v3, v2;
	v4 =	vadd.s32 v1, v4;
	_ =	sdelay $0x1  }
0x4d3: {  	v3 =	vadd.s32 v1, v3;
	_ =	sdelay $0x1  }
0x4d4: {  	s17 =	simm.s32 $0x7800  }
0x4d5: {  	[tilespmem:s17], [sflag:$0x1] =	stream.indirect_vreg.gather [hbm4b:s1+s4], $0x80, v4, vm0, $0xb8;
	[tilespmem:$0x18880] =	vst v63  }
0x4d6: {  	s19 =	simm.s32 $0x8000  }
0x4d7: {  	[tilespmem:s19], [sflag:$0x1] =	stream.indirect_vreg.gather [hbm4b:s1+s4], $0x80, v3, vm0, $0xb8;
	[tilespmem:$0x18880] =	vst v63  }
0x4d8: {  	_ =	swait.ge [sflag:s5], $0x8000  }
0x4d9: {  	[sflag:s5] =	ssyncset.done $0x0  }
0x4da: {  	s17 =	rddreg [dreg:$0x12];
	[sflag:s5] =	ssyncadd.s32 $0xFFFF8000  }
0x4db: {  	[hbm4b:s17+s4] =	stream.linear.scatter [tilespmem:s15], [sflag:$0x4], $0x8000, $0x38;
	[tilespmem:$0x18880] =	vst v63  }
0x4dc: {  	_ =	swait.ge [sflag:s6], $0x8000  }
0x4dd: {  	[sflag:s6] =	ssyncset.done $0x0  }
0x4de: {  	[sflag:s6] =	ssyncadd.s32 $0xFFFF8000  }
0x4df: {  	v3 =	vld [tilespmem:$0x680];
	_ =	sdelay $0x4  }
0x4e0: {  	v40 =	vshll.u32 v3, $0x1  }
0x4e1: {  	v3 =	vand.u32 $0x7, v3;
	v4 =	vand.u32 $0xFFFFFFF0, v40  }
0x4e2: {  	v3 =	vor.u32 v3, v4  }
0x4e3: {  	v4 =	vperm.xlane v3, v0;
	_ =	sdelay $0x1  }
0x4e4: {  	v3 =	vperm.xlane v3, v2;
	v4 =	vadd.s32 v1, v4;
	_ =	sdelay $0x1  }
0x4e5: {  	v3 =	vadd.s32 v1, v3;
	_ =	sdelay $0x2  }
0x4e6: {  	[tilespmem:s15], [sflag:$0x2] =	stream.indirect_vreg.gather [hbm4b:s1+s4], $0x80, v4, vm0, $0xb8;
	[tilespmem:$0x18880] =	vst v63  }
0x4e7: {  	s19 =	simm.s32 $0x9000  }
0x4e8: {  	[tilespmem:s19], [sflag:$0x2] =	stream.indirect_vreg.gather [hbm4b:s1+s4], $0x80, v3, vm0, $0xb8;
	[tilespmem:$0x18880] =	vst v63  }
0x4e9: {  	v3 =	vld [tilespmem:$0x690];
	_ =	sdelay $0x4  }
0x4ea: {  	v41 =	vshll.u32 v3, $0x1  }
0x4eb: {  	v3 =	vand.u32 $0x7, v3;
	v4 =	vand.u32 $0xFFFFFFF0, v41  }
0x4ec: {  	v3 =	vor.u32 v3, v4  }
0x4ed: {  	v4 =	vperm.xlane v3, v0;
	_ =	sdelay $0x1  }
0x4ee: {  	v3 =	vperm.xlane v3, v2;
	v4 =	vadd.s32 v1, v4;
	_ =	sdelay $0x1  }
0x4ef: {  	v3 =	vadd.s32 v1, v3;
	_ =	sdelay $0x1  }
0x4f0: {  	s20 =	simm.s32 $0x9800  }
0x4f1: {  	[tilespmem:s20], [sflag:$0x2] =	stream.indirect_vreg.gather [hbm4b:s1+s4], $0x80, v4, vm0, $0xb8;
	[tilespmem:$0x18880] =	vst v63  }
0x4f2: {  	s20 =	simm.s32 $0xA000  }
0x4f3: {  	[tilespmem:s20], [sflag:$0x2] =	stream.indirect_vreg.gather [hbm4b:s1+s4], $0x80, v3, vm0, $0xb8;
	[tilespmem:$0x18880] =	vst v63  }
0x4f4: {  	v3 =	vld [tilespmem:$0x6A0];
	_ =	sdelay $0x4  }
0x4f5: {  	v42 =	vshll.u32 v3, $0x1  }
0x4f6: {  	v3 =	vand.u32 $0x7, v3;
	v4 =	vand.u32 $0xFFFFFFF0, v42  }
0x4f7: {  	v3 =	vor.u32 v3, v4  }
0x4f8: {  	v4 =	vperm.xlane v3, v0;
	_ =	sdelay $0x1  }
0x4f9: {  	v3 =	vperm.xlane v3, v2;
	v4 =	vadd.s32 v1, v4;
	_ =	sdelay $0x1  }
0x4fa: {  	v3 =	vadd.s32 v1, v3;
	_ =	sdelay $0x1  }
0x4fb: {  	s21 =	simm.s32 $0xA800  }
0x4fc: {  	[tilespmem:s21], [sflag:$0x2] =	stream.indirect_vreg.gather [hbm4b:s1+s4], $0x80, v4, vm0, $0xb8;
	[tilespmem:$0x18880] =	vst v63  }
0x4fd: {  	s22 =	simm.s32 $0xB000  }
0x4fe: {  	[tilespmem:s22], [sflag:$0x2] =	stream.indirect_vreg.gather [hbm4b:s1+s4], $0x80, v3, vm0, $0xb8;
	[tilespmem:$0x18880] =	vst v63  }
0x4ff: {  	v3 =	vld [tilespmem:$0x6B0];
	_ =	sdelay $0x4  }
0x500: {  	v43 =	vshll.u32 v3, $0x1  }
0x501: {  	v3 =	vand.u32 $0x7, v3;
	v4 =	vand.u32 $0xFFFFFFF0, v43  }
0x502: {  	v3 =	vor.u32 v3, v4  }
0x503: {  	v4 =	vperm.xlane v3, v0;
	_ =	sdelay $0x1  }
0x504: {  	v3 =	vperm.xlane v3, v2;
	v4 =	vadd.s32 v1, v4;
	_ =	sdelay $0x1  }
0x505: {  	v3 =	vadd.s32 v1, v3;
	_ =	sdelay $0x1  }
0x506: {  	s22 =	simm.s32 $0xB800  }
0x507: {  	[tilespmem:s22], [sflag:$0x2] =	stream.indirect_vreg.gather [hbm4b:s1+s4], $0x80, v4, vm0, $0xb8;
	[tilespmem:$0x18880] =	vst v63  }
0x508: {  	s23 =	simm.s32 $0xC000  }
0x509: {  	[tilespmem:s23], [sflag:$0x2] =	stream.indirect_vreg.gather [hbm4b:s1+s4], $0x80, v3, vm0, $0xb8;
	[tilespmem:$0x18880] =	vst v63  }
0x50a: {  	v3 =	vld [tilespmem:$0x6C0];
	_ =	sdelay $0x4  }
0x50b: {  	v44 =	vshll.u32 v3, $0x1  }
0x50c: {  	v3 =	vand.u32 $0x7, v3;
	v4 =	vand.u32 $0xFFFFFFF0, v44  }
0x50d: {  	v3 =	vor.u32 v3, v4  }
0x50e: {  	v4 =	vperm.xlane v3, v0;
	_ =	sdelay $0x1  }
0x50f: {  	v3 =	vperm.xlane v3, v2;
	v4 =	vadd.s32 v1, v4;
	_ =	sdelay $0x1  }
0x510: {  	v3 =	vadd.s32 v1, v3;
	_ =	sdelay $0x1  }
0x511: {  	s29 =	simm.s32 $0xC800  }
0x512: {  	[tilespmem:s29], [sflag:$0x2] =	stream.indirect_vreg.gather [hbm4b:s1+s4], $0x80, v4, vm0, $0xb8;
	[tilespmem:$0x18880] =	vst v63  }
0x513: {  	s31 =	simm.s32 $0xD000  }
0x514: {  	[tilespmem:s31], [sflag:$0x2] =	stream.indirect_vreg.gather [hbm4b:s1+s4], $0x80, v3, vm0, $0xb8;
	[tilespmem:$0x18880] =	vst v63  }
0x515: {  	v3 =	vld [tilespmem:$0x6D0];
	_ =	sdelay $0x4  }
0x516: {  	v45 =	vshll.u32 v3, $0x1  }
0x517: {  	v3 =	vand.u32 $0x7, v3;
	v4 =	vand.u32 $0xFFFFFFF0, v45  }
0x518: {  	v3 =	vor.u32 v3, v4  }
0x519: {  	v4 =	vperm.xlane v3, v0;
	_ =	sdelay $0x1  }
0x51a: {  	v3 =	vperm.xlane v3, v2;
	v4 =	vadd.s32 v1, v4;
	_ =	sdelay $0x1  }
0x51b: {  	v3 =	vadd.s32 v1, v3;
	_ =	sdelay $0x1  }
0x51c: {  	s18 =	simm.s32 $0xD800  }
0x51d: {  	[tilespmem:s18], [sflag:$0x2] =	stream.indirect_vreg.gather [hbm4b:s1+s4], $0x80, v4, vm0, $0xb8;
	[tilespmem:$0x18880] =	vst v63  }
0x51e: {  	s10 =	simm.s32 $0xE000  }
0x51f: {  	[tilespmem:s10], [sflag:$0x2] =	stream.indirect_vreg.gather [hbm4b:s1+s4], $0x80, v3, vm0, $0xb8;
	[tilespmem:$0x18880] =	vst v63  }
0x520: {  	v3 =	vld [tilespmem:$0x6E0];
	_ =	sdelay $0x4  }
0x521: {  	v46 =	vshll.u32 v3, $0x1  }
0x522: {  	v3 =	vand.u32 $0x7, v3;
	v4 =	vand.u32 $0xFFFFFFF0, v46  }
0x523: {  	v3 =	vor.u32 v3, v4  }
0x524: {  	v4 =	vperm.xlane v3, v0;
	_ =	sdelay $0x1  }
0x525: {  	v3 =	vperm.xlane v3, v2;
	v4 =	vadd.s32 v1, v4;
	_ =	sdelay $0x1  }
0x526: {  	v3 =	vadd.s32 v1, v3;
	_ =	sdelay $0x1  }
0x527: {  	s25 =	simm.s32 $0xE800  }
0x528: {  	[tilespmem:s25], [sflag:$0x2] =	stream.indirect_vreg.gather [hbm4b:s1+s4], $0x80, v4, vm0, $0xb8;
	[tilespmem:$0x18880] =	vst v63  }
0x529: {  	s24 =	simm.s32 $0xF000  }
0x52a: {  	[tilespmem:s24], [sflag:$0x2] =	stream.indirect_vreg.gather [hbm4b:s1+s4], $0x80, v3, vm0, $0xb8;
	[tilespmem:$0x18880] =	vst v63  }
0x52b: {  	v3 =	vld [tilespmem:$0x6F0];
	_ =	sdelay $0x4  }
0x52c: {  	v47 =	vshll.u32 v3, $0x1  }
0x52d: {  	v3 =	vand.u32 $0x7, v3;
	v4 =	vand.u32 $0xFFFFFFF0, v47  }
0x52e: {  	v3 =	vor.u32 v3, v4  }
0x52f: {  	v4 =	vperm.xlane v3, v0;
	_ =	sdelay $0x1  }
0x530: {  	v3 =	vperm.xlane v3, v2;
	v4 =	vadd.s32 v1, v4;
	_ =	sdelay $0x1  }
0x531: {  	v3 =	vadd.s32 v1, v3;
	_ =	sdelay $0x1  }
0x532: {  	s25 =	simm.s32 $0xF800  }
0x533: {  	[tilespmem:s25], [sflag:$0x2] =	stream.indirect_vreg.gather [hbm4b:s1+s4], $0x80, v4, vm0, $0xb8;
	[tilespmem:$0x18880] =	vst v63  }
0x534: {  	s30 =	simm.s32 $0x10000  }
0x535: {  	[tilespmem:s30], [sflag:$0x2] =	stream.indirect_vreg.gather [hbm4b:s1+s4], $0x80, v3, vm0, $0xb8;
	[tilespmem:$0x18880] =	vst v63  }
0x536: {  	_ =	swait.ge [sflag:s0], $0x8000  }
0x537: {  	[sflag:s0] =	ssyncset.done $0x0  }
0x538: {  	s30 =	rddreg [dreg:$0x13];
	[sflag:s0] =	ssyncadd.s32 $0xFFFF8000  }
0x539: {  	[hbm4b:s30+s4] =	stream.linear.scatter [tilespmem:s26], [sflag:$0x3], $0x8000, $0x38;
	[tilespmem:$0x18880] =	vst v63  }
0x53a: {  	_ =	swait.ge [sflag:s2], $0x8000  }
0x53b: {  	[sflag:s2] =	ssyncset.done $0x0  }
0x53c: {  	[sflag:s2] =	ssyncadd.s32 $0xFFFF8000  }
0x53d: {  	v3 =	vld [tilespmem:$0x700];
	_ =	sdelay $0x4  }
0x53e: {  	v48 =	vshll.u32 v3, $0x1  }
0x53f: {  	v3 =	vand.u32 $0x7, v3;
	v4 =	vand.u32 $0xFFFFFFF0, v48  }
0x540: {  	v3 =	vor.u32 v3, v4  }
0x541: {  	v4 =	vperm.xlane v3, v0;
	_ =	sdelay $0x1  }
0x542: {  	v3 =	vperm.xlane v3, v2;
	v4 =	vadd.s32 v1, v4;
	_ =	sdelay $0x1  }
0x543: {  	v3 =	vadd.s32 v1, v3;
	_ =	sdelay $0x2  }
0x544: {  	[tilespmem:s26], [sflag:$0x1] =	stream.indirect_vreg.gather [hbm4b:s1+s4], $0x80, v4, vm0, $0xb8;
	[tilespmem:$0x18880] =	vst v63  }
0x545: {  	_ = 	snop  }
0x546: {  	[tilespmem:s28], [sflag:$0x1] =	stream.indirect_vreg.gather [hbm4b:s1+s4], $0x80, v3, vm0, $0xb8;
	[tilespmem:$0x18880] =	vst v63  }
0x547: {  	v3 =	vld [tilespmem:$0x710];
	_ =	sdelay $0x4  }
0x548: {  	v49 =	vshll.u32 v3, $0x1  }
0x549: {  	v3 =	vand.u32 $0x7, v3;
	v4 =	vand.u32 $0xFFFFFFF0, v49  }
0x54a: {  	v3 =	vor.u32 v3, v4  }
0x54b: {  	v4 =	vperm.xlane v3, v0;
	_ =	sdelay $0x1  }
0x54c: {  	v3 =	vperm.xlane v3, v2;
	v4 =	vadd.s32 v1, v4;
	_ =	sdelay $0x1  }
0x54d: {  	v3 =	vadd.s32 v1, v3;
	_ =	sdelay $0x1  }
0x54e: {  	s31 =	simm.s32 $0x1800  }
0x54f: {  	[tilespmem:s31], [sflag:$0x1] =	stream.indirect_vreg.gather [hbm4b:s1+s4], $0x80, v4, vm0, $0xb8;
	[tilespmem:$0x18880] =	vst v63  }
0x550: {  	s30 =	simm.s32 $0x2000  }
0x551: {  	[tilespmem:s30], [sflag:$0x1] =	stream.indirect_vreg.gather [hbm4b:s1+s4], $0x80, v3, vm0, $0xb8;
	[tilespmem:$0x18880] =	vst v63  }
0x552: {  	v3 =	vld [tilespmem:$0x720];
	_ =	sdelay $0x4  }
0x553: {  	v50 =	vshll.u32 v3, $0x1  }
0x554: {  	v3 =	vand.u32 $0x7, v3;
	v4 =	vand.u32 $0xFFFFFFF0, v50  }
0x555: {  	v3 =	vor.u32 v3, v4  }
0x556: {  	v4 =	vperm.xlane v3, v0;
	_ =	sdelay $0x1  }
0x557: {  	v3 =	vperm.xlane v3, v2;
	v4 =	vadd.s32 v1, v4;
	_ =	sdelay $0x1  }
0x558: {  	v3 =	vadd.s32 v1, v3;
	_ =	sdelay $0x1  }
0x559: {  	s31 =	simm.s32 $0x2800  }
0x55a: {  	[tilespmem:s31], [sflag:$0x1] =	stream.indirect_vreg.gather [hbm4b:s1+s4], $0x80, v4, vm0, $0xb8;
	[tilespmem:$0x18880] =	vst v63  }
0x55b: {  	s30 =	simm.s32 $0x3000  }
0x55c: {  	[tilespmem:s30], [sflag:$0x1] =	stream.indirect_vreg.gather [hbm4b:s1+s4], $0x80, v3, vm0, $0xb8;
	[tilespmem:$0x18880] =	vst v63  }
0x55d: {  	v3 =	vld [tilespmem:$0x730];
	_ =	sdelay $0x4  }
0x55e: {  	v51 =	vshll.u32 v3, $0x1  }
0x55f: {  	v3 =	vand.u32 $0x7, v3;
	v4 =	vand.u32 $0xFFFFFFF0, v51  }
0x560: {  	v3 =	vor.u32 v3, v4  }
0x561: {  	v4 =	vperm.xlane v3, v0;
	_ =	sdelay $0x1  }
0x562: {  	v3 =	vperm.xlane v3, v2;
	v4 =	vadd.s32 v1, v4;
	_ =	sdelay $0x1  }
0x563: {  	v3 =	vadd.s32 v1, v3;
	_ =	sdelay $0x1  }
0x564: {  	s7 =	simm.s32 $0x3800  }
0x565: {  	[tilespmem:s7], [sflag:$0x1] =	stream.indirect_vreg.gather [hbm4b:s1+s4], $0x80, v4, vm0, $0xb8;
	[tilespmem:$0x18880] =	vst v63  }
0x566: {  	s31 =	simm.s32 $0x4000  }
0x567: {  	[tilespmem:s31], [sflag:$0x1] =	stream.indirect_vreg.gather [hbm4b:s1+s4], $0x80, v3, vm0, $0xb8;
	[tilespmem:$0x18880] =	vst v63  }
0x568: {  	v3 =	vld [tilespmem:$0x740];
	_ =	sdelay $0x4  }
0x569: {  	v52 =	vshll.u32 v3, $0x1  }
0x56a: {  	v3 =	vand.u32 $0x7, v3;
	v4 =	vand.u32 $0xFFFFFFF0, v52  }
0x56b: {  	v3 =	vor.u32 v3, v4  }
0x56c: {  	v4 =	vperm.xlane v3, v0;
	_ =	sdelay $0x1  }
0x56d: {  	v3 =	vperm.xlane v3, v2;
	v4 =	vadd.s32 v1, v4;
	_ =	sdelay $0x1  }
0x56e: {  	v3 =	vadd.s32 v1, v3;
	_ =	sdelay $0x1  }
0x56f: {  	s8 =	simm.s32 $0x4800  }
0x570: {  	[tilespmem:s8], [sflag:$0x1] =	stream.indirect_vreg.gather [hbm4b:s1+s4], $0x80, v4, vm0, $0xb8;
	[tilespmem:$0x18880] =	vst v63  }
0x571: {  	s8 =	simm.s32 $0x5000  }
0x572: {  	[tilespmem:s8], [sflag:$0x1] =	stream.indirect_vreg.gather [hbm4b:s1+s4], $0x80, v3, vm0, $0xb8;
	[tilespmem:$0x18880] =	vst v63  }
0x573: {  	v3 =	vld [tilespmem:$0x750];
	_ =	sdelay $0x4  }
0x574: {  	v53 =	vshll.u32 v3, $0x1  }
0x575: {  	v3 =	vand.u32 $0x7, v3;
	v4 =	vand.u32 $0xFFFFFFF0, v53  }
0x576: {  	v3 =	vor.u32 v3, v4  }
0x577: {  	v4 =	vperm.xlane v3, v0;
	_ =	sdelay $0x1  }
0x578: {  	v3 =	vperm.xlane v3, v2;
	v4 =	vadd.s32 v1, v4;
	_ =	sdelay $0x1  }
0x579: {  	v3 =	vadd.s32 v1, v3;
	_ =	sdelay $0x1  }
0x57a: {  	s9 =	simm.s32 $0x5800  }
0x57b: {  	[tilespmem:s9], [sflag:$0x1] =	stream.indirect_vreg.gather [hbm4b:s1+s4], $0x80, v4, vm0, $0xb8;
	[tilespmem:$0x18880] =	vst v63  }
0x57c: {  	s11 =	simm.s32 $0x6000  }
0x57d: {  	[tilespmem:s11], [sflag:$0x1] =	stream.indirect_vreg.gather [hbm4b:s1+s4], $0x80, v3, vm0, $0xb8;
	[tilespmem:$0x18880] =	vst v63  }
0x57e: {  	v3 =	vld [tilespmem:$0x760];
	_ =	sdelay $0x4  }
0x57f: {  	v54 =	vshll.u32 v3, $0x1  }
0x580: {  	v3 =	vand.u32 $0x7, v3;
	v4 =	vand.u32 $0xFFFFFFF0, v54  }
0x581: {  	v3 =	vor.u32 v3, v4  }
0x582: {  	v4 =	vperm.xlane v3, v0;
	_ =	sdelay $0x1  }
0x583: {  	v3 =	vperm.xlane v3, v2;
	v4 =	vadd.s32 v1, v4;
	_ =	sdelay $0x1  }
0x584: {  	v3 =	vadd.s32 v1, v3;
	_ =	sdelay $0x1  }
0x585: {  	s12 =	simm.s32 $0x6800  }
0x586: {  	[tilespmem:s12], [sflag:$0x1] =	stream.indirect_vreg.gather [hbm4b:s1+s4], $0x80, v4, vm0, $0xb8;
	[tilespmem:$0x18880] =	vst v63  }
0x587: {  	s12 =	simm.s32 $0x7000  }
0x588: {  	[tilespmem:s12], [sflag:$0x1] =	stream.indirect_vreg.gather [hbm4b:s1+s4], $0x80, v3, vm0, $0xb8;
	[tilespmem:$0x18880] =	vst v63  }
0x589: {  	v3 =	vld [tilespmem:$0x770];
	_ =	sdelay $0x4  }
0x58a: {  	v55 =	vshll.u32 v3, $0x1  }
0x58b: {  	v3 =	vand.u32 $0x7, v3;
	v4 =	vand.u32 $0xFFFFFFF0, v55  }
0x58c: {  	v3 =	vor.u32 v3, v4  }
0x58d: {  	v4 =	vperm.xlane v3, v0;
	_ =	sdelay $0x1  }
0x58e: {  	v3 =	vperm.xlane v3, v2;
	v4 =	vadd.s32 v1, v4;
	_ =	sdelay $0x1  }
0x58f: {  	v3 =	vadd.s32 v1, v3;
	_ =	sdelay $0x1  }
0x590: {  	s13 =	simm.s32 $0x7800  }
0x591: {  	[tilespmem:s13], [sflag:$0x1] =	stream.indirect_vreg.gather [hbm4b:s1+s4], $0x80, v4, vm0, $0xb8;
	[tilespmem:$0x18880] =	vst v63  }
0x592: {  	s14 =	simm.s32 $0x8000  }
0x593: {  	[tilespmem:s14], [sflag:$0x1] =	stream.indirect_vreg.gather [hbm4b:s1+s4], $0x80, v3, vm0, $0xb8;
	[tilespmem:$0x18880] =	vst v63  }
0x594: {  	_ =	swait.ge [sflag:s5], $0x8000  }
0x595: {  	[sflag:s5] =	ssyncset.done $0x0  }
0x596: {  	s13 =	rddreg [dreg:$0x14];
	[sflag:s5] =	ssyncadd.s32 $0xFFFF8000  }
0x597: {  	[hbm4b:s13+s4] =	stream.linear.scatter [tilespmem:s15], [sflag:$0x4], $0x8000, $0x38;
	[tilespmem:$0x18880] =	vst v63  }
0x598: {  	_ =	swait.ge [sflag:s6], $0x8000  }
0x599: {  	[sflag:s6] =	ssyncset.done $0x0  }
0x59a: {  	[sflag:s6] =	ssyncadd.s32 $0xFFFF8000  }
0x59b: {  	v3 =	vld [tilespmem:$0x780];
	_ =	sdelay $0x4  }
0x59c: {  	v56 =	vshll.u32 v3, $0x1  }
0x59d: {  	v3 =	vand.u32 $0x7, v3;
	v4 =	vand.u32 $0xFFFFFFF0, v56  }
0x59e: {  	v3 =	vor.u32 v3, v4  }
0x59f: {  	v4 =	vperm.xlane v3, v0;
	_ =	sdelay $0x1  }
0x5a0: {  	v3 =	vperm.xlane v3, v2;
	v4 =	vadd.s32 v1, v4;
	_ =	sdelay $0x1  }
0x5a1: {  	v3 =	vadd.s32 v1, v3;
	_ =	sdelay $0x2  }
0x5a2: {  	[tilespmem:s15], [sflag:$0x2] =	stream.indirect_vreg.gather [hbm4b:s1+s4], $0x80, v4, vm0, $0xb8;
	[tilespmem:$0x18880] =	vst v63  }
0x5a3: {  	s14 =	simm.s32 $0x9000  }
0x5a4: {  	[tilespmem:s14], [sflag:$0x2] =	stream.indirect_vreg.gather [hbm4b:s1+s4], $0x80, v3, vm0, $0xb8;
	[tilespmem:$0x18880] =	vst v63  }
0x5a5: {  	v3 =	vld [tilespmem:$0x790];
	_ =	sdelay $0x4  }
0x5a6: {  	v57 =	vshll.u32 v3, $0x1  }
0x5a7: {  	v3 =	vand.u32 $0x7, v3;
	v4 =	vand.u32 $0xFFFFFFF0, v57  }
0x5a8: {  	v3 =	vor.u32 v3, v4  }
0x5a9: {  	v4 =	vperm.xlane v3, v0;
	_ =	sdelay $0x1  }
0x5aa: {  	v3 =	vperm.xlane v3, v2;
	v4 =	vadd.s32 v1, v4;
	_ =	sdelay $0x1  }
0x5ab: {  	v3 =	vadd.s32 v1, v3;
	_ =	sdelay $0x1  }
0x5ac: {  	s16 =	simm.s32 $0x9800  }
0x5ad: {  	[tilespmem:s16], [sflag:$0x2] =	stream.indirect_vreg.gather [hbm4b:s1+s4], $0x80, v4, vm0, $0xb8;
	[tilespmem:$0x18880] =	vst v63  }
0x5ae: {  	s16 =	simm.s32 $0xA000  }
0x5af: {  	[tilespmem:s16], [sflag:$0x2] =	stream.indirect_vreg.gather [hbm4b:s1+s4], $0x80, v3, vm0, $0xb8;
	[tilespmem:$0x18880] =	vst v63  }
0x5b0: {  	v3 =	vld [tilespmem:$0x7A0];
	_ =	sdelay $0x4  }
0x5b1: {  	v58 =	vshll.u32 v3, $0x1  }
0x5b2: {  	v3 =	vand.u32 $0x7, v3;
	v4 =	vand.u32 $0xFFFFFFF0, v58  }
0x5b3: {  	v3 =	vor.u32 v3, v4  }
0x5b4: {  	v4 =	vperm.xlane v3, v0;
	_ =	sdelay $0x1  }
0x5b5: {  	v3 =	vperm.xlane v3, v2;
	v4 =	vadd.s32 v1, v4;
	_ =	sdelay $0x1  }
0x5b6: {  	v3 =	vadd.s32 v1, v3;
	_ =	sdelay $0x1  }
0x5b7: {  	s17 =	simm.s32 $0xA800  }
0x5b8: {  	[tilespmem:s17], [sflag:$0x2] =	stream.indirect_vreg.gather [hbm4b:s1+s4], $0x80, v4, vm0, $0xb8;
	[tilespmem:$0x18880] =	vst v63  }
0x5b9: {  	s19 =	simm.s32 $0xB000  }
0x5ba: {  	[tilespmem:s19], [sflag:$0x2] =	stream.indirect_vreg.gather [hbm4b:s1+s4], $0x80, v3, vm0, $0xb8;
	[tilespmem:$0x18880] =	vst v63  }
0x5bb: {  	v3 =	vld [tilespmem:$0x7B0];
	_ =	sdelay $0x4  }
0x5bc: {  	v59 =	vshll.u32 v3, $0x1  }
0x5bd: {  	v3 =	vand.u32 $0x7, v3;
	v4 =	vand.u32 $0xFFFFFFF0, v59  }
0x5be: {  	v3 =	vor.u32 v3, v4  }
0x5bf: {  	v4 =	vperm.xlane v3, v0;
	_ =	sdelay $0x1  }
0x5c0: {  	v3 =	vperm.xlane v3, v2;
	v4 =	vadd.s32 v1, v4;
	_ =	sdelay $0x1  }
0x5c1: {  	v3 =	vadd.s32 v1, v3;
	_ =	sdelay $0x1  }
0x5c2: {  	s3 =	simm.s32 $0xB800  }
0x5c3: {  	[tilespmem:s3], [sflag:$0x2] =	stream.indirect_vreg.gather [hbm4b:s1+s4], $0x80, v4, vm0, $0xb8;
	[tilespmem:$0x18880] =	vst v63  }
0x5c4: {  	s21 =	simm.s32 $0xC000  }
0x5c5: {  	[tilespmem:s21], [sflag:$0x2] =	stream.indirect_vreg.gather [hbm4b:s1+s4], $0x80, v3, vm0, $0xb8;
	[tilespmem:$0x18880] =	vst v63  }
0x5c6: {  	v3 =	vld [tilespmem:$0x7C0];
	_ =	sdelay $0x4  }
0x5c7: {  	v60 =	vshll.u32 v3, $0x1  }
0x5c8: {  	v3 =	vand.u32 $0x7, v3;
	v4 =	vand.u32 $0xFFFFFFF0, v60  }
0x5c9: {  	v3 =	vor.u32 v3, v4  }
0x5ca: {  	v4 =	vperm.xlane v3, v0;
	_ =	sdelay $0x1  }
0x5cb: {  	v3 =	vperm.xlane v3, v2;
	v4 =	vadd.s32 v1, v4;
	_ =	sdelay $0x1  }
0x5cc: {  	v3 =	vadd.s32 v1, v3;
	_ =	sdelay $0x1  }
0x5cd: {  	s22 =	simm.s32 $0xC800  }
0x5ce: {  	[tilespmem:s22], [sflag:$0x2] =	stream.indirect_vreg.gather [hbm4b:s1+s4], $0x80, v4, vm0, $0xb8;
	[tilespmem:$0x18880] =	vst v63  }
0x5cf: {  	s29 =	simm.s32 $0xD000  }
0x5d0: {  	[tilespmem:s29], [sflag:$0x2] =	stream.indirect_vreg.gather [hbm4b:s1+s4], $0x80, v3, vm0, $0xb8;
	[tilespmem:$0x18880] =	vst v63  }
0x5d1: {  	v3 =	vld [tilespmem:$0x7D0];
	_ =	sdelay $0x4  }
0x5d2: {  	v61 =	vshll.u32 v3, $0x1  }
0x5d3: {  	v3 =	vand.u32 $0x7, v3;
	v4 =	vand.u32 $0xFFFFFFF0, v61  }
0x5d4: {  	v3 =	vor.u32 v3, v4  }
0x5d5: {  	v4 =	vperm.xlane v3, v0;
	_ =	sdelay $0x1  }
0x5d6: {  	v3 =	vperm.xlane v3, v2;
	v4 =	vadd.s32 v1, v4;
	_ =	sdelay $0x1  }
0x5d7: {  	v3 =	vadd.s32 v1, v3;
	_ =	sdelay $0x1  }
0x5d8: {  	s20 =	simm.s32 $0xD800  }
0x5d9: {  	[tilespmem:s20], [sflag:$0x2] =	stream.indirect_vreg.gather [hbm4b:s1+s4], $0x80, v4, vm0, $0xb8;
	[tilespmem:$0x18880] =	vst v63  }
0x5da: {  	s18 =	simm.s32 $0xE000  }
0x5db: {  	[tilespmem:s18], [sflag:$0x2] =	stream.indirect_vreg.gather [hbm4b:s1+s4], $0x80, v3, vm0, $0xb8;
	[tilespmem:$0x18880] =	vst v63  }
0x5dc: {  	v3 =	vld [tilespmem:$0x7E0];
	_ =	sdelay $0x4  }
0x5dd: {  	v62 =	vshll.u32 v3, $0x1  }
0x5de: {  	v3 =	vand.u32 $0x7, v3;
	v4 =	vand.u32 $0xFFFFFFF0, v62  }
0x5df: {  	v3 =	vor.u32 v3, v4  }
0x5e0: {  	v4 =	vperm.xlane v3, v0;
	_ =	sdelay $0x1  }
0x5e1: {  	v3 =	vperm.xlane v3, v2;
	v4 =	vadd.s32 v1, v4;
	_ =	sdelay $0x1  }
0x5e2: {  	v3 =	vadd.s32 v1, v3;
	_ =	sdelay $0x1  }
0x5e3: {  	s23 =	simm.s32 $0xE800  }
0x5e4: {  	[tilespmem:s23], [sflag:$0x2] =	stream.indirect_vreg.gather [hbm4b:s1+s4], $0x80, v4, vm0, $0xb8;
	[tilespmem:$0x18880] =	vst v63  }
0x5e5: {  	s10 =	simm.s32 $0xF000  }
0x5e6: {  	[tilespmem:s10], [sflag:$0x2] =	stream.indirect_vreg.gather [hbm4b:s1+s4], $0x80, v3, vm0, $0xb8;
	[tilespmem:$0x18880] =	vst v63  }
0x5e7: {  	v3 =	vld [tilespmem:$0x7F0];
	_ =	sdelay $0x4  }
0x5e8: {  	v63 =	vshll.u32 v3, $0x1  }
0x5e9: {  	v3 =	vand.u32 $0x7, v3;
	v4 =	vand.u32 $0xFFFFFFF0, v63  }
0x5ea: {  	v3 =	vor.u32 v3, v4  }
0x5eb: {  	v4 =	vperm.xlane v3, v0;
	_ =	sdelay $0x1  }
0x5ec: {  	v3 =	vperm.xlane v3, v2;
	v4 =	vadd.s32 v1, v4;
	_ =	sdelay $0x1  }
0x5ed: {  	v3 =	vadd.s32 v1, v3;
	_ =	sdelay $0x1  }
0x5ee: {  	s25 =	simm.s32 $0xF800  }
0x5ef: {  	[tilespmem:s25], [sflag:$0x2] =	stream.indirect_vreg.gather [hbm4b:s1+s4], $0x80, v4, vm0, $0xb8;
	[tilespmem:$0x18880] =	vst v63  }
0x5f0: {  	s24 =	simm.s32 $0x10000  }
0x5f1: {  	[tilespmem:s24], [sflag:$0x2] =	stream.indirect_vreg.gather [hbm4b:s1+s4], $0x80, v3, vm0, $0xb8;
	[tilespmem:$0x18880] =	vst v63  }
0x5f2: {  	_ =	swait.ge [sflag:s0], $0x8000  }
0x5f3: {  	[sflag:s0] =	ssyncset.done $0x0  }
0x5f4: {  	s30 =	rddreg [dreg:$0x15];
	[sflag:s0] =	ssyncadd.s32 $0xFFFF8000  }
0x5f5: {  	[hbm4b:s30+s4] =	stream.linear.scatter [tilespmem:s26], [sflag:$0x3], $0x8000, $0x38;
	[tilespmem:$0x18880] =	vst v63  }
0x5f6: {  	_ =	swait.ge [sflag:s5], $0x8000  }
0x5f7: {  	[sflag:s5] =	ssyncset.done $0x0  }
0x5f8: {  	s31 =	rddreg [dreg:$0x16];
	[sflag:s5] =	ssyncadd.s32 $0xFFFF8000  }
0x5f9: {  	[hbm4b:s31+s4] =	stream.linear.scatter [tilespmem:s15], [sflag:$0x4], $0x8000, $0x38;
	[tilespmem:$0x18880] =	vst v63  }
0x5fa: {  	_ =	swait.ge [sflag:s2], $0x8000  }
.Ltmp2:
0x5fb: {  	[sflag:s2] =	ssyncset.done $0x0;
	(pc) =	sbr.rel @p0 .LBB2_3-.Ltmp2, $4  }
0x5fc: {  	[sflag:s2] =	ssyncadd.s32 $0xFFFF8000  }
0x5fd: {  	_ =	swait.ge [sflag:s6], $0x8000  }
0x5fe: {  	[sflag:s6] =	ssyncset.done $0x0  }
0x5ff: {  	[sflag:s6] =	ssyncadd.s32 $0xFFFF8000  }
0x600: {  	s28 =	simm.s32 $0x6;
	s7 =	rddreg [dreg:$0x5];
	s3 =	simm.s32 $0x10800  }
0x601: {  	[tilespmem:s3], [sflag:$0x6] =	stream.linear.gather [hbm4b:s7+s4], $0x80, $0x38;
	[tilespmem:$0x18880] =	vst v63  }
0x602: {  	_ =	swait.ge [sflag:s28], $0x80  }
0x603: {  	[sflag:s28] =	ssyncset.done $0x0  }
0x604: {  	[sflag:s28] =	ssyncadd.s32 $0xFFFFFF80  }
0x605: {  	v3 =	vld [tilespmem:$0x10800];
	_ =	sdelay $0x4  }
0x606: {  	v4 =	vshll.u32 v3, $0x1  }
0x607: {  	v3 =	vand.u32 $0x7, v3;
	v4 =	vand.u32 $0xFFFFFFF0, v4  }
0x608: {  	v3 =	vor.u32 v3, v4  }
0x609: {  	v4 =	vperm.xlane v3, v0;
	_ =	sdelay $0x1  }
0x60a: {  	v3 =	vperm.xlane v3, v2;
	v4 =	vadd.s32 v1, v4;
	_ =	sdelay $0x1  }
0x60b: {  	v3 =	vadd.s32 v1, v3;
	_ =	sdelay $0x1  }
0x60c: {  	s10 =	simm.s32 $0x10880;
	s9 =	rddreg [dreg:$0x2]  }
0x60d: {  	[tilespmem:s10], [sflag:$0x5] =	stream.indirect_vreg.gather [hbm4b:s9+s4], $0x80, v4, vm0, $0xb8;
	[tilespmem:$0x18880] =	vst v63  }
0x60e: {  	s8 =	simm.s32 $0x11080  }
0x60f: {  	[tilespmem:s8], [sflag:$0x5] =	stream.indirect_vreg.gather [hbm4b:s9+s4], $0x80, v3, vm0, $0xb8;
	[tilespmem:$0x18880] =	vst v63  }
0x610: {  	v3 =	vld [tilespmem:$0x10810];
	_ =	sdelay $0x4  }
0x611: {  	v57 =	vshll.u32 v3, $0x1  }
0x612: {  	v3 =	vand.u32 $0x7, v3;
	v4 =	vand.u32 $0xFFFFFFF0, v57  }
0x613: {  	v3 =	vor.u32 v3, v4  }
0x614: {  	v4 =	vperm.xlane v3, v0;
	_ =	sdelay $0x1  }
0x615: {  	v3 =	vperm.xlane v3, v2;
	v4 =	vadd.s32 v1, v4;
	_ =	sdelay $0x1  }
0x616: {  	v3 =	vadd.s32 v1, v3;
	_ =	sdelay $0x1  }
0x617: {  	s11 =	simm.s32 $0x11880  }
0x618: {  	[tilespmem:s11], [sflag:$0x5] =	stream.indirect_vreg.gather [hbm4b:s9+s4], $0x80, v4, vm0, $0xb8;
	[tilespmem:$0x18880] =	vst v63  }
0x619: {  	s12 =	simm.s32 $0x12080  }
0x61a: {  	[tilespmem:s12], [sflag:$0x5] =	stream.indirect_vreg.gather [hbm4b:s9+s4], $0x80, v3, vm0, $0xb8;
	[tilespmem:$0x18880] =	vst v63  }
0x61b: {  	v3 =	vld [tilespmem:$0x10820];
	_ =	sdelay $0x4  }
0x61c: {  	v58 =	vshll.u32 v3, $0x1  }
0x61d: {  	v3 =	vand.u32 $0x7, v3;
	v4 =	vand.u32 $0xFFFFFFF0, v58  }
0x61e: {  	v3 =	vor.u32 v3, v4  }
0x61f: {  	v4 =	vperm.xlane v3, v0;
	_ =	sdelay $0x1  }
0x620: {  	v3 =	vperm.xlane v3, v2;
	v4 =	vadd.s32 v1, v4;
	_ =	sdelay $0x1  }
0x621: {  	v3 =	vadd.s32 v1, v3;
	_ =	sdelay $0x1  }
0x622: {  	s13 =	simm.s32 $0x12880  }
0x623: {  	[tilespmem:s13], [sflag:$0x5] =	stream.indirect_vreg.gather [hbm4b:s9+s4], $0x80, v4, vm0, $0xb8;
	[tilespmem:$0x18880] =	vst v63  }
0x624: {  	s14 =	simm.s32 $0x13080  }
0x625: {  	[tilespmem:s14], [sflag:$0x5] =	stream.indirect_vreg.gather [hbm4b:s9+s4], $0x80, v3, vm0, $0xb8;
	[tilespmem:$0x18880] =	vst v63  }
0x626: {  	v3 =	vld [tilespmem:$0x10830];
	_ =	sdelay $0x4  }
0x627: {  	v59 =	vshll.u32 v3, $0x1  }
0x628: {  	v3 =	vand.u32 $0x7, v3;
	v4 =	vand.u32 $0xFFFFFFF0, v59  }
0x629: {  	v3 =	vor.u32 v3, v4  }
0x62a: {  	v4 =	vperm.xlane v3, v0;
	_ =	sdelay $0x1  }
0x62b: {  	v3 =	vperm.xlane v3, v2;
	v4 =	vadd.s32 v1, v4;
	_ =	sdelay $0x1  }
0x62c: {  	v3 =	vadd.s32 v1, v3;
	_ =	sdelay $0x1  }
0x62d: {  	s16 =	simm.s32 $0x13880  }
0x62e: {  	[tilespmem:s16], [sflag:$0x5] =	stream.indirect_vreg.gather [hbm4b:s9+s4], $0x80, v4, vm0, $0xb8;
	[tilespmem:$0x18880] =	vst v63  }
0x62f: {  	s17 =	simm.s32 $0x14080  }
0x630: {  	[tilespmem:s17], [sflag:$0x5] =	stream.indirect_vreg.gather [hbm4b:s9+s4], $0x80, v3, vm0, $0xb8;
	[tilespmem:$0x18880] =	vst v63  }
0x631: {  	v3 =	vld [tilespmem:$0x10840];
	_ =	sdelay $0x4  }
0x632: {  	v60 =	vshll.u32 v3, $0x1  }
0x633: {  	v3 =	vand.u32 $0x7, v3;
	v4 =	vand.u32 $0xFFFFFFF0, v60  }
0x634: {  	v3 =	vor.u32 v3, v4  }
0x635: {  	v4 =	vperm.xlane v3, v0;
	_ =	sdelay $0x1  }
0x636: {  	v3 =	vperm.xlane v3, v2;
	v4 =	vadd.s32 v1, v4;
	_ =	sdelay $0x1  }
0x637: {  	v3 =	vadd.s32 v1, v3;
	_ =	sdelay $0x1  }
0x638: {  	s18 =	simm.s32 $0x14880  }
0x639: {  	[tilespmem:s18], [sflag:$0x5] =	stream.indirect_vreg.gather [hbm4b:s9+s4], $0x80, v4, vm0, $0xb8;
	[tilespmem:$0x18880] =	vst v63  }
0x63a: {  	s19 =	simm.s32 $0x15080  }
0x63b: {  	[tilespmem:s19], [sflag:$0x5] =	stream.indirect_vreg.gather [hbm4b:s9+s4], $0x80, v3, vm0, $0xb8;
	[tilespmem:$0x18880] =	vst v63  }
0x63c: {  	v3 =	vld [tilespmem:$0x10850];
	_ =	sdelay $0x4  }
0x63d: {  	v61 =	vshll.u32 v3, $0x1  }
0x63e: {  	v3 =	vand.u32 $0x7, v3;
	v4 =	vand.u32 $0xFFFFFFF0, v61  }
0x63f: {  	v3 =	vor.u32 v3, v4  }
0x640: {  	v4 =	vperm.xlane v3, v0;
	_ =	sdelay $0x1  }
0x641: {  	v3 =	vperm.xlane v3, v2;
	v4 =	vadd.s32 v1, v4;
	_ =	sdelay $0x1  }
0x642: {  	v3 =	vadd.s32 v1, v3;
	_ =	sdelay $0x1  }
0x643: {  	s20 =	simm.s32 $0x15880  }
0x644: {  	[tilespmem:s20], [sflag:$0x5] =	stream.indirect_vreg.gather [hbm4b:s9+s4], $0x80, v4, vm0, $0xb8;
	[tilespmem:$0x18880] =	vst v63  }
0x645: {  	s21 =	simm.s32 $0x16080  }
0x646: {  	[tilespmem:s21], [sflag:$0x5] =	stream.indirect_vreg.gather [hbm4b:s9+s4], $0x80, v3, vm0, $0xb8;
	[tilespmem:$0x18880] =	vst v63  }
0x647: {  	v3 =	vld [tilespmem:$0x10860];
	_ =	sdelay $0x4  }
0x648: {  	v62 =	vshll.u32 v3, $0x1  }
0x649: {  	v3 =	vand.u32 $0x7, v3;
	v4 =	vand.u32 $0xFFFFFFF0, v62  }
0x64a: {  	v3 =	vor.u32 v3, v4  }
0x64b: {  	v4 =	vperm.xlane v3, v0;
	_ =	sdelay $0x1  }
0x64c: {  	v3 =	vperm.xlane v3, v2;
	v4 =	vadd.s32 v1, v4;
	_ =	sdelay $0x1  }
0x64d: {  	v3 =	vadd.s32 v1, v3;
	_ =	sdelay $0x1  }
0x64e: {  	s22 =	simm.s32 $0x16880  }
0x64f: {  	[tilespmem:s22], [sflag:$0x5] =	stream.indirect_vreg.gather [hbm4b:s9+s4], $0x80, v4, vm0, $0xb8;
	[tilespmem:$0x18880] =	vst v63  }
0x650: {  	s23 =	simm.s32 $0x17080  }
0x651: {  	[tilespmem:s23], [sflag:$0x5] =	stream.indirect_vreg.gather [hbm4b:s9+s4], $0x80, v3, vm0, $0xb8;
	[tilespmem:$0x18880] =	vst v63  }
0x652: {  	v3 =	vld [tilespmem:$0x10870];
	_ =	sdelay $0x4  }
0x653: {  	v63 =	vshll.u32 v3, $0x1  }
0x654: {  	v3 =	vand.u32 $0x7, v3;
	v4 =	vand.u32 $0xFFFFFFF0, v63  }
0x655: {  	v3 =	vor.u32 v3, v4  }
0x656: {  	v4 =	vperm.xlane v3, v0;
	_ =	sdelay $0x1  }
0x657: {  	v3 =	vperm.xlane v3, v2;
	v4 =	vadd.s32 v1, v4;
	_ =	sdelay $0x1  }
0x658: {  	v3 =	vadd.s32 v1, v3;
	_ =	sdelay $0x1  }
0x659: {  	s24 =	simm.s32 $0x17880  }
0x65a: {  	[tilespmem:s24], [sflag:$0x5] =	stream.indirect_vreg.gather [hbm4b:s9+s4], $0x80, v4, vm0, $0xb8;
	[tilespmem:$0x18880] =	vst v63  }
0x65b: {  	s25 =	simm.s32 $0x18080;
	s29 =	simm.s32 $0x5  }
0x65c: {  	[tilespmem:s25], [sflag:$0x5] =	stream.indirect_vreg.gather [hbm4b:s9+s4], $0x80, v3, vm0, $0xb8;
	[tilespmem:$0x18880] =	vst v63  }
0x65d: {  	_ =	swait.ge [sflag:s29], $0x8000  }
0x65e: {  	s31 =	simm.s32 $0x6;
	[sflag:s29] =	ssyncset.done $0x0  }
.Ltmp3:
0x65f: {  	s30 =	rddreg [dreg:$0x6];
	[sflag:s29] =	ssyncadd.s32 $0xFFFF8000;
	(pc) =	sbr.rel .LBB2_3-.Ltmp3, $4  }
0x660: {  	[hbm4b:s30+s4] =	stream.linear.scatter [tilespmem:s10], [sflag:$0x6], $0x8000, $0x38;
	[tilespmem:$0x18880] =	vst v63  }
0x661: {  	_ =	swait.ge [sflag:s31], $0x8000  }
0x662: {  	[sflag:s31] =	ssyncset.done $0x0  }
0x663: {  	s28 =	simm.s32 $0x1000;
	[sflag:s31] =	ssyncadd.s32 $0xFFFF8000  }
.LBB2_4:
0x664: {  	_ =	sfence.sel $0x180000  }
0x665: {  	[bflag:$0x0] =	sbarrier.arrive $0xFFFF  }
0x666: {  	_ =	strace $0x90000047  }
0x667: {  	s0 =	stileid.u32;
	[bflag:$0x2] =	sbarrier.arrive $0xFFFF  }
0x668: {  	p0 =	sne.s32 s0, $0x0;
	s0 =	rddreg [dreg:$0x4]  }
0x669: {  	s0 =	sadd.s32 @!p0 $0x100000, s0  }
0x66a: {  	[sflag:s0] =	ssyncadd.tile.s32 @!p0 $0x1;
	_ =	shalt  }
.Lfunc_end2:
_tile_overlayer_lowered:
.L_overlay_start_2:
0x66b: {  	(tag) =	ssettag $0x2  }
0x66c: {  	s0 =	rddreg [dreg:$0x0];
	s2 =	stileid.u32  }
0x66d: {  	s1 =	rddreg [dreg:$0x1];
	p0 =	sne.s32 s2, $0x0  }
0x66e: {  	s3 =	rddreg [dreg:$0x2];
	[bflag:$0x3] =	sbarrier.arrive $0xFFFF;
	s2 =	simm.s32 @!p0 $0x1C06  }
0x66f: {  	[timem:s3], [sflag:s2] =	dma.local @!p0 [hbm:s0], s1  }
0x670: {  	s0 =	simm.s32 @!p0 $0x6  }
0x671: {  	_ =	swait.ge @!p0 [sflag:s0], s1  }
0x672: {  	s1 =	ssub.s32 @!p0 $0x0, s1;
	[sflag:s0] =	ssyncset.done @!p0 $0x0  }
0x673: {  	[sflag:s0] =	ssyncadd.s32 @!p0 s1  }
0x674: {  	[bflag:$0x3] =	sbarrier.arrive $0xFFFF  }
0x675: {  	_ =	shalt  }

</sc_bundles>
